<compile_context>
chip_gen: v7x
topology: tpu7x:2x2x1
jax: 0.10.2.dev20260603
libtpu: 0.0.44.dev20260713+nightly
codegen_flags: <defaults>
</compile_context>

<pallas_src>
import functools

import jax
import jax.numpy as jnp
from jax import lax
from jax.experimental import pallas as pl
from jax.experimental.pallas import tpu as pltpu
from jax.experimental.pallas import tpu_sc as plsc

NN = 10000
EE = 160000
DD = 256
GG = 128

NC = 2
NS = 16

HALF = 5120
NP = NC * HALF
ROWS = HALF // NS
DUMP = HALF

EPS = EE // NS
K = 80
NCHUNK = EPS // K
NV = K // 16

DEGW = 16

R = 320
NBLK = NP // R

_mesh = plsc.VectorSubcoreMesh(core_axis_name="c", subcore_axis_name="s")


def _mask_chunk(dstv, locv, base, nv=NV):
    for t in range(nv):
        d = dstv[pl.ds(16 * t, 16)]
        ok = (d >= base) & (d < base + HALF)
        locv[pl.ds(16 * t, 16)] = jnp.where(ok, d - base, DUMP)


KD = 400
NCHUNKD = EPS // KD
NVD = KD // 16


@functools.partial(
    pl.kernel,
    out_type=jax.ShapeDtypeStruct((NP, DEGW), jnp.float32),
    mesh=_mesh,
    scratch_types=[
        pltpu.VMEM_SHARED((HALF + 8, DEGW), jnp.float32),
        pltpu.VMEM((KD,), jnp.int32),
        pltpu.VMEM((KD,), jnp.int32),
        pltpu.VMEM((KD, DEGW), jnp.float32),
    ],
    compiler_params=pltpu.CompilerParams(use_tc_tiling_on_sc=False),
)
def _deg_kernel(dst_hbm, ones_hbm, deg_hbm, acc, dstv, locv, onesv):
    c = lax.axis_index("c")
    s = lax.axis_index("s")
    base = c * HALF

    pltpu.sync_copy(ones_hbm.at[pl.ds(0, KD)], onesv)
    pltpu.sync_copy(ones_hbm.at[pl.ds(0, ROWS)],
                    acc.at[pl.ds(s * ROWS, ROWS)])

    @pl.when(s == 0)
    def _():
        pltpu.sync_copy(ones_hbm.at[pl.ds(0, 8)], acc.at[pl.ds(HALF, 8)])

    plsc.subcore_barrier()

    @pl.loop(0, NCHUNKD)
    def _(j):
        off = pl.multiple_of(s * EPS + j * KD, 8)
        pltpu.sync_copy(dst_hbm.at[pl.ds(off, KD)], dstv)
        _mask_chunk(dstv, locv, base, NVD)
        pltpu.sync_copy(onesv, acc.at[locv], add=True)

    plsc.subcore_barrier()
    pltpu.sync_copy(acc.at[pl.ds(s * ROWS, ROWS)],
                    deg_hbm.at[pl.ds(base + s * ROWS, ROWS)])


@functools.partial(
    pl.kernel,
    out_type=jax.ShapeDtypeStruct((NP, DD), jnp.float32),
    mesh=_mesh,
    scratch_types=[
        pltpu.VMEM_SHARED((HALF + 8, DD), jnp.float32),
        pltpu.VMEM((K,), jnp.int32),
        pltpu.VMEM((K,), jnp.int32),
        pltpu.VMEM((K,), jnp.int32),
        pltpu.VMEM((K,), jnp.int32),
        pltpu.VMEM((K,), jnp.int32),
        pltpu.VMEM((K, DD), jnp.float32),
        pltpu.VMEM((K, DD), jnp.float32),
        pltpu.SemaphoreType.DMA,
        pltpu.SemaphoreType.DMA,
    ],
    compiler_params=pltpu.CompilerParams(use_tc_tiling_on_sc=False),
)
def _scatter_kernel(src_hbm, dst_hbm, hs_hbm, out_hbm,
                    acc, srcv0, srcv1, dstv0, dstv1, locv,
                    rowsv0, rowsv1, sem0, sem1):
    c = lax.axis_index("c")
    s = lax.axis_index("s")
    base = c * HALF

    pltpu.sync_copy(hs_hbm.at[pl.ds(base + s * ROWS, ROWS)],
                    acc.at[pl.ds(s * ROWS, ROWS)])

    @pl.when(s == 0)
    def _():
        pltpu.sync_copy(hs_hbm.at[pl.ds(0, 8)], acc.at[pl.ds(HALF, 8)])

    plsc.subcore_barrier()

    def fetch(t, srcv, dstv, rowsv, sem):
        off = pl.multiple_of(s * EPS + t * K, 8)
        pltpu.sync_copy(src_hbm.at[pl.ds(off, K)], srcv)
        pltpu.sync_copy(dst_hbm.at[pl.ds(off, K)], dstv)
        return pltpu.async_copy(hs_hbm.at[srcv], rowsv, sem)

    def consume(dstv, rowsv, cp):
        cp.wait()
        _mask_chunk(dstv, locv, base)
        pltpu.sync_copy(rowsv, acc.at[locv], add=True)

    fetch(0, srcv0, dstv0, rowsv0, sem0)

    @pl.loop(0, (NCHUNK - 1) // 2)
    def _(j):
        t = j * 2
        cp1 = fetch(t + 1, srcv1, dstv1, rowsv1, sem1)
        consume(dstv0, rowsv0, pltpu.make_async_copy(hs_hbm.at[srcv0],
                                                     rowsv0, sem0))
        cp0 = fetch(t + 2, srcv0, dstv0, rowsv0, sem0)
        consume(dstv1, rowsv1, cp1)

    consume(dstv0, rowsv0, pltpu.make_async_copy(hs_hbm.at[srcv0],
                                                 rowsv0, sem0))

    plsc.subcore_barrier()
    pltpu.sync_copy(acc.at[pl.ds(s * ROWS, ROWS)],
                    out_hbm.at[pl.ds(base + s * ROWS, ROWS)])


def _mm1_body(x_ref, w_ref, deg_ref, o_ref):
    dinv = lax.rsqrt(deg_ref[:, 0:1])
    h = jnp.dot(x_ref[:], w_ref[:], preferred_element_type=jnp.float32)
    o_ref[:] = h * dinv


def _mm2_body(a_ref, w_ref, deg_ref, b_ref, o_ref):
    dinv = lax.rsqrt(deg_ref[:, 0:1])
    x2 = dinv * a_ref[:] + b_ref[:]
    h = jnp.dot(x2, w_ref[:], preferred_element_type=jnp.float32)
    o_ref[:] = h * dinv


def _pool_body(a_ref, deg_ref, b_ref, bat_ref, o_ref, sums, cnt):
    i = pl.program_id(0)

    @pl.when(i == 0)
    def _():
        sums[:] = jnp.zeros_like(sums)
        cnt[:] = jnp.zeros_like(cnt)

    dinv = lax.rsqrt(deg_ref[:, 0:1])
    h = dinv * a_ref[:] + b_ref[:]
    gi = lax.broadcasted_iota(jnp.int32, (R, GG), 1)
    P = (bat_ref[:] == gi).astype(jnp.float32)
    dn = (((0,), (0,)), ((), ()))
    sums[:] += lax.dot_general(P, h, dn, preferred_element_type=jnp.float32)
    cnt[:] += lax.dot_general(P, jnp.ones((R, 1), jnp.float32), dn,
                              preferred_element_type=jnp.float32)

    @pl.when(i == NBLK - 1)
    def _():
        o_ref[:] = sums[:] / jnp.maximum(cnt[:], 1.0)


_mm1 = pl.pallas_call(
    _mm1_body,
    grid=(NBLK,),
    in_specs=[
        pl.BlockSpec((R, DD), lambda i: (i, 0)),
        pl.BlockSpec((DD, DD), lambda i: (0, 0)),
        pl.BlockSpec((R, DEGW), lambda i: (i, 0)),
    ],
    out_specs=pl.BlockSpec((R, DD), lambda i: (i, 0)),
    out_shape=jax.ShapeDtypeStruct((NP, DD), jnp.float32),
)

_mm2 = pl.pallas_call(
    _mm2_body,
    grid=(NBLK,),
    in_specs=[
        pl.BlockSpec((R, DD), lambda i: (i, 0)),
        pl.BlockSpec((DD, DD), lambda i: (0, 0)),
        pl.BlockSpec((R, DEGW), lambda i: (i, 0)),
        pl.BlockSpec((1, DD), lambda i: (0, 0)),
    ],
    out_specs=pl.BlockSpec((R, DD), lambda i: (i, 0)),
    out_shape=jax.ShapeDtypeStruct((NP, DD), jnp.float32),
)

_pool = pl.pallas_call(
    _pool_body,
    grid=(NBLK,),
    in_specs=[
        pl.BlockSpec((R, DD), lambda i: (i, 0)),
        pl.BlockSpec((R, DEGW), lambda i: (i, 0)),
        pl.BlockSpec((1, DD), lambda i: (0, 0)),
        pl.BlockSpec((R, 1), lambda i: (i, 0)),
    ],
    out_specs=pl.BlockSpec((GG, DD), lambda i: (0, 0)),
    out_shape=jax.ShapeDtypeStruct((GG, DD), jnp.float32),
    scratch_shapes=[
        pltpu.VMEM((GG, DD), jnp.float32),
        pltpu.VMEM((GG, 1), jnp.float32),
    ],
)


def kernel(x, edge_index, batch, W1, b1, W2, b2):
    src = edge_index[0]
    dst = edge_index[1]
    xp = jnp.zeros((NP, DD), jnp.float32).at[:NN].set(x)
    batp = jnp.full((NP, 1), GG, jnp.int32).at[:NN, 0].set(batch)
    ones_rows = jnp.ones((KD, DEGW), jnp.float32)

    deg = _deg_kernel(dst, ones_rows)

    hs1 = _mm1(xp, W1, deg)
    agg1 = _scatter_kernel(src, dst, hs1)

    hs2 = _mm2(agg1, W2, deg, b1.reshape(1, DD))
    agg2 = _scatter_kernel(src, dst, hs2)

    return _pool(agg2, deg, b2.reshape(1, DD), batp)

# --- scband reference (transcript-rebuilt; emitter-appended) ---
"""Pipeline reference for scband-gcnnet-17514876633143 (READ-ONLY COPY).

The authoritative reference and input builder live on the scoring server;
editing this copy changes nothing except your own understanding.
"""

import jax, jax.numpy as jnp
import numpy as np

N = 10000
E = 160000
D = 256
G = 128


def _gcn_conv(x, edge_index, W, b, num_nodes):
    # PyG-style GCNConv: add self loops, symmetric normalization, linear transform, scatter-add aggregate
    src = edge_index[0]
    dst = edge_index[1]
    loop = jnp.arange(num_nodes, dtype=src.dtype)
    src = jnp.concatenate([src, loop])
    dst = jnp.concatenate([dst, loop])
    ones = jnp.ones(src.shape[0], dtype=x.dtype)
    deg = jnp.zeros((num_nodes,), dtype=x.dtype).at[dst].add(ones)
    dinv = jnp.where(deg > 0, 1.0 / jnp.sqrt(deg), 0.0)
    norm = dinv[src] * dinv[dst]
    h = x @ W
    msg = jnp.take(h, src, axis=0) * norm[:, None]
    out = jnp.zeros((num_nodes, W.shape[1]), dtype=x.dtype).at[dst].add(msg)
    return out + b


def setup_inputs(seed: int = 0) -> dict:
    key = jax.random.key(seed)
    k1, k2, k3, k4, k5 = jax.random.split(key, 5)
    x = jax.random.normal(k1, (N, D), dtype=jnp.float32)
    edge_index = jax.random.randint(k2, (2, E), 0, N, dtype=jnp.int32)
    batch = jnp.sort(jax.random.randint(k3, (N,), 0, G, dtype=jnp.int32))
    W1 = jax.random.normal(k4, (D, D), dtype=jnp.float32) * 0.05
    b1 = jnp.zeros((D,), dtype=jnp.float32)
    W2 = jax.random.normal(k5, (D, D), dtype=jnp.float32) * 0.05
    b2 = jnp.zeros((D,), dtype=jnp.float32)
    return {"x": x, "edge_index": edge_index, "batch": batch, "W1": W1, "b1": b1, "W2": W2, "b2": b2}


def reference(x, edge_index, batch, W1, b1, W2, b2):
    h = _gcn_conv(x, edge_index, W1, b1, N)
    h = _gcn_conv(h, edge_index, W2, b2, N)
    # global mean pool (gap) over batch segment ids
    sums = jax.ops.segment_sum(h, batch, num_segments=G)
    cnt = jax.ops.segment_sum(jnp.ones((N, 1), dtype=h.dtype), batch, num_segments=G)
    return sums / jnp.maximum(cnt, 1.0)

if __name__ == "__main__":
    import jax
    _d = setup_inputs()
    print(jax.jit(kernel)(*tuple(_d.values())))

</pallas_src>

<mosaic_0001>
#map = affine_map<(d0, d1) -> (0)>
#map1 = affine_map<(d0, d1) -> (0, 0)>
module attributes {stable_mosaic.version = 14 : i64} {
  func.func @_scatter_kernel(%arg0: i32, %arg1: i32, %arg2: memref<160000xi32, #tpu.memory_space<hbm>>, %arg3: memref<160000xi32, #tpu.memory_space<hbm>>, %arg4: memref<10240x256xf32, #tpu.memory_space<hbm>>, %arg5: memref<10240x256xf32, #tpu.memory_space<hbm>>, %arg6: memref<5128x256xf32, #tpu.memory_space<vmem_shared>>, %arg7: memref<80xi32, #tpu.memory_space<vmem>>, %arg8: memref<80xi32, #tpu.memory_space<vmem>>, %arg9: memref<80xi32, #tpu.memory_space<vmem>>, %arg10: memref<80xi32, #tpu.memory_space<vmem>>, %arg11: memref<80xi32, #tpu.memory_space<vmem>>, %arg12: memref<80x256xf32, #tpu.memory_space<vmem>>, %arg13: memref<80x256xf32, #tpu.memory_space<vmem>>, %arg14: memref<!tpu.dma_semaphore, #tpu.memory_space<semaphore_mem>>, %arg15: memref<!tpu.dma_semaphore, #tpu.memory_space<semaphore_mem>>) attributes {dimension_semantics = [#tpu.dimension_semantics<core_parallel>, #tpu.dimension_semantics<subcore_parallel>], iteration_bounds = array<i64: 2, 16>, scalar_prefetch = 0 : i64, scratch_operands = 10 : i64, tpu.core_type = #tpu.core_type<sc_vector_subcore>, window_params = [{transform_indices = #map}, {transform_indices = #map}, {transform_indices = #map1}, {transform_indices = #map1}]} {
    %mul3A = arith.constant 5120 : i32
    %mul3A_0 = arith.muli %arg0, %mul3A : i32
    %mul3A_1 = arith.constant 320 : i32
    %mul3A_2 = arith.muli %arg1, %mul3A_1 : i32
    %add3A = arith.addi %mul3A_0, %mul3A_2 : i32
    %mul3A_3 = arith.constant 320 : i32
    %mul3A_4 = arith.muli %arg1, %mul3A_3 : i32
    "tpu.region"() ({
      %run_scoped3A = tpu.sem_alloc : memref<!tpu.dma_semaphore, #tpu.memory_space<semaphore_mem>>
      %dma_start3A_111 = arith.constant 0 : i32
      %dma_start3A_112 = tpu.memref_slice %arg6[%mul3A_4, %dma_start3A_111] : memref<5128x256xf32, #tpu.memory_space<vmem_shared>> -> memref<320x256xf32, #tpu.memory_space<vmem_shared>>
      %dma_start3A_113 = arith.constant 0 : i32
      %dma_start3A_114 = tpu.memref_slice %arg4[%add3A, %dma_start3A_113] : memref<10240x256xf32, #tpu.memory_space<hbm>> -> memref<320x256xf32, #tpu.memory_space<hbm>>
      tpu.enqueue_dma source(%dma_start3A_114 : memref<320x256xf32, #tpu.memory_space<hbm>>) target(%dma_start3A_112 : memref<320x256xf32, #tpu.memory_space<vmem_shared>>) target_semaphore(%run_scoped3A : memref<!tpu.dma_semaphore, #tpu.memory_space<semaphore_mem>>)
      %dma_wait3A_115 = arith.constant 0 : i32
      %dma_wait3A_116 = tpu.memref_slice %arg6[%mul3A_4, %dma_wait3A_115] : memref<5128x256xf32, #tpu.memory_space<vmem_shared>> -> memref<320x256xf32, #tpu.memory_space<vmem_shared>>
      %dma_wait3A_117 = arith.constant 0 : i32
      %dma_wait3A_118 = tpu.memref_slice %arg4[%add3A, %dma_wait3A_117] : memref<10240x256xf32, #tpu.memory_space<hbm>> -> memref<320x256xf32, #tpu.memory_space<hbm>>
      tpu.wait_dma2 semaphore(%run_scoped3A : memref<!tpu.dma_semaphore, #tpu.memory_space<semaphore_mem>>) src(%dma_wait3A_118 : memref<320x256xf32, #tpu.memory_space<hbm>>) dst(%dma_wait3A_116 : memref<320x256xf32, #tpu.memory_space<vmem_shared>>)
      tpu.yield
    }) : () -> ()
    %eq3A = arith.constant 0 : i32
    %eq3A_5 = arith.cmpi eq, %arg1, %eq3A : i32
    %convert_element_type3A = arith.extui %eq3A_5 : i1 to i32
    %cond3A = arith.constant 0 : i32
    %cond3A_6 = arith.cmpi ne, %convert_element_type3A, %cond3A : i32
    scf.if %cond3A_6 {
      "tpu.region"() ({
        %run_scoped3A = tpu.sem_alloc : memref<!tpu.dma_semaphore, #tpu.memory_space<semaphore_mem>>
        %dma_start3A_111 = arith.constant 5120 : i32
        %dma_start3A_112 = arith.constant 0 : i32
        %dma_start3A_113 = tpu.memref_slice %arg6[%dma_start3A_111, %dma_start3A_112] : memref<5128x256xf32, #tpu.memory_space<vmem_shared>> -> memref<8x256xf32, #tpu.memory_space<vmem_shared>>
        %dma_start3A_114 = arith.constant 0 : i32
        %dma_start3A_115 = arith.constant 0 : i32
        %dma_start3A_116 = tpu.memref_slice %arg4[%dma_start3A_114, %dma_start3A_115] : memref<10240x256xf32, #tpu.memory_space<hbm>> -> memref<8x256xf32, #tpu.memory_space<hbm>>
        tpu.enqueue_dma source(%dma_start3A_116 : memref<8x256xf32, #tpu.memory_space<hbm>>) target(%dma_start3A_113 : memref<8x256xf32, #tpu.memory_space<vmem_shared>>) target_semaphore(%run_scoped3A : memref<!tpu.dma_semaphore, #tpu.memory_space<semaphore_mem>>)
        %dma_wait3A_117 = arith.constant 5120 : i32
        %dma_wait3A_118 = arith.constant 0 : i32
        %dma_wait3A_119 = tpu.memref_slice %arg6[%dma_wait3A_117, %dma_wait3A_118] : memref<5128x256xf32, #tpu.memory_space<vmem_shared>> -> memref<8x256xf32, #tpu.memory_space<vmem_shared>>
        %dma_wait3A_120 = arith.constant 0 : i32
        %dma_wait3A_121 = arith.constant 0 : i32
        %dma_wait3A_122 = tpu.memref_slice %arg4[%dma_wait3A_120, %dma_wait3A_121] : memref<10240x256xf32, #tpu.memory_space<hbm>> -> memref<8x256xf32, #tpu.memory_space<hbm>>
        tpu.wait_dma2 semaphore(%run_scoped3A : memref<!tpu.dma_semaphore, #tpu.memory_space<semaphore_mem>>) src(%dma_wait3A_122 : memref<8x256xf32, #tpu.memory_space<hbm>>) dst(%dma_wait3A_119 : memref<8x256xf32, #tpu.memory_space<vmem_shared>>)
        tpu.yield
      }) : () -> ()
    } else {
    }
    %barrier3A = arith.constant 0 : index
    tpu.barrier barrier_id(%barrier3A)
    %mul3A_7 = arith.constant 10000 : i32
    %mul3A_8 = arith.muli %arg1, %mul3A_7 : i32
    %add3A_9 = arith.constant 0 : i32
    %add3A_10 = arith.addi %mul3A_8, %add3A_9 : i32
    %multiple_of3A = tpu.assume_multiple %add3A_10, 8 : i32
    "tpu.region"() ({
      %run_scoped3A = tpu.sem_alloc : memref<!tpu.dma_semaphore, #tpu.memory_space<semaphore_mem>>
      %dma_start3A_111 = tpu.memref_slice %arg2[%multiple_of3A] : memref<160000xi32, #tpu.memory_space<hbm>> -> memref<80xi32, #tpu.memory_space<hbm>>
      %dma_start3A_112 = tpu.memref_slice %arg2[%multiple_of3A] : memref<160000xi32, #tpu.memory_space<hbm>> -> memref<80xi32, #tpu.memory_space<hbm>>
      tpu.enqueue_dma source(%dma_start3A_112 : memref<80xi32, #tpu.memory_space<hbm>>) target(%arg7 : memref<80xi32, #tpu.memory_space<vmem>>) target_semaphore(%run_scoped3A : memref<!tpu.dma_semaphore, #tpu.memory_space<semaphore_mem>>)
      %dma_wait3A_113 = tpu.memref_slice %arg2[%multiple_of3A] : memref<160000xi32, #tpu.memory_space<hbm>> -> memref<80xi32, #tpu.memory_space<hbm>>
      %dma_wait3A_114 = tpu.memref_slice %arg2[%multiple_of3A] : memref<160000xi32, #tpu.memory_space<hbm>> -> memref<80xi32, #tpu.memory_space<hbm>>
      tpu.wait_dma2 semaphore(%run_scoped3A : memref<!tpu.dma_semaphore, #tpu.memory_space<semaphore_mem>>) src(%dma_wait3A_114 : memref<80xi32, #tpu.memory_space<hbm>>) dst(%arg7 : memref<80xi32, #tpu.memory_space<vmem>>)
      tpu.yield
    }) : () -> ()
    "tpu.region"() ({
      %run_scoped3A = tpu.sem_alloc : memref<!tpu.dma_semaphore, #tpu.memory_space<semaphore_mem>>
      %dma_start3A_111 = tpu.memref_slice %arg3[%multiple_of3A] : memref<160000xi32, #tpu.memory_space<hbm>> -> memref<80xi32, #tpu.memory_space<hbm>>
      %dma_start3A_112 = tpu.memref_slice %arg3[%multiple_of3A] : memref<160000xi32, #tpu.memory_space<hbm>> -> memref<80xi32, #tpu.memory_space<hbm>>
      tpu.enqueue_dma source(%dma_start3A_112 : memref<80xi32, #tpu.memory_space<hbm>>) target(%arg9 : memref<80xi32, #tpu.memory_space<vmem>>) target_semaphore(%run_scoped3A : memref<!tpu.dma_semaphore, #tpu.memory_space<semaphore_mem>>)
      %dma_wait3A_113 = tpu.memref_slice %arg3[%multiple_of3A] : memref<160000xi32, #tpu.memory_space<hbm>> -> memref<80xi32, #tpu.memory_space<hbm>>
      %dma_wait3A_114 = tpu.memref_slice %arg3[%multiple_of3A] : memref<160000xi32, #tpu.memory_space<hbm>> -> memref<80xi32, #tpu.memory_space<hbm>>
      tpu.wait_dma2 semaphore(%run_scoped3A : memref<!tpu.dma_semaphore, #tpu.memory_space<semaphore_mem>>) src(%dma_wait3A_114 : memref<80xi32, #tpu.memory_space<hbm>>) dst(%arg9 : memref<80xi32, #tpu.memory_space<vmem>>)
      tpu.yield
    }) : () -> ()
    %dma_start3A = arith.constant 0 : i32
    %dma_start3A_11 = arith.constant 0 : i32
    %dma_start3A_12 = tpu.memref_slice %arg4[%dma_start3A, %dma_start3A_11] : memref<10240x256xf32, #tpu.memory_space<hbm>> -> memref<10240x256xf32, #tpu.memory_space<hbm>>
    tpu.enqueue_indirect_dma source(%dma_start3A_12 : memref<10240x256xf32, #tpu.memory_space<hbm>>) target(%arg12 : memref<80x256xf32, #tpu.memory_space<vmem>>) offsets(%arg7 : memref<80xi32, #tpu.memory_space<vmem>>) semaphore(%arg14 : memref<!tpu.dma_semaphore, #tpu.memory_space<semaphore_mem>>)
    %scan3A = arith.constant 0 : i32
    %scan3A_13 = arith.constant 62 : i32
    %scan3A_14 = arith.addi %scan3A, %scan3A_13 : i32
    %scan3A_15 = arith.constant 1 : i32
    scf.for %scan3A_111 = %scan3A to %scan3A_14 step %scan3A_15  : i32 {
      %mul3A_112 = arith.constant 1 : i32
      %mul3A_113 = arith.muli %scan3A_111, %mul3A_112 : i32
      %add3A_114 = arith.constant 0 : i32
      %add3A_115 = arith.addi %add3A_114, %mul3A_113 : i32
      %mul3A_116 = arith.constant 2 : i32
      %mul3A_117 = arith.muli %add3A_115, %mul3A_116 : i32
      %add3A_118 = arith.constant 1 : i32
      %add3A_119 = arith.addi %mul3A_117, %add3A_118 : i32
      %mul3A_120 = arith.constant 10000 : i32
      %mul3A_121 = arith.muli %arg1, %mul3A_120 : i32
      %mul3A_122 = arith.constant 80 : i32
      %mul3A_123 = arith.muli %add3A_119, %mul3A_122 : i32
      %add3A_124 = arith.addi %mul3A_121, %mul3A_123 : i32
      %multiple_of3A_125 = tpu.assume_multiple %add3A_124, 8 : i32
      "tpu.region"() ({
        %run_scoped3A = tpu.sem_alloc : memref<!tpu.dma_semaphore, #tpu.memory_space<semaphore_mem>>
        %dma_start3A_336 = tpu.memref_slice %arg2[%multiple_of3A_125] : memref<160000xi32, #tpu.memory_space<hbm>> -> memref<80xi32, #tpu.memory_space<hbm>>
        %dma_start3A_337 = tpu.memref_slice %arg2[%multiple_of3A_125] : memref<160000xi32, #tpu.memory_space<hbm>> -> memref<80xi32, #tpu.memory_space<hbm>>
        tpu.enqueue_dma source(%dma_start3A_337 : memref<80xi32, #tpu.memory_space<hbm>>) target(%arg8 : memref<80xi32, #tpu.memory_space<vmem>>) target_semaphore(%run_scoped3A : memref<!tpu.dma_semaphore, #tpu.memory_space<semaphore_mem>>)
        %dma_wait3A_338 = tpu.memref_slice %arg2[%multiple_of3A_125] : memref<160000xi32, #tpu.memory_space<hbm>> -> memref<80xi32, #tpu.memory_space<hbm>>
        %dma_wait3A_339 = tpu.memref_slice %arg2[%multiple_of3A_125] : memref<160000xi32, #tpu.memory_space<hbm>> -> memref<80xi32, #tpu.memory_space<hbm>>
        tpu.wait_dma2 semaphore(%run_scoped3A : memref<!tpu.dma_semaphore, #tpu.memory_space<semaphore_mem>>) src(%dma_wait3A_339 : memref<80xi32, #tpu.memory_space<hbm>>) dst(%arg8 : memref<80xi32, #tpu.memory_space<vmem>>)
        tpu.yield
      }) : () -> ()
      "tpu.region"() ({
        %run_scoped3A = tpu.sem_alloc : memref<!tpu.dma_semaphore, #tpu.memory_space<semaphore_mem>>
        %dma_start3A_336 = tpu.memref_slice %arg3[%multiple_of3A_125] : memref<160000xi32, #tpu.memory_space<hbm>> -> memref<80xi32, #tpu.memory_space<hbm>>
        %dma_start3A_337 = tpu.memref_slice %arg3[%multiple_of3A_125] : memref<160000xi32, #tpu.memory_space<hbm>> -> memref<80xi32, #tpu.memory_space<hbm>>
        tpu.enqueue_dma source(%dma_start3A_337 : memref<80xi32, #tpu.memory_space<hbm>>) target(%arg10 : memref<80xi32, #tpu.memory_space<vmem>>) target_semaphore(%run_scoped3A : memref<!tpu.dma_semaphore, #tpu.memory_space<semaphore_mem>>)
        %dma_wait3A_338 = tpu.memref_slice %arg3[%multiple_of3A_125] : memref<160000xi32, #tpu.memory_space<hbm>> -> memref<80xi32, #tpu.memory_space<hbm>>
        %dma_wait3A_339 = tpu.memref_slice %arg3[%multiple_of3A_125] : memref<160000xi32, #tpu.memory_space<hbm>> -> memref<80xi32, #tpu.memory_space<hbm>>
        tpu.wait_dma2 semaphore(%run_scoped3A : memref<!tpu.dma_semaphore, #tpu.memory_space<semaphore_mem>>) src(%dma_wait3A_339 : memref<80xi32, #tpu.memory_space<hbm>>) dst(%arg10 : memref<80xi32, #tpu.memory_space<vmem>>)
        tpu.yield
      }) : () -> ()
      %dma_start3A_126 = arith.constant 0 : i32
      %dma_start3A_127 = arith.constant 0 : i32
      %dma_start3A_128 = tpu.memref_slice %arg4[%dma_start3A_126, %dma_start3A_127] : memref<10240x256xf32, #tpu.memory_space<hbm>> -> memref<10240x256xf32, #tpu.memory_space<hbm>>
      tpu.enqueue_indirect_dma source(%dma_start3A_128 : memref<10240x256xf32, #tpu.memory_space<hbm>>) target(%arg13 : memref<80x256xf32, #tpu.memory_space<vmem>>) offsets(%arg8 : memref<80xi32, #tpu.memory_space<vmem>>) semaphore(%arg15 : memref<!tpu.dma_semaphore, #tpu.memory_space<semaphore_mem>>)
      %dma_wait3A_129 = arith.constant 0 : i32
      %dma_wait3A_130 = arith.constant 0 : i32
      %dma_wait3A_131 = tpu.memref_slice %arg4[%dma_wait3A_129, %dma_wait3A_130] : memref<10240x256xf32, #tpu.memory_space<hbm>> -> memref<10240x256xf32, #tpu.memory_space<hbm>>
      tpu.wait_indirect_dma semaphore(%arg14 : memref<!tpu.dma_semaphore, #tpu.memory_space<semaphore_mem>>) src(%dma_wait3A_131 : memref<10240x256xf32, #tpu.memory_space<hbm>>) dst(%arg12 : memref<80x256xf32, #tpu.memory_space<vmem>>)
      %get3A_132 = arith.constant 0 : index
      %get3A_133 = tpu.vector_load %arg9[%get3A_132] {strides = array<i32>} : memref<80xi32, #tpu.memory_space<vmem>>, vector<16xi32>,
      %get3A_134 = vector.shape_cast %get3A_133 : vector<16xi32> to vector<16xi32>
      %ge3A_135 = vector.broadcast %mul3A_0 : i32 to vector<16xi32>
      %ge3A_136 = arith.cmpi sge, %get3A_134, %ge3A_135 : vector<16xi32>
      %add3A_137 = arith.constant 5120 : i32
      %add3A_138 = arith.addi %mul3A_0, %add3A_137 : i32
      %lt3A_139 = vector.broadcast %add3A_138 : i32 to vector<16xi32>
      %lt3A_140 = arith.cmpi slt, %get3A_134, %lt3A_139 : vector<16xi32>
      %and3A_141 = arith.andi %ge3A_136, %lt3A_140 : vector<16xi1>
      %sub3A_142 = vector.broadcast %mul3A_0 : i32 to vector<16xi32>
      %sub3A_143 = arith.subi %get3A_134, %sub3A_142 : vector<16xi32>
      %jit3A_144 = arith.constant 5120 : i32
      %broadcast_in_dim3A_145 = vector.broadcast %jit3A_144 : i32 to vector<16xi32>
      %select_n3A_146 = arith.select %and3A_141, %sub3A_143, %broadcast_in_dim3A_145 : vector<16xi1>, vector<16xi32>
      %swap3A_147 = arith.constant 0 : index
      %swap3A_148 = tpu.vector_load %arg11[%swap3A_147] {strides = array<i32>} : memref<80xi32, #tpu.memory_space<vmem>>, vector<16xi32>,
      %swap3A_149 = vector.shape_cast %swap3A_148 : vector<16xi32> to vector<16xi32>
      %swap3A_150 = vector.shape_cast %select_n3A_146 : vector<16xi32> to vector<16xi32>
      tpu.vector_store %arg11[%swap3A_147], %swap3A_150 {strides = array<i32>} : memref<80xi32, #tpu.memory_space<vmem>>, vector<16xi32>,
      %get3A_151 = arith.constant 16 : index
      %get3A_152 = tpu.vector_load %arg9[%get3A_151] {strides = array<i32>} : memref<80xi32, #tpu.memory_space<vmem>>, vector<16xi32>,
      %get3A_153 = vector.shape_cast %get3A_152 : vector<16xi32> to vector<16xi32>
      %ge3A_154 = vector.broadcast %mul3A_0 : i32 to vector<16xi32>
      %ge3A_155 = arith.cmpi sge, %get3A_153, %ge3A_154 : vector<16xi32>
      %add3A_156 = arith.constant 5120 : i32
      %add3A_157 = arith.addi %mul3A_0, %add3A_156 : i32
      %lt3A_158 = vector.broadcast %add3A_157 : i32 to vector<16xi32>
      %lt3A_159 = arith.cmpi slt, %get3A_153, %lt3A_158 : vector<16xi32>
      %and3A_160 = arith.andi %ge3A_155, %lt3A_159 : vector<16xi1>
      %sub3A_161 = vector.broadcast %mul3A_0 : i32 to vector<16xi32>
      %sub3A_162 = arith.subi %get3A_153, %sub3A_161 : vector<16xi32>
      %jit3A_163 = arith.constant 5120 : i32
      %broadcast_in_dim3A_164 = vector.broadcast %jit3A_163 : i32 to vector<16xi32>
      %select_n3A_165 = arith.select %and3A_160, %sub3A_162, %broadcast_in_dim3A_164 : vector<16xi1>, vector<16xi32>
      %swap3A_166 = arith.constant 16 : index
      %swap3A_167 = tpu.vector_load %arg11[%swap3A_166] {strides = array<i32>} : memref<80xi32, #tpu.memory_space<vmem>>, vector<16xi32>,
      %swap3A_168 = vector.shape_cast %swap3A_167 : vector<16xi32> to vector<16xi32>
      %swap3A_169 = vector.shape_cast %select_n3A_165 : vector<16xi32> to vector<16xi32>
      tpu.vector_store %arg11[%swap3A_166], %swap3A_169 {strides = array<i32>} : memref<80xi32, #tpu.memory_space<vmem>>, vector<16xi32>,
      %get3A_170 = arith.constant 32 : index
      %get3A_171 = tpu.vector_load %arg9[%get3A_170] {strides = array<i32>} : memref<80xi32, #tpu.memory_space<vmem>>, vector<16xi32>,
      %get3A_172 = vector.shape_cast %get3A_171 : vector<16xi32> to vector<16xi32>
      %ge3A_173 = vector.broadcast %mul3A_0 : i32 to vector<16xi32>
      %ge3A_174 = arith.cmpi sge, %get3A_172, %ge3A_173 : vector<16xi32>
      %add3A_175 = arith.constant 5120 : i32
      %add3A_176 = arith.addi %mul3A_0, %add3A_175 : i32
      %lt3A_177 = vector.broadcast %add3A_176 : i32 to vector<16xi32>
      %lt3A_178 = arith.cmpi slt, %get3A_172, %lt3A_177 : vector<16xi32>
      %and3A_179 = arith.andi %ge3A_174, %lt3A_178 : vector<16xi1>
      %sub3A_180 = vector.broadcast %mul3A_0 : i32 to vector<16xi32>
      %sub3A_181 = arith.subi %get3A_172, %sub3A_180 : vector<16xi32>
      %jit3A_182 = arith.constant 5120 : i32
      %broadcast_in_dim3A_183 = vector.broadcast %jit3A_182 : i32 to vector<16xi32>
      %select_n3A_184 = arith.select %and3A_179, %sub3A_181, %broadcast_in_dim3A_183 : vector<16xi1>, vector<16xi32>
      %swap3A_185 = arith.constant 32 : index
      %swap3A_186 = tpu.vector_load %arg11[%swap3A_185] {strides = array<i32>} : memref<80xi32, #tpu.memory_space<vmem>>, vector<16xi32>,
      %swap3A_187 = vector.shape_cast %swap3A_186 : vector<16xi32> to vector<16xi32>
      %swap3A_188 = vector.shape_cast %select_n3A_184 : vector<16xi32> to vector<16xi32>
      tpu.vector_store %arg11[%swap3A_185], %swap3A_188 {strides = array<i32>} : memref<80xi32, #tpu.memory_space<vmem>>, vector<16xi32>,
      %get3A_189 = arith.constant 48 : index
      %get3A_190 = tpu.vector_load %arg9[%get3A_189] {strides = array<i32>} : memref<80xi32, #tpu.memory_space<vmem>>, vector<16xi32>,
      %get3A_191 = vector.shape_cast %get3A_190 : vector<16xi32> to vector<16xi32>
      %ge3A_192 = vector.broadcast %mul3A_0 : i32 to vector<16xi32>
      %ge3A_193 = arith.cmpi sge, %get3A_191, %ge3A_192 : vector<16xi32>
      %add3A_194 = arith.constant 5120 : i32
      %add3A_195 = arith.addi %mul3A_0, %add3A_194 : i32
      %lt3A_196 = vector.broadcast %add3A_195 : i32 to vector<16xi32>
      %lt3A_197 = arith.cmpi slt, %get3A_191, %lt3A_196 : vector<16xi32>
      %and3A_198 = arith.andi %ge3A_193, %lt3A_197 : vector<16xi1>
      %sub3A_199 = vector.broadcast %mul3A_0 : i32 to vector<16xi32>
      %sub3A_200 = arith.subi %get3A_191, %sub3A_199 : vector<16xi32>
      %jit3A_201 = arith.constant 5120 : i32
      %broadcast_in_dim3A_202 = vector.broadcast %jit3A_201 : i32 to vector<16xi32>
      %select_n3A_203 = arith.select %and3A_198, %sub3A_200, %broadcast_in_dim3A_202 : vector<16xi1>, vector<16xi32>
      %swap3A_204 = arith.constant 48 : index
      %swap3A_205 = tpu.vector_load %arg11[%swap3A_204] {strides = array<i32>} : memref<80xi32, #tpu.memory_space<vmem>>, vector<16xi32>,
      %swap3A_206 = vector.shape_cast %swap3A_205 : vector<16xi32> to vector<16xi32>
      %swap3A_207 = vector.shape_cast %select_n3A_203 : vector<16xi32> to vector<16xi32>
      tpu.vector_store %arg11[%swap3A_204], %swap3A_207 {strides = array<i32>} : memref<80xi32, #tpu.memory_space<vmem>>, vector<16xi32>,
      %get3A_208 = arith.constant 64 : index
      %get3A_209 = tpu.vector_load %arg9[%get3A_208] {strides = array<i32>} : memref<80xi32, #tpu.memory_space<vmem>>, vector<16xi32>,
      %get3A_210 = vector.shape_cast %get3A_209 : vector<16xi32> to vector<16xi32>
      %ge3A_211 = vector.broadcast %mul3A_0 : i32 to vector<16xi32>
      %ge3A_212 = arith.cmpi sge, %get3A_210, %ge3A_211 : vector<16xi32>
      %add3A_213 = arith.constant 5120 : i32
      %add3A_214 = arith.addi %mul3A_0, %add3A_213 : i32
      %lt3A_215 = vector.broadcast %add3A_214 : i32 to vector<16xi32>
      %lt3A_216 = arith.cmpi slt, %get3A_210, %lt3A_215 : vector<16xi32>
      %and3A_217 = arith.andi %ge3A_212, %lt3A_216 : vector<16xi1>
      %sub3A_218 = vector.broadcast %mul3A_0 : i32 to vector<16xi32>
      %sub3A_219 = arith.subi %get3A_210, %sub3A_218 : vector<16xi32>
      %jit3A_220 = arith.constant 5120 : i32
      %broadcast_in_dim3A_221 = vector.broadcast %jit3A_220 : i32 to vector<16xi32>
      %select_n3A_222 = arith.select %and3A_217, %sub3A_219, %broadcast_in_dim3A_221 : vector<16xi1>, vector<16xi32>
      %swap3A_223 = arith.constant 64 : index
      %swap3A_224 = tpu.vector_load %arg11[%swap3A_223] {strides = array<i32>} : memref<80xi32, #tpu.memory_space<vmem>>, vector<16xi32>,
      %swap3A_225 = vector.shape_cast %swap3A_224 : vector<16xi32> to vector<16xi32>
      %swap3A_226 = vector.shape_cast %select_n3A_222 : vector<16xi32> to vector<16xi32>
      tpu.vector_store %arg11[%swap3A_223], %swap3A_226 {strides = array<i32>} : memref<80xi32, #tpu.memory_space<vmem>>, vector<16xi32>,
      "tpu.region"() ({
        %run_scoped3A = tpu.sem_alloc : memref<!tpu.dma_semaphore, #tpu.memory_space<semaphore_mem>>
        %dma_start3A_336 = arith.constant 0 : i32
        %dma_start3A_337 = arith.constant 0 : i32
        %dma_start3A_338 = tpu.memref_slice %arg6[%dma_start3A_336, %dma_start3A_337] : memref<5128x256xf32, #tpu.memory_space<vmem_shared>> -> memref<5128x256xf32, #tpu.memory_space<vmem_shared>>
        tpu.enqueue_indirect_dma source(%arg12 : memref<80x256xf32, #tpu.memory_space<vmem>>) target(%dma_start3A_338 : memref<5128x256xf32, #tpu.memory_space<vmem_shared>>) offsets(%arg11 : memref<80xi32, #tpu.memory_space<vmem>>) semaphore(%run_scoped3A : memref<!tpu.dma_semaphore, #tpu.memory_space<semaphore_mem>>) {add = true}
        %dma_wait3A_339 = arith.constant 0 : i32
        %dma_wait3A_340 = arith.constant 0 : i32
        %dma_wait3A_341 = tpu.memref_slice %arg6[%dma_wait3A_339, %dma_wait3A_340] : memref<5128x256xf32, #tpu.memory_space<vmem_shared>> -> memref<5128x256xf32, #tpu.memory_space<vmem_shared>>
        tpu.wait_indirect_dma semaphore(%run_scoped3A : memref<!tpu.dma_semaphore, #tpu.memory_space<semaphore_mem>>) src(%arg12 : memref<80x256xf32, #tpu.memory_space<vmem>>) dst(%dma_wait3A_341 : memref<5128x256xf32, #tpu.memory_space<vmem_shared>>)
        tpu.yield
      }) : () -> ()
      %add3A_227 = arith.constant 2 : i32
      %add3A_228 = arith.addi %mul3A_117, %add3A_227 : i32
      %mul3A_229 = arith.constant 10000 : i32
      %mul3A_230 = arith.muli %arg1, %mul3A_229 : i32
      %mul3A_231 = arith.constant 80 : i32
      %mul3A_232 = arith.muli %add3A_228, %mul3A_231 : i32
      %add3A_233 = arith.addi %mul3A_230, %mul3A_232 : i32
      %multiple_of3A_234 = tpu.assume_multiple %add3A_233, 8 : i32
      "tpu.region"() ({
        %run_scoped3A = tpu.sem_alloc : memref<!tpu.dma_semaphore, #tpu.memory_space<semaphore_mem>>
        %dma_start3A_336 = tpu.memref_slice %arg2[%multiple_of3A_234] : memref<160000xi32, #tpu.memory_space<hbm>> -> memref<80xi32, #tpu.memory_space<hbm>>
        %dma_start3A_337 = tpu.memref_slice %arg2[%multiple_of3A_234] : memref<160000xi32, #tpu.memory_space<hbm>> -> memref<80xi32, #tpu.memory_space<hbm>>
        tpu.enqueue_dma source(%dma_start3A_337 : memref<80xi32, #tpu.memory_space<hbm>>) target(%arg7 : memref<80xi32, #tpu.memory_space<vmem>>) target_semaphore(%run_scoped3A : memref<!tpu.dma_semaphore, #tpu.memory_space<semaphore_mem>>)
        %dma_wait3A_338 = tpu.memref_slice %arg2[%multiple_of3A_234] : memref<160000xi32, #tpu.memory_space<hbm>> -> memref<80xi32, #tpu.memory_space<hbm>>
        %dma_wait3A_339 = tpu.memref_slice %arg2[%multiple_of3A_234] : memref<160000xi32, #tpu.memory_space<hbm>> -> memref<80xi32, #tpu.memory_space<hbm>>
        tpu.wait_dma2 semaphore(%run_scoped3A : memref<!tpu.dma_semaphore, #tpu.memory_space<semaphore_mem>>) src(%dma_wait3A_339 : memref<80xi32, #tpu.memory_space<hbm>>) dst(%arg7 : memref<80xi32, #tpu.memory_space<vmem>>)
        tpu.yield
      }) : () -> ()
      "tpu.region"() ({
        %run_scoped3A = tpu.sem_alloc : memref<!tpu.dma_semaphore, #tpu.memory_space<semaphore_mem>>
        %dma_start3A_336 = tpu.memref_slice %arg3[%multiple_of3A_234] : memref<160000xi32, #tpu.memory_space<hbm>> -> memref<80xi32, #tpu.memory_space<hbm>>
        %dma_start3A_337 = tpu.memref_slice %arg3[%multiple_of3A_234] : memref<160000xi32, #tpu.memory_space<hbm>> -> memref<80xi32, #tpu.memory_space<hbm>>
        tpu.enqueue_dma source(%dma_start3A_337 : memref<80xi32, #tpu.memory_space<hbm>>) target(%arg9 : memref<80xi32, #tpu.memory_space<vmem>>) target_semaphore(%run_scoped3A : memref<!tpu.dma_semaphore, #tpu.memory_space<semaphore_mem>>)
        %dma_wait3A_338 = tpu.memref_slice %arg3[%multiple_of3A_234] : memref<160000xi32, #tpu.memory_space<hbm>> -> memref<80xi32, #tpu.memory_space<hbm>>
        %dma_wait3A_339 = tpu.memref_slice %arg3[%multiple_of3A_234] : memref<160000xi32, #tpu.memory_space<hbm>> -> memref<80xi32, #tpu.memory_space<hbm>>
        tpu.wait_dma2 semaphore(%run_scoped3A : memref<!tpu.dma_semaphore, #tpu.memory_space<semaphore_mem>>) src(%dma_wait3A_339 : memref<80xi32, #tpu.memory_space<hbm>>) dst(%arg9 : memref<80xi32, #tpu.memory_space<vmem>>)
        tpu.yield
      }) : () -> ()
      %dma_start3A_235 = arith.constant 0 : i32
      %dma_start3A_236 = arith.constant 0 : i32
      %dma_start3A_237 = tpu.memref_slice %arg4[%dma_start3A_235, %dma_start3A_236] : memref<10240x256xf32, #tpu.memory_space<hbm>> -> memref<10240x256xf32, #tpu.memory_space<hbm>>
      tpu.enqueue_indirect_dma source(%dma_start3A_237 : memref<10240x256xf32, #tpu.memory_space<hbm>>) target(%arg12 : memref<80x256xf32, #tpu.memory_space<vmem>>) offsets(%arg7 : memref<80xi32, #tpu.memory_space<vmem>>) semaphore(%arg14 : memref<!tpu.dma_semaphore, #tpu.memory_space<semaphore_mem>>)
      %dma_wait3A_238 = arith.constant 0 : i32
      %dma_wait3A_239 = arith.constant 0 : i32
      %dma_wait3A_240 = tpu.memref_slice %arg4[%dma_wait3A_238, %dma_wait3A_239] : memref<10240x256xf32, #tpu.memory_space<hbm>> -> memref<10240x256xf32, #tpu.memory_space<hbm>>
      tpu.wait_indirect_dma semaphore(%arg15 : memref<!tpu.dma_semaphore, #tpu.memory_space<semaphore_mem>>) src(%dma_wait3A_240 : memref<10240x256xf32, #tpu.memory_space<hbm>>) dst(%arg13 : memref<80x256xf32, #tpu.memory_space<vmem>>)
      %get3A_241 = arith.constant 0 : index
      %get3A_242 = tpu.vector_load %arg10[%get3A_241] {strides = array<i32>} : memref<80xi32, #tpu.memory_space<vmem>>, vector<16xi32>,
      %get3A_243 = vector.shape_cast %get3A_242 : vector<16xi32> to vector<16xi32>
      %ge3A_244 = vector.broadcast %mul3A_0 : i32 to vector<16xi32>
      %ge3A_245 = arith.cmpi sge, %get3A_243, %ge3A_244 : vector<16xi32>
      %add3A_246 = arith.constant 5120 : i32
      %add3A_247 = arith.addi %mul3A_0, %add3A_246 : i32
      %lt3A_248 = vector.broadcast %add3A_247 : i32 to vector<16xi32>
      %lt3A_249 = arith.cmpi slt, %get3A_243, %lt3A_248 : vector<16xi32>
      %and3A_250 = arith.andi %ge3A_245, %lt3A_249 : vector<16xi1>
      %sub3A_251 = vector.broadcast %mul3A_0 : i32 to vector<16xi32>
      %sub3A_252 = arith.subi %get3A_243, %sub3A_251 : vector<16xi32>
      %jit3A_253 = arith.constant 5120 : i32
      %broadcast_in_dim3A_254 = vector.broadcast %jit3A_253 : i32 to vector<16xi32>
      %select_n3A_255 = arith.select %and3A_250, %sub3A_252, %broadcast_in_dim3A_254 : vector<16xi1>, vector<16xi32>
      %swap3A_256 = arith.constant 0 : index
      %swap3A_257 = tpu.vector_load %arg11[%swap3A_256] {strides = array<i32>} : memref<80xi32, #tpu.memory_space<vmem>>, vector<16xi32>,
      %swap3A_258 = vector.shape_cast %swap3A_257 : vector<16xi32> to vector<16xi32>
      %swap3A_259 = vector.shape_cast %select_n3A_255 : vector<16xi32> to vector<16xi32>
      tpu.vector_store %arg11[%swap3A_256], %swap3A_259 {strides = array<i32>} : memref<80xi32, #tpu.memory_space<vmem>>, vector<16xi32>,
      %get3A_260 = arith.constant 16 : index
      %get3A_261 = tpu.vector_load %arg10[%get3A_260] {strides = array<i32>} : memref<80xi32, #tpu.memory_space<vmem>>, vector<16xi32>,
      %get3A_262 = vector.shape_cast %get3A_261 : vector<16xi32> to vector<16xi32>
      %ge3A_263 = vector.broadcast %mul3A_0 : i32 to vector<16xi32>
      %ge3A_264 = arith.cmpi sge, %get3A_262, %ge3A_263 : vector<16xi32>
      %add3A_265 = arith.constant 5120 : i32
      %add3A_266 = arith.addi %mul3A_0, %add3A_265 : i32
      %lt3A_267 = vector.broadcast %add3A_266 : i32 to vector<16xi32>
      %lt3A_268 = arith.cmpi slt, %get3A_262, %lt3A_267 : vector<16xi32>
      %and3A_269 = arith.andi %ge3A_264, %lt3A_268 : vector<16xi1>
      %sub3A_270 = vector.broadcast %mul3A_0 : i32 to vector<16xi32>
      %sub3A_271 = arith.subi %get3A_262, %sub3A_270 : vector<16xi32>
      %jit3A_272 = arith.constant 5120 : i32
      %broadcast_in_dim3A_273 = vector.broadcast %jit3A_272 : i32 to vector<16xi32>
      %select_n3A_274 = arith.select %and3A_269, %sub3A_271, %broadcast_in_dim3A_273 : vector<16xi1>, vector<16xi32>
      %swap3A_275 = arith.constant 16 : index
      %swap3A_276 = tpu.vector_load %arg11[%swap3A_275] {strides = array<i32>} : memref<80xi32, #tpu.memory_space<vmem>>, vector<16xi32>,
      %swap3A_277 = vector.shape_cast %swap3A_276 : vector<16xi32> to vector<16xi32>
      %swap3A_278 = vector.shape_cast %select_n3A_274 : vector<16xi32> to vector<16xi32>
      tpu.vector_store %arg11[%swap3A_275], %swap3A_278 {strides = array<i32>} : memref<80xi32, #tpu.memory_space<vmem>>, vector<16xi32>,
      %get3A_279 = arith.constant 32 : index
      %get3A_280 = tpu.vector_load %arg10[%get3A_279] {strides = array<i32>} : memref<80xi32, #tpu.memory_space<vmem>>, vector<16xi32>,
      %get3A_281 = vector.shape_cast %get3A_280 : vector<16xi32> to vector<16xi32>
      %ge3A_282 = vector.broadcast %mul3A_0 : i32 to vector<16xi32>
      %ge3A_283 = arith.cmpi sge, %get3A_281, %ge3A_282 : vector<16xi32>
      %add3A_284 = arith.constant 5120 : i32
      %add3A_285 = arith.addi %mul3A_0, %add3A_284 : i32
      %lt3A_286 = vector.broadcast %add3A_285 : i32 to vector<16xi32>
      %lt3A_287 = arith.cmpi slt, %get3A_281, %lt3A_286 : vector<16xi32>
      %and3A_288 = arith.andi %ge3A_283, %lt3A_287 : vector<16xi1>
      %sub3A_289 = vector.broadcast %mul3A_0 : i32 to vector<16xi32>
      %sub3A_290 = arith.subi %get3A_281, %sub3A_289 : vector<16xi32>
      %jit3A_291 = arith.constant 5120 : i32
      %broadcast_in_dim3A_292 = vector.broadcast %jit3A_291 : i32 to vector<16xi32>
      %select_n3A_293 = arith.select %and3A_288, %sub3A_290, %broadcast_in_dim3A_292 : vector<16xi1>, vector<16xi32>
      %swap3A_294 = arith.constant 32 : index
      %swap3A_295 = tpu.vector_load %arg11[%swap3A_294] {strides = array<i32>} : memref<80xi32, #tpu.memory_space<vmem>>, vector<16xi32>,
      %swap3A_296 = vector.shape_cast %swap3A_295 : vector<16xi32> to vector<16xi32>
      %swap3A_297 = vector.shape_cast %select_n3A_293 : vector<16xi32> to vector<16xi32>
      tpu.vector_store %arg11[%swap3A_294], %swap3A_297 {strides = array<i32>} : memref<80xi32, #tpu.memory_space<vmem>>, vector<16xi32>,
      %get3A_298 = arith.constant 48 : index
      %get3A_299 = tpu.vector_load %arg10[%get3A_298] {strides = array<i32>} : memref<80xi32, #tpu.memory_space<vmem>>, vector<16xi32>,
      %get3A_300 = vector.shape_cast %get3A_299 : vector<16xi32> to vector<16xi32>
      %ge3A_301 = vector.broadcast %mul3A_0 : i32 to vector<16xi32>
      %ge3A_302 = arith.cmpi sge, %get3A_300, %ge3A_301 : vector<16xi32>
      %add3A_303 = arith.constant 5120 : i32
      %add3A_304 = arith.addi %mul3A_0, %add3A_303 : i32
      %lt3A_305 = vector.broadcast %add3A_304 : i32 to vector<16xi32>
      %lt3A_306 = arith.cmpi slt, %get3A_300, %lt3A_305 : vector<16xi32>
      %and3A_307 = arith.andi %ge3A_302, %lt3A_306 : vector<16xi1>
      %sub3A_308 = vector.broadcast %mul3A_0 : i32 to vector<16xi32>
      %sub3A_309 = arith.subi %get3A_300, %sub3A_308 : vector<16xi32>
      %jit3A_310 = arith.constant 5120 : i32
      %broadcast_in_dim3A_311 = vector.broadcast %jit3A_310 : i32 to vector<16xi32>
      %select_n3A_312 = arith.select %and3A_307, %sub3A_309, %broadcast_in_dim3A_311 : vector<16xi1>, vector<16xi32>
      %swap3A_313 = arith.constant 48 : index
      %swap3A_314 = tpu.vector_load %arg11[%swap3A_313] {strides = array<i32>} : memref<80xi32, #tpu.memory_space<vmem>>, vector<16xi32>,
      %swap3A_315 = vector.shape_cast %swap3A_314 : vector<16xi32> to vector<16xi32>
      %swap3A_316 = vector.shape_cast %select_n3A_312 : vector<16xi32> to vector<16xi32>
      tpu.vector_store %arg11[%swap3A_313], %swap3A_316 {strides = array<i32>} : memref<80xi32, #tpu.memory_space<vmem>>, vector<16xi32>,
      %get3A_317 = arith.constant 64 : index
      %get3A_318 = tpu.vector_load %arg10[%get3A_317] {strides = array<i32>} : memref<80xi32, #tpu.memory_space<vmem>>, vector<16xi32>,
      %get3A_319 = vector.shape_cast %get3A_318 : vector<16xi32> to vector<16xi32>
      %ge3A_320 = vector.broadcast %mul3A_0 : i32 to vector<16xi32>
      %ge3A_321 = arith.cmpi sge, %get3A_319, %ge3A_320 : vector<16xi32>
      %add3A_322 = arith.constant 5120 : i32
      %add3A_323 = arith.addi %mul3A_0, %add3A_322 : i32
      %lt3A_324 = vector.broadcast %add3A_323 : i32 to vector<16xi32>
      %lt3A_325 = arith.cmpi slt, %get3A_319, %lt3A_324 : vector<16xi32>
      %and3A_326 = arith.andi %ge3A_321, %lt3A_325 : vector<16xi1>
      %sub3A_327 = vector.broadcast %mul3A_0 : i32 to vector<16xi32>
      %sub3A_328 = arith.subi %get3A_319, %sub3A_327 : vector<16xi32>
      %jit3A_329 = arith.constant 5120 : i32
      %broadcast_in_dim3A_330 = vector.broadcast %jit3A_329 : i32 to vector<16xi32>
      %select_n3A_331 = arith.select %and3A_326, %sub3A_328, %broadcast_in_dim3A_330 : vector<16xi1>, vector<16xi32>
      %swap3A_332 = arith.constant 64 : index
      %swap3A_333 = tpu.vector_load %arg11[%swap3A_332] {strides = array<i32>} : memref<80xi32, #tpu.memory_space<vmem>>, vector<16xi32>,
      %swap3A_334 = vector.shape_cast %swap3A_333 : vector<16xi32> to vector<16xi32>
      %swap3A_335 = vector.shape_cast %select_n3A_331 : vector<16xi32> to vector<16xi32>
      tpu.vector_store %arg11[%swap3A_332], %swap3A_335 {strides = array<i32>} : memref<80xi32, #tpu.memory_space<vmem>>, vector<16xi32>,
      "tpu.region"() ({
        %run_scoped3A = tpu.sem_alloc : memref<!tpu.dma_semaphore, #tpu.memory_space<semaphore_mem>>
        %dma_start3A_336 = arith.constant 0 : i32
        %dma_start3A_337 = arith.constant 0 : i32
        %dma_start3A_338 = tpu.memref_slice %arg6[%dma_start3A_336, %dma_start3A_337] : memref<5128x256xf32, #tpu.memory_space<vmem_shared>> -> memref<5128x256xf32, #tpu.memory_space<vmem_shared>>
        tpu.enqueue_indirect_dma source(%arg13 : memref<80x256xf32, #tpu.memory_space<vmem>>) target(%dma_start3A_338 : memref<5128x256xf32, #tpu.memory_space<vmem_shared>>) offsets(%arg11 : memref<80xi32, #tpu.memory_space<vmem>>) semaphore(%run_scoped3A : memref<!tpu.dma_semaphore, #tpu.memory_space<semaphore_mem>>) {add = true}
        %dma_wait3A_339 = arith.constant 0 : i32
        %dma_wait3A_340 = arith.constant 0 : i32
        %dma_wait3A_341 = tpu.memref_slice %arg6[%dma_wait3A_339, %dma_wait3A_340] : memref<5128x256xf32, #tpu.memory_space<vmem_shared>> -> memref<5128x256xf32, #tpu.memory_space<vmem_shared>>
        tpu.wait_indirect_dma semaphore(%run_scoped3A : memref<!tpu.dma_semaphore, #tpu.memory_space<semaphore_mem>>) src(%arg13 : memref<80x256xf32, #tpu.memory_space<vmem>>) dst(%dma_wait3A_341 : memref<5128x256xf32, #tpu.memory_space<vmem_shared>>)
        tpu.yield
      }) : () -> ()
    }
    %scan3A_16 = arith.constant 62 : i32
    %dma_wait3A = arith.constant 0 : i32
    %dma_wait3A_17 = arith.constant 0 : i32
    %dma_wait3A_18 = tpu.memref_slice %arg4[%dma_wait3A, %dma_wait3A_17] : memref<10240x256xf32, #tpu.memory_space<hbm>> -> memref<10240x256xf32, #tpu.memory_space<hbm>>
    tpu.wait_indirect_dma semaphore(%arg14 : memref<!tpu.dma_semaphore, #tpu.memory_space<semaphore_mem>>) src(%dma_wait3A_18 : memref<10240x256xf32, #tpu.memory_space<hbm>>) dst(%arg12 : memref<80x256xf32, #tpu.memory_space<vmem>>)
    %get3A = arith.constant 0 : index
    %get3A_19 = tpu.vector_load %arg9[%get3A] {strides = array<i32>} : memref<80xi32, #tpu.memory_space<vmem>>, vector<16xi32>,
    %get3A_20 = vector.shape_cast %get3A_19 : vector<16xi32> to vector<16xi32>
    %ge3A = vector.broadcast %mul3A_0 : i32 to vector<16xi32>
    %ge3A_21 = arith.cmpi sge, %get3A_20, %ge3A : vector<16xi32>
    %add3A_22 = arith.constant 5120 : i32
    %add3A_23 = arith.addi %mul3A_0, %add3A_22 : i32
    %lt3A = vector.broadcast %add3A_23 : i32 to vector<16xi32>
    %lt3A_24 = arith.cmpi slt, %get3A_20, %lt3A : vector<16xi32>
    %and3A = arith.andi %ge3A_21, %lt3A_24 : vector<16xi1>
    %sub3A = vector.broadcast %mul3A_0 : i32 to vector<16xi32>
    %sub3A_25 = arith.subi %get3A_20, %sub3A : vector<16xi32>
    %jit3A = arith.constant 5120 : i32
    %broadcast_in_dim3A = vector.broadcast %jit3A : i32 to vector<16xi32>
    %select_n3A = arith.select %and3A, %sub3A_25, %broadcast_in_dim3A : vector<16xi1>, vector<16xi32>
    %swap3A = arith.constant 0 : index
    %swap3A_26 = tpu.vector_load %arg11[%swap3A] {strides = array<i32>} : memref<80xi32, #tpu.memory_space<vmem>>, vector<16xi32>,
    %swap3A_27 = vector.shape_cast %swap3A_26 : vector<16xi32> to vector<16xi32>
    %swap3A_28 = vector.shape_cast %select_n3A : vector<16xi32> to vector<16xi32>
    tpu.vector_store %arg11[%swap3A], %swap3A_28 {strides = array<i32>} : memref<80xi32, #tpu.memory_space<vmem>>, vector<16xi32>,
    %get3A_29 = arith.constant 16 : index
    %get3A_30 = tpu.vector_load %arg9[%get3A_29] {strides = array<i32>} : memref<80xi32, #tpu.memory_space<vmem>>, vector<16xi32>,
    %get3A_31 = vector.shape_cast %get3A_30 : vector<16xi32> to vector<16xi32>
    %ge3A_32 = vector.broadcast %mul3A_0 : i32 to vector<16xi32>
    %ge3A_33 = arith.cmpi sge, %get3A_31, %ge3A_32 : vector<16xi32>
    %add3A_34 = arith.constant 5120 : i32
    %add3A_35 = arith.addi %mul3A_0, %add3A_34 : i32
    %lt3A_36 = vector.broadcast %add3A_35 : i32 to vector<16xi32>
    %lt3A_37 = arith.cmpi slt, %get3A_31, %lt3A_36 : vector<16xi32>
    %and3A_38 = arith.andi %ge3A_33, %lt3A_37 : vector<16xi1>
    %sub3A_39 = vector.broadcast %mul3A_0 : i32 to vector<16xi32>
    %sub3A_40 = arith.subi %get3A_31, %sub3A_39 : vector<16xi32>
    %jit3A_41 = arith.constant 5120 : i32
    %broadcast_in_dim3A_42 = vector.broadcast %jit3A_41 : i32 to vector<16xi32>
    %select_n3A_43 = arith.select %and3A_38, %sub3A_40, %broadcast_in_dim3A_42 : vector<16xi1>, vector<16xi32>
    %swap3A_44 = arith.constant 16 : index
    %swap3A_45 = tpu.vector_load %arg11[%swap3A_44] {strides = array<i32>} : memref<80xi32, #tpu.memory_space<vmem>>, vector<16xi32>,
    %swap3A_46 = vector.shape_cast %swap3A_45 : vector<16xi32> to vector<16xi32>
    %swap3A_47 = vector.shape_cast %select_n3A_43 : vector<16xi32> to vector<16xi32>
    tpu.vector_store %arg11[%swap3A_44], %swap3A_47 {strides = array<i32>} : memref<80xi32, #tpu.memory_space<vmem>>, vector<16xi32>,
    %get3A_48 = arith.constant 32 : index
    %get3A_49 = tpu.vector_load %arg9[%get3A_48] {strides = array<i32>} : memref<80xi32, #tpu.memory_space<vmem>>, vector<16xi32>,
    %get3A_50 = vector.shape_cast %get3A_49 : vector<16xi32> to vector<16xi32>
    %ge3A_51 = vector.broadcast %mul3A_0 : i32 to vector<16xi32>
    %ge3A_52 = arith.cmpi sge, %get3A_50, %ge3A_51 : vector<16xi32>
    %add3A_53 = arith.constant 5120 : i32
    %add3A_54 = arith.addi %mul3A_0, %add3A_53 : i32
    %lt3A_55 = vector.broadcast %add3A_54 : i32 to vector<16xi32>
    %lt3A_56 = arith.cmpi slt, %get3A_50, %lt3A_55 : vector<16xi32>
    %and3A_57 = arith.andi %ge3A_52, %lt3A_56 : vector<16xi1>
    %sub3A_58 = vector.broadcast %mul3A_0 : i32 to vector<16xi32>
    %sub3A_59 = arith.subi %get3A_50, %sub3A_58 : vector<16xi32>
    %jit3A_60 = arith.constant 5120 : i32
    %broadcast_in_dim3A_61 = vector.broadcast %jit3A_60 : i32 to vector<16xi32>
    %select_n3A_62 = arith.select %and3A_57, %sub3A_59, %broadcast_in_dim3A_61 : vector<16xi1>, vector<16xi32>
    %swap3A_63 = arith.constant 32 : index
    %swap3A_64 = tpu.vector_load %arg11[%swap3A_63] {strides = array<i32>} : memref<80xi32, #tpu.memory_space<vmem>>, vector<16xi32>,
    %swap3A_65 = vector.shape_cast %swap3A_64 : vector<16xi32> to vector<16xi32>
    %swap3A_66 = vector.shape_cast %select_n3A_62 : vector<16xi32> to vector<16xi32>
    tpu.vector_store %arg11[%swap3A_63], %swap3A_66 {strides = array<i32>} : memref<80xi32, #tpu.memory_space<vmem>>, vector<16xi32>,
    %get3A_67 = arith.constant 48 : index
    %get3A_68 = tpu.vector_load %arg9[%get3A_67] {strides = array<i32>} : memref<80xi32, #tpu.memory_space<vmem>>, vector<16xi32>,
    %get3A_69 = vector.shape_cast %get3A_68 : vector<16xi32> to vector<16xi32>
    %ge3A_70 = vector.broadcast %mul3A_0 : i32 to vector<16xi32>
    %ge3A_71 = arith.cmpi sge, %get3A_69, %ge3A_70 : vector<16xi32>
    %add3A_72 = arith.constant 5120 : i32
    %add3A_73 = arith.addi %mul3A_0, %add3A_72 : i32
    %lt3A_74 = vector.broadcast %add3A_73 : i32 to vector<16xi32>
    %lt3A_75 = arith.cmpi slt, %get3A_69, %lt3A_74 : vector<16xi32>
    %and3A_76 = arith.andi %ge3A_71, %lt3A_75 : vector<16xi1>
    %sub3A_77 = vector.broadcast %mul3A_0 : i32 to vector<16xi32>
    %sub3A_78 = arith.subi %get3A_69, %sub3A_77 : vector<16xi32>
    %jit3A_79 = arith.constant 5120 : i32
    %broadcast_in_dim3A_80 = vector.broadcast %jit3A_79 : i32 to vector<16xi32>
    %select_n3A_81 = arith.select %and3A_76, %sub3A_78, %broadcast_in_dim3A_80 : vector<16xi1>, vector<16xi32>
    %swap3A_82 = arith.constant 48 : index
    %swap3A_83 = tpu.vector_load %arg11[%swap3A_82] {strides = array<i32>} : memref<80xi32, #tpu.memory_space<vmem>>, vector<16xi32>,
    %swap3A_84 = vector.shape_cast %swap3A_83 : vector<16xi32> to vector<16xi32>
    %swap3A_85 = vector.shape_cast %select_n3A_81 : vector<16xi32> to vector<16xi32>
    tpu.vector_store %arg11[%swap3A_82], %swap3A_85 {strides = array<i32>} : memref<80xi32, #tpu.memory_space<vmem>>, vector<16xi32>,
    %get3A_86 = arith.constant 64 : index
    %get3A_87 = tpu.vector_load %arg9[%get3A_86] {strides = array<i32>} : memref<80xi32, #tpu.memory_space<vmem>>, vector<16xi32>,
    %get3A_88 = vector.shape_cast %get3A_87 : vector<16xi32> to vector<16xi32>
    %ge3A_89 = vector.broadcast %mul3A_0 : i32 to vector<16xi32>
    %ge3A_90 = arith.cmpi sge, %get3A_88, %ge3A_89 : vector<16xi32>
    %add3A_91 = arith.constant 5120 : i32
    %add3A_92 = arith.addi %mul3A_0, %add3A_91 : i32
    %lt3A_93 = vector.broadcast %add3A_92 : i32 to vector<16xi32>
    %lt3A_94 = arith.cmpi slt, %get3A_88, %lt3A_93 : vector<16xi32>
    %and3A_95 = arith.andi %ge3A_90, %lt3A_94 : vector<16xi1>
    %sub3A_96 = vector.broadcast %mul3A_0 : i32 to vector<16xi32>
    %sub3A_97 = arith.subi %get3A_88, %sub3A_96 : vector<16xi32>
    %jit3A_98 = arith.constant 5120 : i32
    %broadcast_in_dim3A_99 = vector.broadcast %jit3A_98 : i32 to vector<16xi32>
    %select_n3A_100 = arith.select %and3A_95, %sub3A_97, %broadcast_in_dim3A_99 : vector<16xi1>, vector<16xi32>
    %swap3A_101 = arith.constant 64 : index
    %swap3A_102 = tpu.vector_load %arg11[%swap3A_101] {strides = array<i32>} : memref<80xi32, #tpu.memory_space<vmem>>, vector<16xi32>,
    %swap3A_103 = vector.shape_cast %swap3A_102 : vector<16xi32> to vector<16xi32>
    %swap3A_104 = vector.shape_cast %select_n3A_100 : vector<16xi32> to vector<16xi32>
    tpu.vector_store %arg11[%swap3A_101], %swap3A_104 {strides = array<i32>} : memref<80xi32, #tpu.memory_space<vmem>>, vector<16xi32>,
    "tpu.region"() ({
      %run_scoped3A = tpu.sem_alloc : memref<!tpu.dma_semaphore, #tpu.memory_space<semaphore_mem>>
      %dma_start3A_111 = arith.constant 0 : i32
      %dma_start3A_112 = arith.constant 0 : i32
      %dma_start3A_113 = tpu.memref_slice %arg6[%dma_start3A_111, %dma_start3A_112] : memref<5128x256xf32, #tpu.memory_space<vmem_shared>> -> memref<5128x256xf32, #tpu.memory_space<vmem_shared>>
      tpu.enqueue_indirect_dma source(%arg12 : memref<80x256xf32, #tpu.memory_space<vmem>>) target(%dma_start3A_113 : memref<5128x256xf32, #tpu.memory_space<vmem_shared>>) offsets(%arg11 : memref<80xi32, #tpu.memory_space<vmem>>) semaphore(%run_scoped3A : memref<!tpu.dma_semaphore, #tpu.memory_space<semaphore_mem>>) {add = true}
      %dma_wait3A_114 = arith.constant 0 : i32
      %dma_wait3A_115 = arith.constant 0 : i32
      %dma_wait3A_116 = tpu.memref_slice %arg6[%dma_wait3A_114, %dma_wait3A_115] : memref<5128x256xf32, #tpu.memory_space<vmem_shared>> -> memref<5128x256xf32, #tpu.memory_space<vmem_shared>>
      tpu.wait_indirect_dma semaphore(%run_scoped3A : memref<!tpu.dma_semaphore, #tpu.memory_space<semaphore_mem>>) src(%arg12 : memref<80x256xf32, #tpu.memory_space<vmem>>) dst(%dma_wait3A_116 : memref<5128x256xf32, #tpu.memory_space<vmem_shared>>)
      tpu.yield
    }) : () -> ()
    %barrier3A_105 = arith.constant 0 : index
    tpu.barrier barrier_id(%barrier3A_105)
    %mul3A_106 = arith.constant 320 : i32
    %mul3A_107 = arith.muli %arg1, %mul3A_106 : i32
    %mul3A_108 = arith.constant 320 : i32
    %mul3A_109 = arith.muli %arg1, %mul3A_108 : i32
    %add3A_110 = arith.addi %mul3A_0, %mul3A_109 : i32
    "tpu.region"() ({
      %run_scoped3A = tpu.sem_alloc : memref<!tpu.dma_semaphore, #tpu.memory_space<semaphore_mem>>
      %dma_start3A_111 = arith.constant 0 : i32
      %dma_start3A_112 = tpu.memref_slice %arg5[%add3A_110, %dma_start3A_111] : memref<10240x256xf32, #tpu.memory_space<hbm>> -> memref<320x256xf32, #tpu.memory_space<hbm>>
      %dma_start3A_113 = arith.constant 0 : i32
      %dma_start3A_114 = tpu.memref_slice %arg6[%mul3A_107, %dma_start3A_113] : memref<5128x256xf32, #tpu.memory_space<vmem_shared>> -> memref<320x256xf32, #tpu.memory_space<vmem_shared>>
      tpu.enqueue_dma source(%dma_start3A_114 : memref<320x256xf32, #tpu.memory_space<vmem_shared>>) target(%dma_start3A_112 : memref<320x256xf32, #tpu.memory_space<hbm>>) target_semaphore(%run_scoped3A : memref<!tpu.dma_semaphore, #tpu.memory_space<semaphore_mem>>)
      %dma_wait3A_115 = arith.constant 0 : i32
      %dma_wait3A_116 = tpu.memref_slice %arg5[%add3A_110, %dma_wait3A_115] : memref<10240x256xf32, #tpu.memory_space<hbm>> -> memref<320x256xf32, #tpu.memory_space<hbm>>
      %dma_wait3A_117 = arith.constant 0 : i32
      %dma_wait3A_118 = tpu.memref_slice %arg6[%mul3A_107, %dma_wait3A_117] : memref<5128x256xf32, #tpu.memory_space<vmem_shared>> -> memref<320x256xf32, #tpu.memory_space<vmem_shared>>
      tpu.wait_dma2 semaphore(%run_scoped3A : memref<!tpu.dma_semaphore, #tpu.memory_space<semaphore_mem>>) src(%dma_wait3A_118 : memref<320x256xf32, #tpu.memory_space<vmem_shared>>) dst(%dma_wait3A_116 : memref<320x256xf32, #tpu.memory_space<hbm>>)
      tpu.yield
    }) : () -> ()
    return
  }
}

#map = affine_map<(d0, d1) -> (0)>
#map1 = affine_map<(d0, d1) -> (0, 0)>
module attributes {stable_mosaic.version = 14 : i64} {
  func.func @_deg_kernel(%arg0: i32, %arg1: i32, %arg2: memref<160000xi32, #tpu.memory_space<hbm>>, %arg3: memref<400x16xf32, #tpu.memory_space<hbm>>, %arg4: memref<10240x16xf32, #tpu.memory_space<hbm>>, %arg5: memref<5128x16xf32, #tpu.memory_space<vmem_shared>>, %arg6: memref<400xi32, #tpu.memory_space<vmem>>, %arg7: memref<400xi32, #tpu.memory_space<vmem>>, %arg8: memref<400x16xf32, #tpu.memory_space<vmem>>) attributes {dimension_semantics = [#tpu.dimension_semantics<core_parallel>, #tpu.dimension_semantics<subcore_parallel>], iteration_bounds = array<i64: 2, 16>, scalar_prefetch = 0 : i64, scratch_operands = 4 : i64, tpu.core_type = #tpu.core_type<sc_vector_subcore>, window_params = [{transform_indices = #map}, {transform_indices = #map1}, {transform_indices = #map1}]} {
    %mul3A = arith.constant 5120 : i32
    %mul3A_0 = arith.muli %arg0, %mul3A : i32
    "tpu.region"() ({
      %run_scoped3A = tpu.sem_alloc : memref<!tpu.dma_semaphore, #tpu.memory_space<semaphore_mem>>
      %dma_start3A = arith.constant 0 : i32
      %dma_start3A_14 = arith.constant 0 : i32
      %dma_start3A_15 = tpu.memref_slice %arg3[%dma_start3A, %dma_start3A_14] : memref<400x16xf32, #tpu.memory_space<hbm>> -> memref<400x16xf32, #tpu.memory_space<hbm>>
      %dma_start3A_16 = arith.constant 0 : i32
      %dma_start3A_17 = arith.constant 0 : i32
      %dma_start3A_18 = tpu.memref_slice %arg3[%dma_start3A_16, %dma_start3A_17] : memref<400x16xf32, #tpu.memory_space<hbm>> -> memref<400x16xf32, #tpu.memory_space<hbm>>
      tpu.enqueue_dma source(%dma_start3A_18 : memref<400x16xf32, #tpu.memory_space<hbm>>) target(%arg8 : memref<400x16xf32, #tpu.memory_space<vmem>>) target_semaphore(%run_scoped3A : memref<!tpu.dma_semaphore, #tpu.memory_space<semaphore_mem>>)
      %dma_wait3A = arith.constant 0 : i32
      %dma_wait3A_19 = arith.constant 0 : i32
      %dma_wait3A_20 = tpu.memref_slice %arg3[%dma_wait3A, %dma_wait3A_19] : memref<400x16xf32, #tpu.memory_space<hbm>> -> memref<400x16xf32, #tpu.memory_space<hbm>>
      %dma_wait3A_21 = arith.constant 0 : i32
      %dma_wait3A_22 = arith.constant 0 : i32
      %dma_wait3A_23 = tpu.memref_slice %arg3[%dma_wait3A_21, %dma_wait3A_22] : memref<400x16xf32, #tpu.memory_space<hbm>> -> memref<400x16xf32, #tpu.memory_space<hbm>>
      tpu.wait_dma2 semaphore(%run_scoped3A : memref<!tpu.dma_semaphore, #tpu.memory_space<semaphore_mem>>) src(%dma_wait3A_23 : memref<400x16xf32, #tpu.memory_space<hbm>>) dst(%arg8 : memref<400x16xf32, #tpu.memory_space<vmem>>)
      tpu.yield
    }) : () -> ()
    %mul3A_1 = arith.constant 320 : i32
    %mul3A_2 = arith.muli %arg1, %mul3A_1 : i32
    "tpu.region"() ({
      %run_scoped3A = tpu.sem_alloc : memref<!tpu.dma_semaphore, #tpu.memory_space<semaphore_mem>>
      %dma_start3A = arith.constant 0 : i32
      %dma_start3A_14 = tpu.memref_slice %arg5[%mul3A_2, %dma_start3A] : memref<5128x16xf32, #tpu.memory_space<vmem_shared>> -> memref<320x16xf32, #tpu.memory_space<vmem_shared>>
      %dma_start3A_15 = arith.constant 0 : i32
      %dma_start3A_16 = arith.constant 0 : i32
      %dma_start3A_17 = tpu.memref_slice %arg3[%dma_start3A_15, %dma_start3A_16] : memref<400x16xf32, #tpu.memory_space<hbm>> -> memref<320x16xf32, #tpu.memory_space<hbm>>
      tpu.enqueue_dma source(%dma_start3A_17 : memref<320x16xf32, #tpu.memory_space<hbm>>) target(%dma_start3A_14 : memref<320x16xf32, #tpu.memory_space<vmem_shared>>) target_semaphore(%run_scoped3A : memref<!tpu.dma_semaphore, #tpu.memory_space<semaphore_mem>>)
      %dma_wait3A = arith.constant 0 : i32
      %dma_wait3A_18 = tpu.memref_slice %arg5[%mul3A_2, %dma_wait3A] : memref<5128x16xf32, #tpu.memory_space<vmem_shared>> -> memref<320x16xf32, #tpu.memory_space<vmem_shared>>
      %dma_wait3A_19 = arith.constant 0 : i32
      %dma_wait3A_20 = arith.constant 0 : i32
      %dma_wait3A_21 = tpu.memref_slice %arg3[%dma_wait3A_19, %dma_wait3A_20] : memref<400x16xf32, #tpu.memory_space<hbm>> -> memref<320x16xf32, #tpu.memory_space<hbm>>
      tpu.wait_dma2 semaphore(%run_scoped3A : memref<!tpu.dma_semaphore, #tpu.memory_space<semaphore_mem>>) src(%dma_wait3A_21 : memref<320x16xf32, #tpu.memory_space<hbm>>) dst(%dma_wait3A_18 : memref<320x16xf32, #tpu.memory_space<vmem_shared>>)
      tpu.yield
    }) : () -> ()
    %eq3A = arith.constant 0 : i32
    %eq3A_3 = arith.cmpi eq, %arg1, %eq3A : i32
    %convert_element_type3A = arith.extui %eq3A_3 : i1 to i32
    %cond3A = arith.constant 0 : i32
    %cond3A_4 = arith.cmpi ne, %convert_element_type3A, %cond3A : i32
    scf.if %cond3A_4 {
      "tpu.region"() ({
        %run_scoped3A = tpu.sem_alloc : memref<!tpu.dma_semaphore, #tpu.memory_space<semaphore_mem>>
        %dma_start3A = arith.constant 5120 : i32
        %dma_start3A_14 = arith.constant 0 : i32
        %dma_start3A_15 = tpu.memref_slice %arg5[%dma_start3A, %dma_start3A_14] : memref<5128x16xf32, #tpu.memory_space<vmem_shared>> -> memref<8x16xf32, #tpu.memory_space<vmem_shared>>
        %dma_start3A_16 = arith.constant 0 : i32
        %dma_start3A_17 = arith.constant 0 : i32
        %dma_start3A_18 = tpu.memref_slice %arg3[%dma_start3A_16, %dma_start3A_17] : memref<400x16xf32, #tpu.memory_space<hbm>> -> memref<8x16xf32, #tpu.memory_space<hbm>>
        tpu.enqueue_dma source(%dma_start3A_18 : memref<8x16xf32, #tpu.memory_space<hbm>>) target(%dma_start3A_15 : memref<8x16xf32, #tpu.memory_space<vmem_shared>>) target_semaphore(%run_scoped3A : memref<!tpu.dma_semaphore, #tpu.memory_space<semaphore_mem>>)
        %dma_wait3A = arith.constant 5120 : i32
        %dma_wait3A_19 = arith.constant 0 : i32
        %dma_wait3A_20 = tpu.memref_slice %arg5[%dma_wait3A, %dma_wait3A_19] : memref<5128x16xf32, #tpu.memory_space<vmem_shared>> -> memref<8x16xf32, #tpu.memory_space<vmem_shared>>
        %dma_wait3A_21 = arith.constant 0 : i32
        %dma_wait3A_22 = arith.constant 0 : i32
        %dma_wait3A_23 = tpu.memref_slice %arg3[%dma_wait3A_21, %dma_wait3A_22] : memref<400x16xf32, #tpu.memory_space<hbm>> -> memref<8x16xf32, #tpu.memory_space<hbm>>
        tpu.wait_dma2 semaphore(%run_scoped3A : memref<!tpu.dma_semaphore, #tpu.memory_space<semaphore_mem>>) src(%dma_wait3A_23 : memref<8x16xf32, #tpu.memory_space<hbm>>) dst(%dma_wait3A_20 : memref<8x16xf32, #tpu.memory_space<vmem_shared>>)
        tpu.yield
      }) : () -> ()
    } else {
    }
    %barrier3A = arith.constant 0 : index
    tpu.barrier barrier_id(%barrier3A)
    %scan3A = arith.constant 0 : i32
    %scan3A_5 = arith.constant 25 : i32
    %scan3A_6 = arith.addi %scan3A, %scan3A_5 : i32
    %scan3A_7 = arith.constant 1 : i32
    scf.for %scan3A_14 = %scan3A to %scan3A_6 step %scan3A_7  : i32 {
      %mul3A_15 = arith.constant 1 : i32
      %mul3A_16 = arith.muli %scan3A_14, %mul3A_15 : i32
      %add3A_17 = arith.constant 0 : i32
      %add3A_18 = arith.addi %add3A_17, %mul3A_16 : i32
      %mul3A_19 = arith.constant 10000 : i32
      %mul3A_20 = arith.muli %arg1, %mul3A_19 : i32
      %mul3A_21 = arith.constant 400 : i32
      %mul3A_22 = arith.muli %add3A_18, %mul3A_21 : i32
      %add3A_23 = arith.addi %mul3A_20, %mul3A_22 : i32
      %multiple_of3A = tpu.assume_multiple %add3A_23, 8 : i32
      "tpu.region"() ({
        %run_scoped3A = tpu.sem_alloc : memref<!tpu.dma_semaphore, #tpu.memory_space<semaphore_mem>>
        %dma_start3A = tpu.memref_slice %arg2[%multiple_of3A] : memref<160000xi32, #tpu.memory_space<hbm>> -> memref<400xi32, #tpu.memory_space<hbm>>
        %dma_start3A_490 = tpu.memref_slice %arg2[%multiple_of3A] : memref<160000xi32, #tpu.memory_space<hbm>> -> memref<400xi32, #tpu.memory_space<hbm>>
        tpu.enqueue_dma source(%dma_start3A_490 : memref<400xi32, #tpu.memory_space<hbm>>) target(%arg6 : memref<400xi32, #tpu.memory_space<vmem>>) target_semaphore(%run_scoped3A : memref<!tpu.dma_semaphore, #tpu.memory_space<semaphore_mem>>)
        %dma_wait3A = tpu.memref_slice %arg2[%multiple_of3A] : memref<160000xi32, #tpu.memory_space<hbm>> -> memref<400xi32, #tpu.memory_space<hbm>>
        %dma_wait3A_491 = tpu.memref_slice %arg2[%multiple_of3A] : memref<160000xi32, #tpu.memory_space<hbm>> -> memref<400xi32, #tpu.memory_space<hbm>>
        tpu.wait_dma2 semaphore(%run_scoped3A : memref<!tpu.dma_semaphore, #tpu.memory_space<semaphore_mem>>) src(%dma_wait3A_491 : memref<400xi32, #tpu.memory_space<hbm>>) dst(%arg6 : memref<400xi32, #tpu.memory_space<vmem>>)
        tpu.yield
      }) : () -> ()
      %get3A = arith.constant 0 : index
      %get3A_24 = tpu.vector_load %arg6[%get3A] {strides = array<i32>} : memref<400xi32, #tpu.memory_space<vmem>>, vector<16xi32>,
      %get3A_25 = vector.shape_cast %get3A_24 : vector<16xi32> to vector<16xi32>
      %ge3A = vector.broadcast %mul3A_0 : i32 to vector<16xi32>
      %ge3A_26 = arith.cmpi sge, %get3A_25, %ge3A : vector<16xi32>
      %add3A_27 = arith.constant 5120 : i32
      %add3A_28 = arith.addi %mul3A_0, %add3A_27 : i32
      %lt3A = vector.broadcast %add3A_28 : i32 to vector<16xi32>
      %lt3A_29 = arith.cmpi slt, %get3A_25, %lt3A : vector<16xi32>
      %and3A = arith.andi %ge3A_26, %lt3A_29 : vector<16xi1>
      %sub3A = vector.broadcast %mul3A_0 : i32 to vector<16xi32>
      %sub3A_30 = arith.subi %get3A_25, %sub3A : vector<16xi32>
      %jit3A = arith.constant 5120 : i32
      %broadcast_in_dim3A = vector.broadcast %jit3A : i32 to vector<16xi32>
      %select_n3A = arith.select %and3A, %sub3A_30, %broadcast_in_dim3A : vector<16xi1>, vector<16xi32>
      %swap3A = arith.constant 0 : index
      %swap3A_31 = tpu.vector_load %arg7[%swap3A] {strides = array<i32>} : memref<400xi32, #tpu.memory_space<vmem>>, vector<16xi32>,
      %swap3A_32 = vector.shape_cast %swap3A_31 : vector<16xi32> to vector<16xi32>
      %swap3A_33 = vector.shape_cast %select_n3A : vector<16xi32> to vector<16xi32>
      tpu.vector_store %arg7[%swap3A], %swap3A_33 {strides = array<i32>} : memref<400xi32, #tpu.memory_space<vmem>>, vector<16xi32>,
      %get3A_34 = arith.constant 16 : index
      %get3A_35 = tpu.vector_load %arg6[%get3A_34] {strides = array<i32>} : memref<400xi32, #tpu.memory_space<vmem>>, vector<16xi32>,
      %get3A_36 = vector.shape_cast %get3A_35 : vector<16xi32> to vector<16xi32>
      %ge3A_37 = vector.broadcast %mul3A_0 : i32 to vector<16xi32>
      %ge3A_38 = arith.cmpi sge, %get3A_36, %ge3A_37 : vector<16xi32>
      %add3A_39 = arith.constant 5120 : i32
      %add3A_40 = arith.addi %mul3A_0, %add3A_39 : i32
      %lt3A_41 = vector.broadcast %add3A_40 : i32 to vector<16xi32>
      %lt3A_42 = arith.cmpi slt, %get3A_36, %lt3A_41 : vector<16xi32>
      %and3A_43 = arith.andi %ge3A_38, %lt3A_42 : vector<16xi1>
      %sub3A_44 = vector.broadcast %mul3A_0 : i32 to vector<16xi32>
      %sub3A_45 = arith.subi %get3A_36, %sub3A_44 : vector<16xi32>
      %jit3A_46 = arith.constant 5120 : i32
      %broadcast_in_dim3A_47 = vector.broadcast %jit3A_46 : i32 to vector<16xi32>
      %select_n3A_48 = arith.select %and3A_43, %sub3A_45, %broadcast_in_dim3A_47 : vector<16xi1>, vector<16xi32>
      %swap3A_49 = arith.constant 16 : index
      %swap3A_50 = tpu.vector_load %arg7[%swap3A_49] {strides = array<i32>} : memref<400xi32, #tpu.memory_space<vmem>>, vector<16xi32>,
      %swap3A_51 = vector.shape_cast %swap3A_50 : vector<16xi32> to vector<16xi32>
      %swap3A_52 = vector.shape_cast %select_n3A_48 : vector<16xi32> to vector<16xi32>
      tpu.vector_store %arg7[%swap3A_49], %swap3A_52 {strides = array<i32>} : memref<400xi32, #tpu.memory_space<vmem>>, vector<16xi32>,
      %get3A_53 = arith.constant 32 : index
      %get3A_54 = tpu.vector_load %arg6[%get3A_53] {strides = array<i32>} : memref<400xi32, #tpu.memory_space<vmem>>, vector<16xi32>,
      %get3A_55 = vector.shape_cast %get3A_54 : vector<16xi32> to vector<16xi32>
      %ge3A_56 = vector.broadcast %mul3A_0 : i32 to vector<16xi32>
      %ge3A_57 = arith.cmpi sge, %get3A_55, %ge3A_56 : vector<16xi32>
      %add3A_58 = arith.constant 5120 : i32
      %add3A_59 = arith.addi %mul3A_0, %add3A_58 : i32
      %lt3A_60 = vector.broadcast %add3A_59 : i32 to vector<16xi32>
      %lt3A_61 = arith.cmpi slt, %get3A_55, %lt3A_60 : vector<16xi32>
      %and3A_62 = arith.andi %ge3A_57, %lt3A_61 : vector<16xi1>
      %sub3A_63 = vector.broadcast %mul3A_0 : i32 to vector<16xi32>
      %sub3A_64 = arith.subi %get3A_55, %sub3A_63 : vector<16xi32>
      %jit3A_65 = arith.constant 5120 : i32
      %broadcast_in_dim3A_66 = vector.broadcast %jit3A_65 : i32 to vector<16xi32>
      %select_n3A_67 = arith.select %and3A_62, %sub3A_64, %broadcast_in_dim3A_66 : vector<16xi1>, vector<16xi32>
      %swap3A_68 = arith.constant 32 : index
      %swap3A_69 = tpu.vector_load %arg7[%swap3A_68] {strides = array<i32>} : memref<400xi32, #tpu.memory_space<vmem>>, vector<16xi32>,
      %swap3A_70 = vector.shape_cast %swap3A_69 : vector<16xi32> to vector<16xi32>
      %swap3A_71 = vector.shape_cast %select_n3A_67 : vector<16xi32> to vector<16xi32>
      tpu.vector_store %arg7[%swap3A_68], %swap3A_71 {strides = array<i32>} : memref<400xi32, #tpu.memory_space<vmem>>, vector<16xi32>,
      %get3A_72 = arith.constant 48 : index
      %get3A_73 = tpu.vector_load %arg6[%get3A_72] {strides = array<i32>} : memref<400xi32, #tpu.memory_space<vmem>>, vector<16xi32>,
      %get3A_74 = vector.shape_cast %get3A_73 : vector<16xi32> to vector<16xi32>
      %ge3A_75 = vector.broadcast %mul3A_0 : i32 to vector<16xi32>
      %ge3A_76 = arith.cmpi sge, %get3A_74, %ge3A_75 : vector<16xi32>
      %add3A_77 = arith.constant 5120 : i32
      %add3A_78 = arith.addi %mul3A_0, %add3A_77 : i32
      %lt3A_79 = vector.broadcast %add3A_78 : i32 to vector<16xi32>
      %lt3A_80 = arith.cmpi slt, %get3A_74, %lt3A_79 : vector<16xi32>
      %and3A_81 = arith.andi %ge3A_76, %lt3A_80 : vector<16xi1>
      %sub3A_82 = vector.broadcast %mul3A_0 : i32 to vector<16xi32>
      %sub3A_83 = arith.subi %get3A_74, %sub3A_82 : vector<16xi32>
      %jit3A_84 = arith.constant 5120 : i32
      %broadcast_in_dim3A_85 = vector.broadcast %jit3A_84 : i32 to vector<16xi32>
      %select_n3A_86 = arith.select %and3A_81, %sub3A_83, %broadcast_in_dim3A_85 : vector<16xi1>, vector<16xi32>
      %swap3A_87 = arith.constant 48 : index
      %swap3A_88 = tpu.vector_load %arg7[%swap3A_87] {strides = array<i32>} : memref<400xi32, #tpu.memory_space<vmem>>, vector<16xi32>,
      %swap3A_89 = vector.shape_cast %swap3A_88 : vector<16xi32> to vector<16xi32>
      %swap3A_90 = vector.shape_cast %select_n3A_86 : vector<16xi32> to vector<16xi32>
      tpu.vector_store %arg7[%swap3A_87], %swap3A_90 {strides = array<i32>} : memref<400xi32, #tpu.memory_space<vmem>>, vector<16xi32>,
      %get3A_91 = arith.constant 64 : index
      %get3A_92 = tpu.vector_load %arg6[%get3A_91] {strides = array<i32>} : memref<400xi32, #tpu.memory_space<vmem>>, vector<16xi32>,
      %get3A_93 = vector.shape_cast %get3A_92 : vector<16xi32> to vector<16xi32>
      %ge3A_94 = vector.broadcast %mul3A_0 : i32 to vector<16xi32>
      %ge3A_95 = arith.cmpi sge, %get3A_93, %ge3A_94 : vector<16xi32>
      %add3A_96 = arith.constant 5120 : i32
      %add3A_97 = arith.addi %mul3A_0, %add3A_96 : i32
      %lt3A_98 = vector.broadcast %add3A_97 : i32 to vector<16xi32>
      %lt3A_99 = arith.cmpi slt, %get3A_93, %lt3A_98 : vector<16xi32>
      %and3A_100 = arith.andi %ge3A_95, %lt3A_99 : vector<16xi1>
      %sub3A_101 = vector.broadcast %mul3A_0 : i32 to vector<16xi32>
      %sub3A_102 = arith.subi %get3A_93, %sub3A_101 : vector<16xi32>
      %jit3A_103 = arith.constant 5120 : i32
      %broadcast_in_dim3A_104 = vector.broadcast %jit3A_103 : i32 to vector<16xi32>
      %select_n3A_105 = arith.select %and3A_100, %sub3A_102, %broadcast_in_dim3A_104 : vector<16xi1>, vector<16xi32>
      %swap3A_106 = arith.constant 64 : index
      %swap3A_107 = tpu.vector_load %arg7[%swap3A_106] {strides = array<i32>} : memref<400xi32, #tpu.memory_space<vmem>>, vector<16xi32>,
      %swap3A_108 = vector.shape_cast %swap3A_107 : vector<16xi32> to vector<16xi32>
      %swap3A_109 = vector.shape_cast %select_n3A_105 : vector<16xi32> to vector<16xi32>
      tpu.vector_store %arg7[%swap3A_106], %swap3A_109 {strides = array<i32>} : memref<400xi32, #tpu.memory_space<vmem>>, vector<16xi32>,
      %get3A_110 = arith.constant 80 : index
      %get3A_111 = tpu.vector_load %arg6[%get3A_110] {strides = array<i32>} : memref<400xi32, #tpu.memory_space<vmem>>, vector<16xi32>,
      %get3A_112 = vector.shape_cast %get3A_111 : vector<16xi32> to vector<16xi32>
      %ge3A_113 = vector.broadcast %mul3A_0 : i32 to vector<16xi32>
      %ge3A_114 = arith.cmpi sge, %get3A_112, %ge3A_113 : vector<16xi32>
      %add3A_115 = arith.constant 5120 : i32
      %add3A_116 = arith.addi %mul3A_0, %add3A_115 : i32
      %lt3A_117 = vector.broadcast %add3A_116 : i32 to vector<16xi32>
      %lt3A_118 = arith.cmpi slt, %get3A_112, %lt3A_117 : vector<16xi32>
      %and3A_119 = arith.andi %ge3A_114, %lt3A_118 : vector<16xi1>
      %sub3A_120 = vector.broadcast %mul3A_0 : i32 to vector<16xi32>
      %sub3A_121 = arith.subi %get3A_112, %sub3A_120 : vector<16xi32>
      %jit3A_122 = arith.constant 5120 : i32
      %broadcast_in_dim3A_123 = vector.broadcast %jit3A_122 : i32 to vector<16xi32>
      %select_n3A_124 = arith.select %and3A_119, %sub3A_121, %broadcast_in_dim3A_123 : vector<16xi1>, vector<16xi32>
      %swap3A_125 = arith.constant 80 : index
      %swap3A_126 = tpu.vector_load %arg7[%swap3A_125] {strides = array<i32>} : memref<400xi32, #tpu.memory_space<vmem>>, vector<16xi32>,
      %swap3A_127 = vector.shape_cast %swap3A_126 : vector<16xi32> to vector<16xi32>
      %swap3A_128 = vector.shape_cast %select_n3A_124 : vector<16xi32> to vector<16xi32>
      tpu.vector_store %arg7[%swap3A_125], %swap3A_128 {strides = array<i32>} : memref<400xi32, #tpu.memory_space<vmem>>, vector<16xi32>,
      %get3A_129 = arith.constant 96 : index
      %get3A_130 = tpu.vector_load %arg6[%get3A_129] {strides = array<i32>} : memref<400xi32, #tpu.memory_space<vmem>>, vector<16xi32>,
      %get3A_131 = vector.shape_cast %get3A_130 : vector<16xi32> to vector<16xi32>
      %ge3A_132 = vector.broadcast %mul3A_0 : i32 to vector<16xi32>
      %ge3A_133 = arith.cmpi sge, %get3A_131, %ge3A_132 : vector<16xi32>
      %add3A_134 = arith.constant 5120 : i32
      %add3A_135 = arith.addi %mul3A_0, %add3A_134 : i32
      %lt3A_136 = vector.broadcast %add3A_135 : i32 to vector<16xi32>
      %lt3A_137 = arith.cmpi slt, %get3A_131, %lt3A_136 : vector<16xi32>
      %and3A_138 = arith.andi %ge3A_133, %lt3A_137 : vector<16xi1>
      %sub3A_139 = vector.broadcast %mul3A_0 : i32 to vector<16xi32>
      %sub3A_140 = arith.subi %get3A_131, %sub3A_139 : vector<16xi32>
      %jit3A_141 = arith.constant 5120 : i32
      %broadcast_in_dim3A_142 = vector.broadcast %jit3A_141 : i32 to vector<16xi32>
      %select_n3A_143 = arith.select %and3A_138, %sub3A_140, %broadcast_in_dim3A_142 : vector<16xi1>, vector<16xi32>
      %swap3A_144 = arith.constant 96 : index
      %swap3A_145 = tpu.vector_load %arg7[%swap3A_144] {strides = array<i32>} : memref<400xi32, #tpu.memory_space<vmem>>, vector<16xi32>,
      %swap3A_146 = vector.shape_cast %swap3A_145 : vector<16xi32> to vector<16xi32>
      %swap3A_147 = vector.shape_cast %select_n3A_143 : vector<16xi32> to vector<16xi32>
      tpu.vector_store %arg7[%swap3A_144], %swap3A_147 {strides = array<i32>} : memref<400xi32, #tpu.memory_space<vmem>>, vector<16xi32>,
      %get3A_148 = arith.constant 112 : index
      %get3A_149 = tpu.vector_load %arg6[%get3A_148] {strides = array<i32>} : memref<400xi32, #tpu.memory_space<vmem>>, vector<16xi32>,
      %get3A_150 = vector.shape_cast %get3A_149 : vector<16xi32> to vector<16xi32>
      %ge3A_151 = vector.broadcast %mul3A_0 : i32 to vector<16xi32>
      %ge3A_152 = arith.cmpi sge, %get3A_150, %ge3A_151 : vector<16xi32>
      %add3A_153 = arith.constant 5120 : i32
      %add3A_154 = arith.addi %mul3A_0, %add3A_153 : i32
      %lt3A_155 = vector.broadcast %add3A_154 : i32 to vector<16xi32>
      %lt3A_156 = arith.cmpi slt, %get3A_150, %lt3A_155 : vector<16xi32>
      %and3A_157 = arith.andi %ge3A_152, %lt3A_156 : vector<16xi1>
      %sub3A_158 = vector.broadcast %mul3A_0 : i32 to vector<16xi32>
      %sub3A_159 = arith.subi %get3A_150, %sub3A_158 : vector<16xi32>
      %jit3A_160 = arith.constant 5120 : i32
      %broadcast_in_dim3A_161 = vector.broadcast %jit3A_160 : i32 to vector<16xi32>
      %select_n3A_162 = arith.select %and3A_157, %sub3A_159, %broadcast_in_dim3A_161 : vector<16xi1>, vector<16xi32>
      %swap3A_163 = arith.constant 112 : index
      %swap3A_164 = tpu.vector_load %arg7[%swap3A_163] {strides = array<i32>} : memref<400xi32, #tpu.memory_space<vmem>>, vector<16xi32>,
      %swap3A_165 = vector.shape_cast %swap3A_164 : vector<16xi32> to vector<16xi32>
      %swap3A_166 = vector.shape_cast %select_n3A_162 : vector<16xi32> to vector<16xi32>
      tpu.vector_store %arg7[%swap3A_163], %swap3A_166 {strides = array<i32>} : memref<400xi32, #tpu.memory_space<vmem>>, vector<16xi32>,
      %get3A_167 = arith.constant 128 : index
      %get3A_168 = tpu.vector_load %arg6[%get3A_167] {strides = array<i32>} : memref<400xi32, #tpu.memory_space<vmem>>, vector<16xi32>,
      %get3A_169 = vector.shape_cast %get3A_168 : vector<16xi32> to vector<16xi32>
      %ge3A_170 = vector.broadcast %mul3A_0 : i32 to vector<16xi32>
      %ge3A_171 = arith.cmpi sge, %get3A_169, %ge3A_170 : vector<16xi32>
      %add3A_172 = arith.constant 5120 : i32
      %add3A_173 = arith.addi %mul3A_0, %add3A_172 : i32
      %lt3A_174 = vector.broadcast %add3A_173 : i32 to vector<16xi32>
      %lt3A_175 = arith.cmpi slt, %get3A_169, %lt3A_174 : vector<16xi32>
      %and3A_176 = arith.andi %ge3A_171, %lt3A_175 : vector<16xi1>
      %sub3A_177 = vector.broadcast %mul3A_0 : i32 to vector<16xi32>
      %sub3A_178 = arith.subi %get3A_169, %sub3A_177 : vector<16xi32>
      %jit3A_179 = arith.constant 5120 : i32
      %broadcast_in_dim3A_180 = vector.broadcast %jit3A_179 : i32 to vector<16xi32>
      %select_n3A_181 = arith.select %and3A_176, %sub3A_178, %broadcast_in_dim3A_180 : vector<16xi1>, vector<16xi32>
      %swap3A_182 = arith.constant 128 : index
      %swap3A_183 = tpu.vector_load %arg7[%swap3A_182] {strides = array<i32>} : memref<400xi32, #tpu.memory_space<vmem>>, vector<16xi32>,
      %swap3A_184 = vector.shape_cast %swap3A_183 : vector<16xi32> to vector<16xi32>
      %swap3A_185 = vector.shape_cast %select_n3A_181 : vector<16xi32> to vector<16xi32>
      tpu.vector_store %arg7[%swap3A_182], %swap3A_185 {strides = array<i32>} : memref<400xi32, #tpu.memory_space<vmem>>, vector<16xi32>,
      %get3A_186 = arith.constant 144 : index
      %get3A_187 = tpu.vector_load %arg6[%get3A_186] {strides = array<i32>} : memref<400xi32, #tpu.memory_space<vmem>>, vector<16xi32>,
      %get3A_188 = vector.shape_cast %get3A_187 : vector<16xi32> to vector<16xi32>
      %ge3A_189 = vector.broadcast %mul3A_0 : i32 to vector<16xi32>
      %ge3A_190 = arith.cmpi sge, %get3A_188, %ge3A_189 : vector<16xi32>
      %add3A_191 = arith.constant 5120 : i32
      %add3A_192 = arith.addi %mul3A_0, %add3A_191 : i32
      %lt3A_193 = vector.broadcast %add3A_192 : i32 to vector<16xi32>
      %lt3A_194 = arith.cmpi slt, %get3A_188, %lt3A_193 : vector<16xi32>
      %and3A_195 = arith.andi %ge3A_190, %lt3A_194 : vector<16xi1>
      %sub3A_196 = vector.broadcast %mul3A_0 : i32 to vector<16xi32>
      %sub3A_197 = arith.subi %get3A_188, %sub3A_196 : vector<16xi32>
      %jit3A_198 = arith.constant 5120 : i32
      %broadcast_in_dim3A_199 = vector.broadcast %jit3A_198 : i32 to vector<16xi32>
      %select_n3A_200 = arith.select %and3A_195, %sub3A_197, %broadcast_in_dim3A_199 : vector<16xi1>, vector<16xi32>
      %swap3A_201 = arith.constant 144 : index
      %swap3A_202 = tpu.vector_load %arg7[%swap3A_201] {strides = array<i32>} : memref<400xi32, #tpu.memory_space<vmem>>, vector<16xi32>,
      %swap3A_203 = vector.shape_cast %swap3A_202 : vector<16xi32> to vector<16xi32>
      %swap3A_204 = vector.shape_cast %select_n3A_200 : vector<16xi32> to vector<16xi32>
      tpu.vector_store %arg7[%swap3A_201], %swap3A_204 {strides = array<i32>} : memref<400xi32, #tpu.memory_space<vmem>>, vector<16xi32>,
      %get3A_205 = arith.constant 160 : index
      %get3A_206 = tpu.vector_load %arg6[%get3A_205] {strides = array<i32>} : memref<400xi32, #tpu.memory_space<vmem>>, vector<16xi32>,
      %get3A_207 = vector.shape_cast %get3A_206 : vector<16xi32> to vector<16xi32>
      %ge3A_208 = vector.broadcast %mul3A_0 : i32 to vector<16xi32>
      %ge3A_209 = arith.cmpi sge, %get3A_207, %ge3A_208 : vector<16xi32>
      %add3A_210 = arith.constant 5120 : i32
      %add3A_211 = arith.addi %mul3A_0, %add3A_210 : i32
      %lt3A_212 = vector.broadcast %add3A_211 : i32 to vector<16xi32>
      %lt3A_213 = arith.cmpi slt, %get3A_207, %lt3A_212 : vector<16xi32>
      %and3A_214 = arith.andi %ge3A_209, %lt3A_213 : vector<16xi1>
      %sub3A_215 = vector.broadcast %mul3A_0 : i32 to vector<16xi32>
      %sub3A_216 = arith.subi %get3A_207, %sub3A_215 : vector<16xi32>
      %jit3A_217 = arith.constant 5120 : i32
      %broadcast_in_dim3A_218 = vector.broadcast %jit3A_217 : i32 to vector<16xi32>
      %select_n3A_219 = arith.select %and3A_214, %sub3A_216, %broadcast_in_dim3A_218 : vector<16xi1>, vector<16xi32>
      %swap3A_220 = arith.constant 160 : index
      %swap3A_221 = tpu.vector_load %arg7[%swap3A_220] {strides = array<i32>} : memref<400xi32, #tpu.memory_space<vmem>>, vector<16xi32>,
      %swap3A_222 = vector.shape_cast %swap3A_221 : vector<16xi32> to vector<16xi32>
      %swap3A_223 = vector.shape_cast %select_n3A_219 : vector<16xi32> to vector<16xi32>
      tpu.vector_store %arg7[%swap3A_220], %swap3A_223 {strides = array<i32>} : memref<400xi32, #tpu.memory_space<vmem>>, vector<16xi32>,
      %get3A_224 = arith.constant 176 : index
      %get3A_225 = tpu.vector_load %arg6[%get3A_224] {strides = array<i32>} : memref<400xi32, #tpu.memory_space<vmem>>, vector<16xi32>,
      %get3A_226 = vector.shape_cast %get3A_225 : vector<16xi32> to vector<16xi32>
      %ge3A_227 = vector.broadcast %mul3A_0 : i32 to vector<16xi32>
      %ge3A_228 = arith.cmpi sge, %get3A_226, %ge3A_227 : vector<16xi32>
      %add3A_229 = arith.constant 5120 : i32
      %add3A_230 = arith.addi %mul3A_0, %add3A_229 : i32
      %lt3A_231 = vector.broadcast %add3A_230 : i32 to vector<16xi32>
      %lt3A_232 = arith.cmpi slt, %get3A_226, %lt3A_231 : vector<16xi32>
      %and3A_233 = arith.andi %ge3A_228, %lt3A_232 : vector<16xi1>
      %sub3A_234 = vector.broadcast %mul3A_0 : i32 to vector<16xi32>
      %sub3A_235 = arith.subi %get3A_226, %sub3A_234 : vector<16xi32>
      %jit3A_236 = arith.constant 5120 : i32
      %broadcast_in_dim3A_237 = vector.broadcast %jit3A_236 : i32 to vector<16xi32>
      %select_n3A_238 = arith.select %and3A_233, %sub3A_235, %broadcast_in_dim3A_237 : vector<16xi1>, vector<16xi32>
      %swap3A_239 = arith.constant 176 : index
      %swap3A_240 = tpu.vector_load %arg7[%swap3A_239] {strides = array<i32>} : memref<400xi32, #tpu.memory_space<vmem>>, vector<16xi32>,
      %swap3A_241 = vector.shape_cast %swap3A_240 : vector<16xi32> to vector<16xi32>
      %swap3A_242 = vector.shape_cast %select_n3A_238 : vector<16xi32> to vector<16xi32>
      tpu.vector_store %arg7[%swap3A_239], %swap3A_242 {strides = array<i32>} : memref<400xi32, #tpu.memory_space<vmem>>, vector<16xi32>,
      %get3A_243 = arith.constant 192 : index
      %get3A_244 = tpu.vector_load %arg6[%get3A_243] {strides = array<i32>} : memref<400xi32, #tpu.memory_space<vmem>>, vector<16xi32>,
      %get3A_245 = vector.shape_cast %get3A_244 : vector<16xi32> to vector<16xi32>
      %ge3A_246 = vector.broadcast %mul3A_0 : i32 to vector<16xi32>
      %ge3A_247 = arith.cmpi sge, %get3A_245, %ge3A_246 : vector<16xi32>
      %add3A_248 = arith.constant 5120 : i32
      %add3A_249 = arith.addi %mul3A_0, %add3A_248 : i32
      %lt3A_250 = vector.broadcast %add3A_249 : i32 to vector<16xi32>
      %lt3A_251 = arith.cmpi slt, %get3A_245, %lt3A_250 : vector<16xi32>
      %and3A_252 = arith.andi %ge3A_247, %lt3A_251 : vector<16xi1>
      %sub3A_253 = vector.broadcast %mul3A_0 : i32 to vector<16xi32>
      %sub3A_254 = arith.subi %get3A_245, %sub3A_253 : vector<16xi32>
      %jit3A_255 = arith.constant 5120 : i32
      %broadcast_in_dim3A_256 = vector.broadcast %jit3A_255 : i32 to vector<16xi32>
      %select_n3A_257 = arith.select %and3A_252, %sub3A_254, %broadcast_in_dim3A_256 : vector<16xi1>, vector<16xi32>
      %swap3A_258 = arith.constant 192 : index
      %swap3A_259 = tpu.vector_load %arg7[%swap3A_258] {strides = array<i32>} : memref<400xi32, #tpu.memory_space<vmem>>, vector<16xi32>,
      %swap3A_260 = vector.shape_cast %swap3A_259 : vector<16xi32> to vector<16xi32>
      %swap3A_261 = vector.shape_cast %select_n3A_257 : vector<16xi32> to vector<16xi32>
      tpu.vector_store %arg7[%swap3A_258], %swap3A_261 {strides = array<i32>} : memref<400xi32, #tpu.memory_space<vmem>>, vector<16xi32>,
      %get3A_262 = arith.constant 208 : index
      %get3A_263 = tpu.vector_load %arg6[%get3A_262] {strides = array<i32>} : memref<400xi32, #tpu.memory_space<vmem>>, vector<16xi32>,
      %get3A_264 = vector.shape_cast %get3A_263 : vector<16xi32> to vector<16xi32>
      %ge3A_265 = vector.broadcast %mul3A_0 : i32 to vector<16xi32>
      %ge3A_266 = arith.cmpi sge, %get3A_264, %ge3A_265 : vector<16xi32>
      %add3A_267 = arith.constant 5120 : i32
      %add3A_268 = arith.addi %mul3A_0, %add3A_267 : i32
      %lt3A_269 = vector.broadcast %add3A_268 : i32 to vector<16xi32>
      %lt3A_270 = arith.cmpi slt, %get3A_264, %lt3A_269 : vector<16xi32>
      %and3A_271 = arith.andi %ge3A_266, %lt3A_270 : vector<16xi1>
      %sub3A_272 = vector.broadcast %mul3A_0 : i32 to vector<16xi32>
      %sub3A_273 = arith.subi %get3A_264, %sub3A_272 : vector<16xi32>
      %jit3A_274 = arith.constant 5120 : i32
      %broadcast_in_dim3A_275 = vector.broadcast %jit3A_274 : i32 to vector<16xi32>
      %select_n3A_276 = arith.select %and3A_271, %sub3A_273, %broadcast_in_dim3A_275 : vector<16xi1>, vector<16xi32>
      %swap3A_277 = arith.constant 208 : index
      %swap3A_278 = tpu.vector_load %arg7[%swap3A_277] {strides = array<i32>} : memref<400xi32, #tpu.memory_space<vmem>>, vector<16xi32>,
      %swap3A_279 = vector.shape_cast %swap3A_278 : vector<16xi32> to vector<16xi32>
      %swap3A_280 = vector.shape_cast %select_n3A_276 : vector<16xi32> to vector<16xi32>
      tpu.vector_store %arg7[%swap3A_277], %swap3A_280 {strides = array<i32>} : memref<400xi32, #tpu.memory_space<vmem>>, vector<16xi32>,
      %get3A_281 = arith.constant 224 : index
      %get3A_282 = tpu.vector_load %arg6[%get3A_281] {strides = array<i32>} : memref<400xi32, #tpu.memory_space<vmem>>, vector<16xi32>,
      %get3A_283 = vector.shape_cast %get3A_282 : vector<16xi32> to vector<16xi32>
      %ge3A_284 = vector.broadcast %mul3A_0 : i32 to vector<16xi32>
      %ge3A_285 = arith.cmpi sge, %get3A_283, %ge3A_284 : vector<16xi32>
      %add3A_286 = arith.constant 5120 : i32
      %add3A_287 = arith.addi %mul3A_0, %add3A_286 : i32
      %lt3A_288 = vector.broadcast %add3A_287 : i32 to vector<16xi32>
      %lt3A_289 = arith.cmpi slt, %get3A_283, %lt3A_288 : vector<16xi32>
      %and3A_290 = arith.andi %ge3A_285, %lt3A_289 : vector<16xi1>
      %sub3A_291 = vector.broadcast %mul3A_0 : i32 to vector<16xi32>
      %sub3A_292 = arith.subi %get3A_283, %sub3A_291 : vector<16xi32>
      %jit3A_293 = arith.constant 5120 : i32
      %broadcast_in_dim3A_294 = vector.broadcast %jit3A_293 : i32 to vector<16xi32>
      %select_n3A_295 = arith.select %and3A_290, %sub3A_292, %broadcast_in_dim3A_294 : vector<16xi1>, vector<16xi32>
      %swap3A_296 = arith.constant 224 : index
      %swap3A_297 = tpu.vector_load %arg7[%swap3A_296] {strides = array<i32>} : memref<400xi32, #tpu.memory_space<vmem>>, vector<16xi32>,
      %swap3A_298 = vector.shape_cast %swap3A_297 : vector<16xi32> to vector<16xi32>
      %swap3A_299 = vector.shape_cast %select_n3A_295 : vector<16xi32> to vector<16xi32>
      tpu.vector_store %arg7[%swap3A_296], %swap3A_299 {strides = array<i32>} : memref<400xi32, #tpu.memory_space<vmem>>, vector<16xi32>,
      %get3A_300 = arith.constant 240 : index
      %get3A_301 = tpu.vector_load %arg6[%get3A_300] {strides = array<i32>} : memref<400xi32, #tpu.memory_space<vmem>>, vector<16xi32>,
      %get3A_302 = vector.shape_cast %get3A_301 : vector<16xi32> to vector<16xi32>
      %ge3A_303 = vector.broadcast %mul3A_0 : i32 to vector<16xi32>
      %ge3A_304 = arith.cmpi sge, %get3A_302, %ge3A_303 : vector<16xi32>
      %add3A_305 = arith.constant 5120 : i32
      %add3A_306 = arith.addi %mul3A_0, %add3A_305 : i32
      %lt3A_307 = vector.broadcast %add3A_306 : i32 to vector<16xi32>
      %lt3A_308 = arith.cmpi slt, %get3A_302, %lt3A_307 : vector<16xi32>
      %and3A_309 = arith.andi %ge3A_304, %lt3A_308 : vector<16xi1>
      %sub3A_310 = vector.broadcast %mul3A_0 : i32 to vector<16xi32>
      %sub3A_311 = arith.subi %get3A_302, %sub3A_310 : vector<16xi32>
      %jit3A_312 = arith.constant 5120 : i32
      %broadcast_in_dim3A_313 = vector.broadcast %jit3A_312 : i32 to vector<16xi32>
      %select_n3A_314 = arith.select %and3A_309, %sub3A_311, %broadcast_in_dim3A_313 : vector<16xi1>, vector<16xi32>
      %swap3A_315 = arith.constant 240 : index
      %swap3A_316 = tpu.vector_load %arg7[%swap3A_315] {strides = array<i32>} : memref<400xi32, #tpu.memory_space<vmem>>, vector<16xi32>,
      %swap3A_317 = vector.shape_cast %swap3A_316 : vector<16xi32> to vector<16xi32>
      %swap3A_318 = vector.shape_cast %select_n3A_314 : vector<16xi32> to vector<16xi32>
      tpu.vector_store %arg7[%swap3A_315], %swap3A_318 {strides = array<i32>} : memref<400xi32, #tpu.memory_space<vmem>>, vector<16xi32>,
      %get3A_319 = arith.constant 256 : index
      %get3A_320 = tpu.vector_load %arg6[%get3A_319] {strides = array<i32>} : memref<400xi32, #tpu.memory_space<vmem>>, vector<16xi32>,
      %get3A_321 = vector.shape_cast %get3A_320 : vector<16xi32> to vector<16xi32>
      %ge3A_322 = vector.broadcast %mul3A_0 : i32 to vector<16xi32>
      %ge3A_323 = arith.cmpi sge, %get3A_321, %ge3A_322 : vector<16xi32>
      %add3A_324 = arith.constant 5120 : i32
      %add3A_325 = arith.addi %mul3A_0, %add3A_324 : i32
      %lt3A_326 = vector.broadcast %add3A_325 : i32 to vector<16xi32>
      %lt3A_327 = arith.cmpi slt, %get3A_321, %lt3A_326 : vector<16xi32>
      %and3A_328 = arith.andi %ge3A_323, %lt3A_327 : vector<16xi1>
      %sub3A_329 = vector.broadcast %mul3A_0 : i32 to vector<16xi32>
      %sub3A_330 = arith.subi %get3A_321, %sub3A_329 : vector<16xi32>
      %jit3A_331 = arith.constant 5120 : i32
      %broadcast_in_dim3A_332 = vector.broadcast %jit3A_331 : i32 to vector<16xi32>
      %select_n3A_333 = arith.select %and3A_328, %sub3A_330, %broadcast_in_dim3A_332 : vector<16xi1>, vector<16xi32>
      %swap3A_334 = arith.constant 256 : index
      %swap3A_335 = tpu.vector_load %arg7[%swap3A_334] {strides = array<i32>} : memref<400xi32, #tpu.memory_space<vmem>>, vector<16xi32>,
      %swap3A_336 = vector.shape_cast %swap3A_335 : vector<16xi32> to vector<16xi32>
      %swap3A_337 = vector.shape_cast %select_n3A_333 : vector<16xi32> to vector<16xi32>
      tpu.vector_store %arg7[%swap3A_334], %swap3A_337 {strides = array<i32>} : memref<400xi32, #tpu.memory_space<vmem>>, vector<16xi32>,
      %get3A_338 = arith.constant 272 : index
      %get3A_339 = tpu.vector_load %arg6[%get3A_338] {strides = array<i32>} : memref<400xi32, #tpu.memory_space<vmem>>, vector<16xi32>,
      %get3A_340 = vector.shape_cast %get3A_339 : vector<16xi32> to vector<16xi32>
      %ge3A_341 = vector.broadcast %mul3A_0 : i32 to vector<16xi32>
      %ge3A_342 = arith.cmpi sge, %get3A_340, %ge3A_341 : vector<16xi32>
      %add3A_343 = arith.constant 5120 : i32
      %add3A_344 = arith.addi %mul3A_0, %add3A_343 : i32
      %lt3A_345 = vector.broadcast %add3A_344 : i32 to vector<16xi32>
      %lt3A_346 = arith.cmpi slt, %get3A_340, %lt3A_345 : vector<16xi32>
      %and3A_347 = arith.andi %ge3A_342, %lt3A_346 : vector<16xi1>
      %sub3A_348 = vector.broadcast %mul3A_0 : i32 to vector<16xi32>
      %sub3A_349 = arith.subi %get3A_340, %sub3A_348 : vector<16xi32>
      %jit3A_350 = arith.constant 5120 : i32
      %broadcast_in_dim3A_351 = vector.broadcast %jit3A_350 : i32 to vector<16xi32>
      %select_n3A_352 = arith.select %and3A_347, %sub3A_349, %broadcast_in_dim3A_351 : vector<16xi1>, vector<16xi32>
      %swap3A_353 = arith.constant 272 : index
      %swap3A_354 = tpu.vector_load %arg7[%swap3A_353] {strides = array<i32>} : memref<400xi32, #tpu.memory_space<vmem>>, vector<16xi32>,
      %swap3A_355 = vector.shape_cast %swap3A_354 : vector<16xi32> to vector<16xi32>
      %swap3A_356 = vector.shape_cast %select_n3A_352 : vector<16xi32> to vector<16xi32>
      tpu.vector_store %arg7[%swap3A_353], %swap3A_356 {strides = array<i32>} : memref<400xi32, #tpu.memory_space<vmem>>, vector<16xi32>,
      %get3A_357 = arith.constant 288 : index
      %get3A_358 = tpu.vector_load %arg6[%get3A_357] {strides = array<i32>} : memref<400xi32, #tpu.memory_space<vmem>>, vector<16xi32>,
      %get3A_359 = vector.shape_cast %get3A_358 : vector<16xi32> to vector<16xi32>
      %ge3A_360 = vector.broadcast %mul3A_0 : i32 to vector<16xi32>
      %ge3A_361 = arith.cmpi sge, %get3A_359, %ge3A_360 : vector<16xi32>
      %add3A_362 = arith.constant 5120 : i32
      %add3A_363 = arith.addi %mul3A_0, %add3A_362 : i32
      %lt3A_364 = vector.broadcast %add3A_363 : i32 to vector<16xi32>
      %lt3A_365 = arith.cmpi slt, %get3A_359, %lt3A_364 : vector<16xi32>
      %and3A_366 = arith.andi %ge3A_361, %lt3A_365 : vector<16xi1>
      %sub3A_367 = vector.broadcast %mul3A_0 : i32 to vector<16xi32>
      %sub3A_368 = arith.subi %get3A_359, %sub3A_367 : vector<16xi32>
      %jit3A_369 = arith.constant 5120 : i32
      %broadcast_in_dim3A_370 = vector.broadcast %jit3A_369 : i32 to vector<16xi32>
      %select_n3A_371 = arith.select %and3A_366, %sub3A_368, %broadcast_in_dim3A_370 : vector<16xi1>, vector<16xi32>
      %swap3A_372 = arith.constant 288 : index
      %swap3A_373 = tpu.vector_load %arg7[%swap3A_372] {strides = array<i32>} : memref<400xi32, #tpu.memory_space<vmem>>, vector<16xi32>,
      %swap3A_374 = vector.shape_cast %swap3A_373 : vector<16xi32> to vector<16xi32>
      %swap3A_375 = vector.shape_cast %select_n3A_371 : vector<16xi32> to vector<16xi32>
      tpu.vector_store %arg7[%swap3A_372], %swap3A_375 {strides = array<i32>} : memref<400xi32, #tpu.memory_space<vmem>>, vector<16xi32>,
      %get3A_376 = arith.constant 304 : index
      %get3A_377 = tpu.vector_load %arg6[%get3A_376] {strides = array<i32>} : memref<400xi32, #tpu.memory_space<vmem>>, vector<16xi32>,
      %get3A_378 = vector.shape_cast %get3A_377 : vector<16xi32> to vector<16xi32>
      %ge3A_379 = vector.broadcast %mul3A_0 : i32 to vector<16xi32>
      %ge3A_380 = arith.cmpi sge, %get3A_378, %ge3A_379 : vector<16xi32>
      %add3A_381 = arith.constant 5120 : i32
      %add3A_382 = arith.addi %mul3A_0, %add3A_381 : i32
      %lt3A_383 = vector.broadcast %add3A_382 : i32 to vector<16xi32>
      %lt3A_384 = arith.cmpi slt, %get3A_378, %lt3A_383 : vector<16xi32>
      %and3A_385 = arith.andi %ge3A_380, %lt3A_384 : vector<16xi1>
      %sub3A_386 = vector.broadcast %mul3A_0 : i32 to vector<16xi32>
      %sub3A_387 = arith.subi %get3A_378, %sub3A_386 : vector<16xi32>
      %jit3A_388 = arith.constant 5120 : i32
      %broadcast_in_dim3A_389 = vector.broadcast %jit3A_388 : i32 to vector<16xi32>
      %select_n3A_390 = arith.select %and3A_385, %sub3A_387, %broadcast_in_dim3A_389 : vector<16xi1>, vector<16xi32>
      %swap3A_391 = arith.constant 304 : index
      %swap3A_392 = tpu.vector_load %arg7[%swap3A_391] {strides = array<i32>} : memref<400xi32, #tpu.memory_space<vmem>>, vector<16xi32>,
      %swap3A_393 = vector.shape_cast %swap3A_392 : vector<16xi32> to vector<16xi32>
      %swap3A_394 = vector.shape_cast %select_n3A_390 : vector<16xi32> to vector<16xi32>
      tpu.vector_store %arg7[%swap3A_391], %swap3A_394 {strides = array<i32>} : memref<400xi32, #tpu.memory_space<vmem>>, vector<16xi32>,
      %get3A_395 = arith.constant 320 : index
      %get3A_396 = tpu.vector_load %arg6[%get3A_395] {strides = array<i32>} : memref<400xi32, #tpu.memory_space<vmem>>, vector<16xi32>,
      %get3A_397 = vector.shape_cast %get3A_396 : vector<16xi32> to vector<16xi32>
      %ge3A_398 = vector.broadcast %mul3A_0 : i32 to vector<16xi32>
      %ge3A_399 = arith.cmpi sge, %get3A_397, %ge3A_398 : vector<16xi32>
      %add3A_400 = arith.constant 5120 : i32
      %add3A_401 = arith.addi %mul3A_0, %add3A_400 : i32
      %lt3A_402 = vector.broadcast %add3A_401 : i32 to vector<16xi32>
      %lt3A_403 = arith.cmpi slt, %get3A_397, %lt3A_402 : vector<16xi32>
      %and3A_404 = arith.andi %ge3A_399, %lt3A_403 : vector<16xi1>
      %sub3A_405 = vector.broadcast %mul3A_0 : i32 to vector<16xi32>
      %sub3A_406 = arith.subi %get3A_397, %sub3A_405 : vector<16xi32>
      %jit3A_407 = arith.constant 5120 : i32
      %broadcast_in_dim3A_408 = vector.broadcast %jit3A_407 : i32 to vector<16xi32>
      %select_n3A_409 = arith.select %and3A_404, %sub3A_406, %broadcast_in_dim3A_408 : vector<16xi1>, vector<16xi32>
      %swap3A_410 = arith.constant 320 : index
      %swap3A_411 = tpu.vector_load %arg7[%swap3A_410] {strides = array<i32>} : memref<400xi32, #tpu.memory_space<vmem>>, vector<16xi32>,
      %swap3A_412 = vector.shape_cast %swap3A_411 : vector<16xi32> to vector<16xi32>
      %swap3A_413 = vector.shape_cast %select_n3A_409 : vector<16xi32> to vector<16xi32>
      tpu.vector_store %arg7[%swap3A_410], %swap3A_413 {strides = array<i32>} : memref<400xi32, #tpu.memory_space<vmem>>, vector<16xi32>,
      %get3A_414 = arith.constant 336 : index
      %get3A_415 = tpu.vector_load %arg6[%get3A_414] {strides = array<i32>} : memref<400xi32, #tpu.memory_space<vmem>>, vector<16xi32>,
      %get3A_416 = vector.shape_cast %get3A_415 : vector<16xi32> to vector<16xi32>
      %ge3A_417 = vector.broadcast %mul3A_0 : i32 to vector<16xi32>
      %ge3A_418 = arith.cmpi sge, %get3A_416, %ge3A_417 : vector<16xi32>
      %add3A_419 = arith.constant 5120 : i32
      %add3A_420 = arith.addi %mul3A_0, %add3A_419 : i32
      %lt3A_421 = vector.broadcast %add3A_420 : i32 to vector<16xi32>
      %lt3A_422 = arith.cmpi slt, %get3A_416, %lt3A_421 : vector<16xi32>
      %and3A_423 = arith.andi %ge3A_418, %lt3A_422 : vector<16xi1>
      %sub3A_424 = vector.broadcast %mul3A_0 : i32 to vector<16xi32>
      %sub3A_425 = arith.subi %get3A_416, %sub3A_424 : vector<16xi32>
      %jit3A_426 = arith.constant 5120 : i32
      %broadcast_in_dim3A_427 = vector.broadcast %jit3A_426 : i32 to vector<16xi32>
      %select_n3A_428 = arith.select %and3A_423, %sub3A_425, %broadcast_in_dim3A_427 : vector<16xi1>, vector<16xi32>
      %swap3A_429 = arith.constant 336 : index
      %swap3A_430 = tpu.vector_load %arg7[%swap3A_429] {strides = array<i32>} : memref<400xi32, #tpu.memory_space<vmem>>, vector<16xi32>,
      %swap3A_431 = vector.shape_cast %swap3A_430 : vector<16xi32> to vector<16xi32>
      %swap3A_432 = vector.shape_cast %select_n3A_428 : vector<16xi32> to vector<16xi32>
      tpu.vector_store %arg7[%swap3A_429], %swap3A_432 {strides = array<i32>} : memref<400xi32, #tpu.memory_space<vmem>>, vector<16xi32>,
      %get3A_433 = arith.constant 352 : index
      %get3A_434 = tpu.vector_load %arg6[%get3A_433] {strides = array<i32>} : memref<400xi32, #tpu.memory_space<vmem>>, vector<16xi32>,
      %get3A_435 = vector.shape_cast %get3A_434 : vector<16xi32> to vector<16xi32>
      %ge3A_436 = vector.broadcast %mul3A_0 : i32 to vector<16xi32>
      %ge3A_437 = arith.cmpi sge, %get3A_435, %ge3A_436 : vector<16xi32>
      %add3A_438 = arith.constant 5120 : i32
      %add3A_439 = arith.addi %mul3A_0, %add3A_438 : i32
      %lt3A_440 = vector.broadcast %add3A_439 : i32 to vector<16xi32>
      %lt3A_441 = arith.cmpi slt, %get3A_435, %lt3A_440 : vector<16xi32>
      %and3A_442 = arith.andi %ge3A_437, %lt3A_441 : vector<16xi1>
      %sub3A_443 = vector.broadcast %mul3A_0 : i32 to vector<16xi32>
      %sub3A_444 = arith.subi %get3A_435, %sub3A_443 : vector<16xi32>
      %jit3A_445 = arith.constant 5120 : i32
      %broadcast_in_dim3A_446 = vector.broadcast %jit3A_445 : i32 to vector<16xi32>
      %select_n3A_447 = arith.select %and3A_442, %sub3A_444, %broadcast_in_dim3A_446 : vector<16xi1>, vector<16xi32>
      %swap3A_448 = arith.constant 352 : index
      %swap3A_449 = tpu.vector_load %arg7[%swap3A_448] {strides = array<i32>} : memref<400xi32, #tpu.memory_space<vmem>>, vector<16xi32>,
      %swap3A_450 = vector.shape_cast %swap3A_449 : vector<16xi32> to vector<16xi32>
      %swap3A_451 = vector.shape_cast %select_n3A_447 : vector<16xi32> to vector<16xi32>
      tpu.vector_store %arg7[%swap3A_448], %swap3A_451 {strides = array<i32>} : memref<400xi32, #tpu.memory_space<vmem>>, vector<16xi32>,
      %get3A_452 = arith.constant 368 : index
      %get3A_453 = tpu.vector_load %arg6[%get3A_452] {strides = array<i32>} : memref<400xi32, #tpu.memory_space<vmem>>, vector<16xi32>,
      %get3A_454 = vector.shape_cast %get3A_453 : vector<16xi32> to vector<16xi32>
      %ge3A_455 = vector.broadcast %mul3A_0 : i32 to vector<16xi32>
      %ge3A_456 = arith.cmpi sge, %get3A_454, %ge3A_455 : vector<16xi32>
      %add3A_457 = arith.constant 5120 : i32
      %add3A_458 = arith.addi %mul3A_0, %add3A_457 : i32
      %lt3A_459 = vector.broadcast %add3A_458 : i32 to vector<16xi32>
      %lt3A_460 = arith.cmpi slt, %get3A_454, %lt3A_459 : vector<16xi32>
      %and3A_461 = arith.andi %ge3A_456, %lt3A_460 : vector<16xi1>
      %sub3A_462 = vector.broadcast %mul3A_0 : i32 to vector<16xi32>
      %sub3A_463 = arith.subi %get3A_454, %sub3A_462 : vector<16xi32>
      %jit3A_464 = arith.constant 5120 : i32
      %broadcast_in_dim3A_465 = vector.broadcast %jit3A_464 : i32 to vector<16xi32>
      %select_n3A_466 = arith.select %and3A_461, %sub3A_463, %broadcast_in_dim3A_465 : vector<16xi1>, vector<16xi32>
      %swap3A_467 = arith.constant 368 : index
      %swap3A_468 = tpu.vector_load %arg7[%swap3A_467] {strides = array<i32>} : memref<400xi32, #tpu.memory_space<vmem>>, vector<16xi32>,
      %swap3A_469 = vector.shape_cast %swap3A_468 : vector<16xi32> to vector<16xi32>
      %swap3A_470 = vector.shape_cast %select_n3A_466 : vector<16xi32> to vector<16xi32>
      tpu.vector_store %arg7[%swap3A_467], %swap3A_470 {strides = array<i32>} : memref<400xi32, #tpu.memory_space<vmem>>, vector<16xi32>,
      %get3A_471 = arith.constant 384 : index
      %get3A_472 = tpu.vector_load %arg6[%get3A_471] {strides = array<i32>} : memref<400xi32, #tpu.memory_space<vmem>>, vector<16xi32>,
      %get3A_473 = vector.shape_cast %get3A_472 : vector<16xi32> to vector<16xi32>
      %ge3A_474 = vector.broadcast %mul3A_0 : i32 to vector<16xi32>
      %ge3A_475 = arith.cmpi sge, %get3A_473, %ge3A_474 : vector<16xi32>
      %add3A_476 = arith.constant 5120 : i32
      %add3A_477 = arith.addi %mul3A_0, %add3A_476 : i32
      %lt3A_478 = vector.broadcast %add3A_477 : i32 to vector<16xi32>
      %lt3A_479 = arith.cmpi slt, %get3A_473, %lt3A_478 : vector<16xi32>
      %and3A_480 = arith.andi %ge3A_475, %lt3A_479 : vector<16xi1>
      %sub3A_481 = vector.broadcast %mul3A_0 : i32 to vector<16xi32>
      %sub3A_482 = arith.subi %get3A_473, %sub3A_481 : vector<16xi32>
      %jit3A_483 = arith.constant 5120 : i32
      %broadcast_in_dim3A_484 = vector.broadcast %jit3A_483 : i32 to vector<16xi32>
      %select_n3A_485 = arith.select %and3A_480, %sub3A_482, %broadcast_in_dim3A_484 : vector<16xi1>, vector<16xi32>
      %swap3A_486 = arith.constant 384 : index
      %swap3A_487 = tpu.vector_load %arg7[%swap3A_486] {strides = array<i32>} : memref<400xi32, #tpu.memory_space<vmem>>, vector<16xi32>,
      %swap3A_488 = vector.shape_cast %swap3A_487 : vector<16xi32> to vector<16xi32>
      %swap3A_489 = vector.shape_cast %select_n3A_485 : vector<16xi32> to vector<16xi32>
      tpu.vector_store %arg7[%swap3A_486], %swap3A_489 {strides = array<i32>} : memref<400xi32, #tpu.memory_space<vmem>>, vector<16xi32>,
      "tpu.region"() ({
        %run_scoped3A = tpu.sem_alloc : memref<!tpu.dma_semaphore, #tpu.memory_space<semaphore_mem>>
        %dma_start3A = arith.constant 0 : i32
        %dma_start3A_490 = arith.constant 0 : i32
        %dma_start3A_491 = tpu.memref_slice %arg5[%dma_start3A, %dma_start3A_490] : memref<5128x16xf32, #tpu.memory_space<vmem_shared>> -> memref<5128x16xf32, #tpu.memory_space<vmem_shared>>
        tpu.enqueue_indirect_dma source(%arg8 : memref<400x16xf32, #tpu.memory_space<vmem>>) target(%dma_start3A_491 : memref<5128x16xf32, #tpu.memory_space<vmem_shared>>) offsets(%arg7 : memref<400xi32, #tpu.memory_space<vmem>>) semaphore(%run_scoped3A : memref<!tpu.dma_semaphore, #tpu.memory_space<semaphore_mem>>) {add = true}
        %dma_wait3A = arith.constant 0 : i32
        %dma_wait3A_492 = arith.constant 0 : i32
        %dma_wait3A_493 = tpu.memref_slice %arg5[%dma_wait3A, %dma_wait3A_492] : memref<5128x16xf32, #tpu.memory_space<vmem_shared>> -> memref<5128x16xf32, #tpu.memory_space<vmem_shared>>
        tpu.wait_indirect_dma semaphore(%run_scoped3A : memref<!tpu.dma_semaphore, #tpu.memory_space<semaphore_mem>>) src(%arg8 : memref<400x16xf32, #tpu.memory_space<vmem>>) dst(%dma_wait3A_493 : memref<5128x16xf32, #tpu.memory_space<vmem_shared>>)
        tpu.yield
      }) : () -> ()
    }
    %scan3A_8 = arith.constant 25 : i32
    %barrier3A_9 = arith.constant 0 : index
    tpu.barrier barrier_id(%barrier3A_9)
    %mul3A_10 = arith.constant 320 : i32
    %mul3A_11 = arith.muli %arg1, %mul3A_10 : i32
    %mul3A_12 = arith.constant 320 : i32
    %mul3A_13 = arith.muli %arg1, %mul3A_12 : i32
    %add3A = arith.addi %mul3A_0, %mul3A_13 : i32
    "tpu.region"() ({
      %run_scoped3A = tpu.sem_alloc : memref<!tpu.dma_semaphore, #tpu.memory_space<semaphore_mem>>
      %dma_start3A = arith.constant 0 : i32
      %dma_start3A_14 = tpu.memref_slice %arg4[%add3A, %dma_start3A] : memref<10240x16xf32, #tpu.memory_space<hbm>> -> memref<320x16xf32, #tpu.memory_space<hbm>>
      %dma_start3A_15 = arith.constant 0 : i32
      %dma_start3A_16 = tpu.memref_slice %arg5[%mul3A_11, %dma_start3A_15] : memref<5128x16xf32, #tpu.memory_space<vmem_shared>> -> memref<320x16xf32, #tpu.memory_space<vmem_shared>>
      tpu.enqueue_dma source(%dma_start3A_16 : memref<320x16xf32, #tpu.memory_space<vmem_shared>>) target(%dma_start3A_14 : memref<320x16xf32, #tpu.memory_space<hbm>>) target_semaphore(%run_scoped3A : memref<!tpu.dma_semaphore, #tpu.memory_space<semaphore_mem>>)
      %dma_wait3A = arith.constant 0 : i32
      %dma_wait3A_17 = tpu.memref_slice %arg4[%add3A, %dma_wait3A] : memref<10240x16xf32, #tpu.memory_space<hbm>> -> memref<320x16xf32, #tpu.memory_space<hbm>>
      %dma_wait3A_18 = arith.constant 0 : i32
      %dma_wait3A_19 = tpu.memref_slice %arg5[%mul3A_11, %dma_wait3A_18] : memref<5128x16xf32, #tpu.memory_space<vmem_shared>> -> memref<320x16xf32, #tpu.memory_space<vmem_shared>>
      tpu.wait_dma2 semaphore(%run_scoped3A : memref<!tpu.dma_semaphore, #tpu.memory_space<semaphore_mem>>) src(%dma_wait3A_19 : memref<320x16xf32, #tpu.memory_space<vmem_shared>>) dst(%dma_wait3A_17 : memref<320x16xf32, #tpu.memory_space<hbm>>)
      tpu.yield
    }) : () -> ()
    return
  }
}

#map = affine_map<(d0, d1) -> (0)>
#map1 = affine_map<(d0, d1) -> (0, 0)>
module attributes {stable_mosaic.version = 14 : i64} {
  func.func @_scatter_kernel(%arg0: i32, %arg1: i32, %arg2: memref<160000xi32, #tpu.memory_space<hbm>>, %arg3: memref<160000xi32, #tpu.memory_space<hbm>>, %arg4: memref<10240x256xf32, #tpu.memory_space<hbm>>, %arg5: memref<10240x256xf32, #tpu.memory_space<hbm>>, %arg6: memref<5128x256xf32, #tpu.memory_space<vmem_shared>>, %arg7: memref<80xi32, #tpu.memory_space<vmem>>, %arg8: memref<80xi32, #tpu.memory_space<vmem>>, %arg9: memref<80xi32, #tpu.memory_space<vmem>>, %arg10: memref<80xi32, #tpu.memory_space<vmem>>, %arg11: memref<80xi32, #tpu.memory_space<vmem>>, %arg12: memref<80x256xf32, #tpu.memory_space<vmem>>, %arg13: memref<80x256xf32, #tpu.memory_space<vmem>>, %arg14: memref<!tpu.dma_semaphore, #tpu.memory_space<semaphore_mem>>, %arg15: memref<!tpu.dma_semaphore, #tpu.memory_space<semaphore_mem>>) attributes {dimension_semantics = [#tpu.dimension_semantics<core_parallel>, #tpu.dimension_semantics<subcore_parallel>], iteration_bounds = array<i64: 2, 16>, scalar_prefetch = 0 : i64, scratch_operands = 10 : i64, tpu.core_type = #tpu.core_type<sc_vector_subcore>, window_params = [{transform_indices = #map}, {transform_indices = #map}, {transform_indices = #map1}, {transform_indices = #map1}]} {
    %mul3A = arith.constant 5120 : i32
    %mul3A_0 = arith.muli %arg0, %mul3A : i32
    %mul3A_1 = arith.constant 320 : i32
    %mul3A_2 = arith.muli %arg1, %mul3A_1 : i32
    %add3A = arith.addi %mul3A_0, %mul3A_2 : i32
    %mul3A_3 = arith.constant 320 : i32
    %mul3A_4 = arith.muli %arg1, %mul3A_3 : i32
    "tpu.region"() ({
      %run_scoped3A = tpu.sem_alloc : memref<!tpu.dma_semaphore, #tpu.memory_space<semaphore_mem>>
      %dma_start3A_111 = arith.constant 0 : i32
      %dma_start3A_112 = tpu.memref_slice %arg6[%mul3A_4, %dma_start3A_111] : memref<5128x256xf32, #tpu.memory_space<vmem_shared>> -> memref<320x256xf32, #tpu.memory_space<vmem_shared>>
      %dma_start3A_113 = arith.constant 0 : i32
      %dma_start3A_114 = tpu.memref_slice %arg4[%add3A, %dma_start3A_113] : memref<10240x256xf32, #tpu.memory_space<hbm>> -> memref<320x256xf32, #tpu.memory_space<hbm>>
      tpu.enqueue_dma source(%dma_start3A_114 : memref<320x256xf32, #tpu.memory_space<hbm>>) target(%dma_start3A_112 : memref<320x256xf32, #tpu.memory_space<vmem_shared>>) target_semaphore(%run_scoped3A : memref<!tpu.dma_semaphore, #tpu.memory_space<semaphore_mem>>)
      %dma_wait3A_115 = arith.constant 0 : i32
      %dma_wait3A_116 = tpu.memref_slice %arg6[%mul3A_4, %dma_wait3A_115] : memref<5128x256xf32, #tpu.memory_space<vmem_shared>> -> memref<320x256xf32, #tpu.memory_space<vmem_shared>>
      %dma_wait3A_117 = arith.constant 0 : i32
      %dma_wait3A_118 = tpu.memref_slice %arg4[%add3A, %dma_wait3A_117] : memref<10240x256xf32, #tpu.memory_space<hbm>> -> memref<320x256xf32, #tpu.memory_space<hbm>>
      tpu.wait_dma2 semaphore(%run_scoped3A : memref<!tpu.dma_semaphore, #tpu.memory_space<semaphore_mem>>) src(%dma_wait3A_118 : memref<320x256xf32, #tpu.memory_space<hbm>>) dst(%dma_wait3A_116 : memref<320x256xf32, #tpu.memory_space<vmem_shared>>)
      tpu.yield
    }) : () -> ()
    %eq3A = arith.constant 0 : i32
    %eq3A_5 = arith.cmpi eq, %arg1, %eq3A : i32
    %convert_element_type3A = arith.extui %eq3A_5 : i1 to i32
    %cond3A = arith.constant 0 : i32
    %cond3A_6 = arith.cmpi ne, %convert_element_type3A, %cond3A : i32
    scf.if %cond3A_6 {
      "tpu.region"() ({
        %run_scoped3A = tpu.sem_alloc : memref<!tpu.dma_semaphore, #tpu.memory_space<semaphore_mem>>
        %dma_start3A_111 = arith.constant 5120 : i32
        %dma_start3A_112 = arith.constant 0 : i32
        %dma_start3A_113 = tpu.memref_slice %arg6[%dma_start3A_111, %dma_start3A_112] : memref<5128x256xf32, #tpu.memory_space<vmem_shared>> -> memref<8x256xf32, #tpu.memory_space<vmem_shared>>
        %dma_start3A_114 = arith.constant 0 : i32
        %dma_start3A_115 = arith.constant 0 : i32
        %dma_start3A_116 = tpu.memref_slice %arg4[%dma_start3A_114, %dma_start3A_115] : memref<10240x256xf32, #tpu.memory_space<hbm>> -> memref<8x256xf32, #tpu.memory_space<hbm>>
        tpu.enqueue_dma source(%dma_start3A_116 : memref<8x256xf32, #tpu.memory_space<hbm>>) target(%dma_start3A_113 : memref<8x256xf32, #tpu.memory_space<vmem_shared>>) target_semaphore(%run_scoped3A : memref<!tpu.dma_semaphore, #tpu.memory_space<semaphore_mem>>)
        %dma_wait3A_117 = arith.constant 5120 : i32
        %dma_wait3A_118 = arith.constant 0 : i32
        %dma_wait3A_119 = tpu.memref_slice %arg6[%dma_wait3A_117, %dma_wait3A_118] : memref<5128x256xf32, #tpu.memory_space<vmem_shared>> -> memref<8x256xf32, #tpu.memory_space<vmem_shared>>
        %dma_wait3A_120 = arith.constant 0 : i32
        %dma_wait3A_121 = arith.constant 0 : i32
        %dma_wait3A_122 = tpu.memref_slice %arg4[%dma_wait3A_120, %dma_wait3A_121] : memref<10240x256xf32, #tpu.memory_space<hbm>> -> memref<8x256xf32, #tpu.memory_space<hbm>>
        tpu.wait_dma2 semaphore(%run_scoped3A : memref<!tpu.dma_semaphore, #tpu.memory_space<semaphore_mem>>) src(%dma_wait3A_122 : memref<8x256xf32, #tpu.memory_space<hbm>>) dst(%dma_wait3A_119 : memref<8x256xf32, #tpu.memory_space<vmem_shared>>)
        tpu.yield
      }) : () -> ()
    } else {
    }
    %barrier3A = arith.constant 0 : index
    tpu.barrier barrier_id(%barrier3A)
    %mul3A_7 = arith.constant 10000 : i32
    %mul3A_8 = arith.muli %arg1, %mul3A_7 : i32
    %add3A_9 = arith.constant 0 : i32
    %add3A_10 = arith.addi %mul3A_8, %add3A_9 : i32
    %multiple_of3A = tpu.assume_multiple %add3A_10, 8 : i32
    "tpu.region"() ({
      %run_scoped3A = tpu.sem_alloc : memref<!tpu.dma_semaphore, #tpu.memory_space<semaphore_mem>>
      %dma_start3A_111 = tpu.memref_slice %arg2[%multiple_of3A] : memref<160000xi32, #tpu.memory_space<hbm>> -> memref<80xi32, #tpu.memory_space<hbm>>
      %dma_start3A_112 = tpu.memref_slice %arg2[%multiple_of3A] : memref<160000xi32, #tpu.memory_space<hbm>> -> memref<80xi32, #tpu.memory_space<hbm>>
      tpu.enqueue_dma source(%dma_start3A_112 : memref<80xi32, #tpu.memory_space<hbm>>) target(%arg7 : memref<80xi32, #tpu.memory_space<vmem>>) target_semaphore(%run_scoped3A : memref<!tpu.dma_semaphore, #tpu.memory_space<semaphore_mem>>)
      %dma_wait3A_113 = tpu.memref_slice %arg2[%multiple_of3A] : memref<160000xi32, #tpu.memory_space<hbm>> -> memref<80xi32, #tpu.memory_space<hbm>>
      %dma_wait3A_114 = tpu.memref_slice %arg2[%multiple_of3A] : memref<160000xi32, #tpu.memory_space<hbm>> -> memref<80xi32, #tpu.memory_space<hbm>>
      tpu.wait_dma2 semaphore(%run_scoped3A : memref<!tpu.dma_semaphore, #tpu.memory_space<semaphore_mem>>) src(%dma_wait3A_114 : memref<80xi32, #tpu.memory_space<hbm>>) dst(%arg7 : memref<80xi32, #tpu.memory_space<vmem>>)
      tpu.yield
    }) : () -> ()
    "tpu.region"() ({
      %run_scoped3A = tpu.sem_alloc : memref<!tpu.dma_semaphore, #tpu.memory_space<semaphore_mem>>
      %dma_start3A_111 = tpu.memref_slice %arg3[%multiple_of3A] : memref<160000xi32, #tpu.memory_space<hbm>> -> memref<80xi32, #tpu.memory_space<hbm>>
      %dma_start3A_112 = tpu.memref_slice %arg3[%multiple_of3A] : memref<160000xi32, #tpu.memory_space<hbm>> -> memref<80xi32, #tpu.memory_space<hbm>>
      tpu.enqueue_dma source(%dma_start3A_112 : memref<80xi32, #tpu.memory_space<hbm>>) target(%arg9 : memref<80xi32, #tpu.memory_space<vmem>>) target_semaphore(%run_scoped3A : memref<!tpu.dma_semaphore, #tpu.memory_space<semaphore_mem>>)
      %dma_wait3A_113 = tpu.memref_slice %arg3[%multiple_of3A] : memref<160000xi32, #tpu.memory_space<hbm>> -> memref<80xi32, #tpu.memory_space<hbm>>
      %dma_wait3A_114 = tpu.memref_slice %arg3[%multiple_of3A] : memref<160000xi32, #tpu.memory_space<hbm>> -> memref<80xi32, #tpu.memory_space<hbm>>
      tpu.wait_dma2 semaphore(%run_scoped3A : memref<!tpu.dma_semaphore, #tpu.memory_space<semaphore_mem>>) src(%dma_wait3A_114 : memref<80xi32, #tpu.memory_space<hbm>>) dst(%arg9 : memref<80xi32, #tpu.memory_space<vmem>>)
      tpu.yield
    }) : () -> ()
    %dma_start3A = arith.constant 0 : i32
    %dma_start3A_11 = arith.constant 0 : i32
    %dma_start3A_12 = tpu.memref_slice %arg4[%dma_start3A, %dma_start3A_11] : memref<10240x256xf32, #tpu.memory_space<hbm>> -> memref<10240x256xf32, #tpu.memory_space<hbm>>
    tpu.enqueue_indirect_dma source(%dma_start3A_12 : memref<10240x256xf32, #tpu.memory_space<hbm>>) target(%arg12 : memref<80x256xf32, #tpu.memory_space<vmem>>) offsets(%arg7 : memref<80xi32, #tpu.memory_space<vmem>>) semaphore(%arg14 : memref<!tpu.dma_semaphore, #tpu.memory_space<semaphore_mem>>)
    %scan3A = arith.constant 0 : i32
    %scan3A_13 = arith.constant 62 : i32
    %scan3A_14 = arith.addi %scan3A, %scan3A_13 : i32
    %scan3A_15 = arith.constant 1 : i32
    scf.for %scan3A_111 = %scan3A to %scan3A_14 step %scan3A_15  : i32 {
      %mul3A_112 = arith.constant 1 : i32
      %mul3A_113 = arith.muli %scan3A_111, %mul3A_112 : i32
      %add3A_114 = arith.constant 0 : i32
      %add3A_115 = arith.addi %add3A_114, %mul3A_113 : i32
      %mul3A_116 = arith.constant 2 : i32
      %mul3A_117 = arith.muli %add3A_115, %mul3A_116 : i32
      %add3A_118 = arith.constant 1 : i32
      %add3A_119 = arith.addi %mul3A_117, %add3A_118 : i32
      %mul3A_120 = arith.constant 10000 : i32
      %mul3A_121 = arith.muli %arg1, %mul3A_120 : i32
      %mul3A_122 = arith.constant 80 : i32
      %mul3A_123 = arith.muli %add3A_119, %mul3A_122 : i32
      %add3A_124 = arith.addi %mul3A_121, %mul3A_123 : i32
      %multiple_of3A_125 = tpu.assume_multiple %add3A_124, 8 : i32
      "tpu.region"() ({
        %run_scoped3A = tpu.sem_alloc : memref<!tpu.dma_semaphore, #tpu.memory_space<semaphore_mem>>
        %dma_start3A_336 = tpu.memref_slice %arg2[%multiple_of3A_125] : memref<160000xi32, #tpu.memory_space<hbm>> -> memref<80xi32, #tpu.memory_space<hbm>>
        %dma_start3A_337 = tpu.memref_slice %arg2[%multiple_of3A_125] : memref<160000xi32, #tpu.memory_space<hbm>> -> memref<80xi32, #tpu.memory_space<hbm>>
        tpu.enqueue_dma source(%dma_start3A_337 : memref<80xi32, #tpu.memory_space<hbm>>) target(%arg8 : memref<80xi32, #tpu.memory_space<vmem>>) target_semaphore(%run_scoped3A : memref<!tpu.dma_semaphore, #tpu.memory_space<semaphore_mem>>)
        %dma_wait3A_338 = tpu.memref_slice %arg2[%multiple_of3A_125] : memref<160000xi32, #tpu.memory_space<hbm>> -> memref<80xi32, #tpu.memory_space<hbm>>
        %dma_wait3A_339 = tpu.memref_slice %arg2[%multiple_of3A_125] : memref<160000xi32, #tpu.memory_space<hbm>> -> memref<80xi32, #tpu.memory_space<hbm>>
        tpu.wait_dma2 semaphore(%run_scoped3A : memref<!tpu.dma_semaphore, #tpu.memory_space<semaphore_mem>>) src(%dma_wait3A_339 : memref<80xi32, #tpu.memory_space<hbm>>) dst(%arg8 : memref<80xi32, #tpu.memory_space<vmem>>)
        tpu.yield
      }) : () -> ()
      "tpu.region"() ({
        %run_scoped3A = tpu.sem_alloc : memref<!tpu.dma_semaphore, #tpu.memory_space<semaphore_mem>>
        %dma_start3A_336 = tpu.memref_slice %arg3[%multiple_of3A_125] : memref<160000xi32, #tpu.memory_space<hbm>> -> memref<80xi32, #tpu.memory_space<hbm>>
        %dma_start3A_337 = tpu.memref_slice %arg3[%multiple_of3A_125] : memref<160000xi32, #tpu.memory_space<hbm>> -> memref<80xi32, #tpu.memory_space<hbm>>
        tpu.enqueue_dma source(%dma_start3A_337 : memref<80xi32, #tpu.memory_space<hbm>>) target(%arg10 : memref<80xi32, #tpu.memory_space<vmem>>) target_semaphore(%run_scoped3A : memref<!tpu.dma_semaphore, #tpu.memory_space<semaphore_mem>>)
        %dma_wait3A_338 = tpu.memref_slice %arg3[%multiple_of3A_125] : memref<160000xi32, #tpu.memory_space<hbm>> -> memref<80xi32, #tpu.memory_space<hbm>>
        %dma_wait3A_339 = tpu.memref_slice %arg3[%multiple_of3A_125] : memref<160000xi32, #tpu.memory_space<hbm>> -> memref<80xi32, #tpu.memory_space<hbm>>
        tpu.wait_dma2 semaphore(%run_scoped3A : memref<!tpu.dma_semaphore, #tpu.memory_space<semaphore_mem>>) src(%dma_wait3A_339 : memref<80xi32, #tpu.memory_space<hbm>>) dst(%arg10 : memref<80xi32, #tpu.memory_space<vmem>>)
        tpu.yield
      }) : () -> ()
      %dma_start3A_126 = arith.constant 0 : i32
      %dma_start3A_127 = arith.constant 0 : i32
      %dma_start3A_128 = tpu.memref_slice %arg4[%dma_start3A_126, %dma_start3A_127] : memref<10240x256xf32, #tpu.memory_space<hbm>> -> memref<10240x256xf32, #tpu.memory_space<hbm>>
      tpu.enqueue_indirect_dma source(%dma_start3A_128 : memref<10240x256xf32, #tpu.memory_space<hbm>>) target(%arg13 : memref<80x256xf32, #tpu.memory_space<vmem>>) offsets(%arg8 : memref<80xi32, #tpu.memory_space<vmem>>) semaphore(%arg15 : memref<!tpu.dma_semaphore, #tpu.memory_space<semaphore_mem>>)
      %dma_wait3A_129 = arith.constant 0 : i32
      %dma_wait3A_130 = arith.constant 0 : i32
      %dma_wait3A_131 = tpu.memref_slice %arg4[%dma_wait3A_129, %dma_wait3A_130] : memref<10240x256xf32, #tpu.memory_space<hbm>> -> memref<10240x256xf32, #tpu.memory_space<hbm>>
      tpu.wait_indirect_dma semaphore(%arg14 : memref<!tpu.dma_semaphore, #tpu.memory_space<semaphore_mem>>) src(%dma_wait3A_131 : memref<10240x256xf32, #tpu.memory_space<hbm>>) dst(%arg12 : memref<80x256xf32, #tpu.memory_space<vmem>>)
      %get3A_132 = arith.constant 0 : index
      %get3A_133 = tpu.vector_load %arg9[%get3A_132] {strides = array<i32>} : memref<80xi32, #tpu.memory_space<vmem>>, vector<16xi32>,
      %get3A_134 = vector.shape_cast %get3A_133 : vector<16xi32> to vector<16xi32>
      %ge3A_135 = vector.broadcast %mul3A_0 : i32 to vector<16xi32>
      %ge3A_136 = arith.cmpi sge, %get3A_134, %ge3A_135 : vector<16xi32>
      %add3A_137 = arith.constant 5120 : i32
      %add3A_138 = arith.addi %mul3A_0, %add3A_137 : i32
      %lt3A_139 = vector.broadcast %add3A_138 : i32 to vector<16xi32>
      %lt3A_140 = arith.cmpi slt, %get3A_134, %lt3A_139 : vector<16xi32>
      %and3A_141 = arith.andi %ge3A_136, %lt3A_140 : vector<16xi1>
      %sub3A_142 = vector.broadcast %mul3A_0 : i32 to vector<16xi32>
      %sub3A_143 = arith.subi %get3A_134, %sub3A_142 : vector<16xi32>
      %jit3A_144 = arith.constant 5120 : i32
      %broadcast_in_dim3A_145 = vector.broadcast %jit3A_144 : i32 to vector<16xi32>
      %select_n3A_146 = arith.select %and3A_141, %sub3A_143, %broadcast_in_dim3A_145 : vector<16xi1>, vector<16xi32>
      %swap3A_147 = arith.constant 0 : index
      %swap3A_148 = tpu.vector_load %arg11[%swap3A_147] {strides = array<i32>} : memref<80xi32, #tpu.memory_space<vmem>>, vector<16xi32>,
      %swap3A_149 = vector.shape_cast %swap3A_148 : vector<16xi32> to vector<16xi32>
      %swap3A_150 = vector.shape_cast %select_n3A_146 : vector<16xi32> to vector<16xi32>
      tpu.vector_store %arg11[%swap3A_147], %swap3A_150 {strides = array<i32>} : memref<80xi32, #tpu.memory_space<vmem>>, vector<16xi32>,
      %get3A_151 = arith.constant 16 : index
      %get3A_152 = tpu.vector_load %arg9[%get3A_151] {strides = array<i32>} : memref<80xi32, #tpu.memory_space<vmem>>, vector<16xi32>,
      %get3A_153 = vector.shape_cast %get3A_152 : vector<16xi32> to vector<16xi32>
      %ge3A_154 = vector.broadcast %mul3A_0 : i32 to vector<16xi32>
      %ge3A_155 = arith.cmpi sge, %get3A_153, %ge3A_154 : vector<16xi32>
      %add3A_156 = arith.constant 5120 : i32
      %add3A_157 = arith.addi %mul3A_0, %add3A_156 : i32
      %lt3A_158 = vector.broadcast %add3A_157 : i32 to vector<16xi32>
      %lt3A_159 = arith.cmpi slt, %get3A_153, %lt3A_158 : vector<16xi32>
      %and3A_160 = arith.andi %ge3A_155, %lt3A_159 : vector<16xi1>
      %sub3A_161 = vector.broadcast %mul3A_0 : i32 to vector<16xi32>
      %sub3A_162 = arith.subi %get3A_153, %sub3A_161 : vector<16xi32>
      %jit3A_163 = arith.constant 5120 : i32
      %broadcast_in_dim3A_164 = vector.broadcast %jit3A_163 : i32 to vector<16xi32>
      %select_n3A_165 = arith.select %and3A_160, %sub3A_162, %broadcast_in_dim3A_164 : vector<16xi1>, vector<16xi32>
      %swap3A_166 = arith.constant 16 : index
      %swap3A_167 = tpu.vector_load %arg11[%swap3A_166] {strides = array<i32>} : memref<80xi32, #tpu.memory_space<vmem>>, vector<16xi32>,
      %swap3A_168 = vector.shape_cast %swap3A_167 : vector<16xi32> to vector<16xi32>
      %swap3A_169 = vector.shape_cast %select_n3A_165 : vector<16xi32> to vector<16xi32>
      tpu.vector_store %arg11[%swap3A_166], %swap3A_169 {strides = array<i32>} : memref<80xi32, #tpu.memory_space<vmem>>, vector<16xi32>,
      %get3A_170 = arith.constant 32 : index
      %get3A_171 = tpu.vector_load %arg9[%get3A_170] {strides = array<i32>} : memref<80xi32, #tpu.memory_space<vmem>>, vector<16xi32>,
      %get3A_172 = vector.shape_cast %get3A_171 : vector<16xi32> to vector<16xi32>
      %ge3A_173 = vector.broadcast %mul3A_0 : i32 to vector<16xi32>
      %ge3A_174 = arith.cmpi sge, %get3A_172, %ge3A_173 : vector<16xi32>
      %add3A_175 = arith.constant 5120 : i32
      %add3A_176 = arith.addi %mul3A_0, %add3A_175 : i32
      %lt3A_177 = vector.broadcast %add3A_176 : i32 to vector<16xi32>
      %lt3A_178 = arith.cmpi slt, %get3A_172, %lt3A_177 : vector<16xi32>
      %and3A_179 = arith.andi %ge3A_174, %lt3A_178 : vector<16xi1>
      %sub3A_180 = vector.broadcast %mul3A_0 : i32 to vector<16xi32>
      %sub3A_181 = arith.subi %get3A_172, %sub3A_180 : vector<16xi32>
      %jit3A_182 = arith.constant 5120 : i32
      %broadcast_in_dim3A_183 = vector.broadcast %jit3A_182 : i32 to vector<16xi32>
      %select_n3A_184 = arith.select %and3A_179, %sub3A_181, %broadcast_in_dim3A_183 : vector<16xi1>, vector<16xi32>
      %swap3A_185 = arith.constant 32 : index
      %swap3A_186 = tpu.vector_load %arg11[%swap3A_185] {strides = array<i32>} : memref<80xi32, #tpu.memory_space<vmem>>, vector<16xi32>,
      %swap3A_187 = vector.shape_cast %swap3A_186 : vector<16xi32> to vector<16xi32>
      %swap3A_188 = vector.shape_cast %select_n3A_184 : vector<16xi32> to vector<16xi32>
      tpu.vector_store %arg11[%swap3A_185], %swap3A_188 {strides = array<i32>} : memref<80xi32, #tpu.memory_space<vmem>>, vector<16xi32>,
      %get3A_189 = arith.constant 48 : index
      %get3A_190 = tpu.vector_load %arg9[%get3A_189] {strides = array<i32>} : memref<80xi32, #tpu.memory_space<vmem>>, vector<16xi32>,
      %get3A_191 = vector.shape_cast %get3A_190 : vector<16xi32> to vector<16xi32>
      %ge3A_192 = vector.broadcast %mul3A_0 : i32 to vector<16xi32>
      %ge3A_193 = arith.cmpi sge, %get3A_191, %ge3A_192 : vector<16xi32>
      %add3A_194 = arith.constant 5120 : i32
      %add3A_195 = arith.addi %mul3A_0, %add3A_194 : i32
      %lt3A_196 = vector.broadcast %add3A_195 : i32 to vector<16xi32>
      %lt3A_197 = arith.cmpi slt, %get3A_191, %lt3A_196 : vector<16xi32>
      %and3A_198 = arith.andi %ge3A_193, %lt3A_197 : vector<16xi1>
      %sub3A_199 = vector.broadcast %mul3A_0 : i32 to vector<16xi32>
      %sub3A_200 = arith.subi %get3A_191, %sub3A_199 : vector<16xi32>
      %jit3A_201 = arith.constant 5120 : i32
      %broadcast_in_dim3A_202 = vector.broadcast %jit3A_201 : i32 to vector<16xi32>
      %select_n3A_203 = arith.select %and3A_198, %sub3A_200, %broadcast_in_dim3A_202 : vector<16xi1>, vector<16xi32>
      %swap3A_204 = arith.constant 48 : index
      %swap3A_205 = tpu.vector_load %arg11[%swap3A_204] {strides = array<i32>} : memref<80xi32, #tpu.memory_space<vmem>>, vector<16xi32>,
      %swap3A_206 = vector.shape_cast %swap3A_205 : vector<16xi32> to vector<16xi32>
      %swap3A_207 = vector.shape_cast %select_n3A_203 : vector<16xi32> to vector<16xi32>
      tpu.vector_store %arg11[%swap3A_204], %swap3A_207 {strides = array<i32>} : memref<80xi32, #tpu.memory_space<vmem>>, vector<16xi32>,
      %get3A_208 = arith.constant 64 : index
      %get3A_209 = tpu.vector_load %arg9[%get3A_208] {strides = array<i32>} : memref<80xi32, #tpu.memory_space<vmem>>, vector<16xi32>,
      %get3A_210 = vector.shape_cast %get3A_209 : vector<16xi32> to vector<16xi32>
      %ge3A_211 = vector.broadcast %mul3A_0 : i32 to vector<16xi32>
      %ge3A_212 = arith.cmpi sge, %get3A_210, %ge3A_211 : vector<16xi32>
      %add3A_213 = arith.constant 5120 : i32
      %add3A_214 = arith.addi %mul3A_0, %add3A_213 : i32
      %lt3A_215 = vector.broadcast %add3A_214 : i32 to vector<16xi32>
      %lt3A_216 = arith.cmpi slt, %get3A_210, %lt3A_215 : vector<16xi32>
      %and3A_217 = arith.andi %ge3A_212, %lt3A_216 : vector<16xi1>
      %sub3A_218 = vector.broadcast %mul3A_0 : i32 to vector<16xi32>
      %sub3A_219 = arith.subi %get3A_210, %sub3A_218 : vector<16xi32>
      %jit3A_220 = arith.constant 5120 : i32
      %broadcast_in_dim3A_221 = vector.broadcast %jit3A_220 : i32 to vector<16xi32>
      %select_n3A_222 = arith.select %and3A_217, %sub3A_219, %broadcast_in_dim3A_221 : vector<16xi1>, vector<16xi32>
      %swap3A_223 = arith.constant 64 : index
      %swap3A_224 = tpu.vector_load %arg11[%swap3A_223] {strides = array<i32>} : memref<80xi32, #tpu.memory_space<vmem>>, vector<16xi32>,
      %swap3A_225 = vector.shape_cast %swap3A_224 : vector<16xi32> to vector<16xi32>
      %swap3A_226 = vector.shape_cast %select_n3A_222 : vector<16xi32> to vector<16xi32>
      tpu.vector_store %arg11[%swap3A_223], %swap3A_226 {strides = array<i32>} : memref<80xi32, #tpu.memory_space<vmem>>, vector<16xi32>,
      "tpu.region"() ({
        %run_scoped3A = tpu.sem_alloc : memref<!tpu.dma_semaphore, #tpu.memory_space<semaphore_mem>>
        %dma_start3A_336 = arith.constant 0 : i32
        %dma_start3A_337 = arith.constant 0 : i32
        %dma_start3A_338 = tpu.memref_slice %arg6[%dma_start3A_336, %dma_start3A_337] : memref<5128x256xf32, #tpu.memory_space<vmem_shared>> -> memref<5128x256xf32, #tpu.memory_space<vmem_shared>>
        tpu.enqueue_indirect_dma source(%arg12 : memref<80x256xf32, #tpu.memory_space<vmem>>) target(%dma_start3A_338 : memref<5128x256xf32, #tpu.memory_space<vmem_shared>>) offsets(%arg11 : memref<80xi32, #tpu.memory_space<vmem>>) semaphore(%run_scoped3A : memref<!tpu.dma_semaphore, #tpu.memory_space<semaphore_mem>>) {add = true}
        %dma_wait3A_339 = arith.constant 0 : i32
        %dma_wait3A_340 = arith.constant 0 : i32
        %dma_wait3A_341 = tpu.memref_slice %arg6[%dma_wait3A_339, %dma_wait3A_340] : memref<5128x256xf32, #tpu.memory_space<vmem_shared>> -> memref<5128x256xf32, #tpu.memory_space<vmem_shared>>
        tpu.wait_indirect_dma semaphore(%run_scoped3A : memref<!tpu.dma_semaphore, #tpu.memory_space<semaphore_mem>>) src(%arg12 : memref<80x256xf32, #tpu.memory_space<vmem>>) dst(%dma_wait3A_341 : memref<5128x256xf32, #tpu.memory_space<vmem_shared>>)
        tpu.yield
      }) : () -> ()
      %add3A_227 = arith.constant 2 : i32
      %add3A_228 = arith.addi %mul3A_117, %add3A_227 : i32
      %mul3A_229 = arith.constant 10000 : i32
      %mul3A_230 = arith.muli %arg1, %mul3A_229 : i32
      %mul3A_231 = arith.constant 80 : i32
      %mul3A_232 = arith.muli %add3A_228, %mul3A_231 : i32
      %add3A_233 = arith.addi %mul3A_230, %mul3A_232 : i32
      %multiple_of3A_234 = tpu.assume_multiple %add3A_233, 8 : i32
      "tpu.region"() ({
        %run_scoped3A = tpu.sem_alloc : memref<!tpu.dma_semaphore, #tpu.memory_space<semaphore_mem>>
        %dma_start3A_336 = tpu.memref_slice %arg2[%multiple_of3A_234] : memref<160000xi32, #tpu.memory_space<hbm>> -> memref<80xi32, #tpu.memory_space<hbm>>
        %dma_start3A_337 = tpu.memref_slice %arg2[%multiple_of3A_234] : memref<160000xi32, #tpu.memory_space<hbm>> -> memref<80xi32, #tpu.memory_space<hbm>>
        tpu.enqueue_dma source(%dma_start3A_337 : memref<80xi32, #tpu.memory_space<hbm>>) target(%arg7 : memref<80xi32, #tpu.memory_space<vmem>>) target_semaphore(%run_scoped3A : memref<!tpu.dma_semaphore, #tpu.memory_space<semaphore_mem>>)
        %dma_wait3A_338 = tpu.memref_slice %arg2[%multiple_of3A_234] : memref<160000xi32, #tpu.memory_space<hbm>> -> memref<80xi32, #tpu.memory_space<hbm>>
        %dma_wait3A_339 = tpu.memref_slice %arg2[%multiple_of3A_234] : memref<160000xi32, #tpu.memory_space<hbm>> -> memref<80xi32, #tpu.memory_space<hbm>>
        tpu.wait_dma2 semaphore(%run_scoped3A : memref<!tpu.dma_semaphore, #tpu.memory_space<semaphore_mem>>) src(%dma_wait3A_339 : memref<80xi32, #tpu.memory_space<hbm>>) dst(%arg7 : memref<80xi32, #tpu.memory_space<vmem>>)
        tpu.yield
      }) : () -> ()
      "tpu.region"() ({
        %run_scoped3A = tpu.sem_alloc : memref<!tpu.dma_semaphore, #tpu.memory_space<semaphore_mem>>
        %dma_start3A_336 = tpu.memref_slice %arg3[%multiple_of3A_234] : memref<160000xi32, #tpu.memory_space<hbm>> -> memref<80xi32, #tpu.memory_space<hbm>>
        %dma_start3A_337 = tpu.memref_slice %arg3[%multiple_of3A_234] : memref<160000xi32, #tpu.memory_space<hbm>> -> memref<80xi32, #tpu.memory_space<hbm>>
        tpu.enqueue_dma source(%dma_start3A_337 : memref<80xi32, #tpu.memory_space<hbm>>) target(%arg9 : memref<80xi32, #tpu.memory_space<vmem>>) target_semaphore(%run_scoped3A : memref<!tpu.dma_semaphore, #tpu.memory_space<semaphore_mem>>)
        %dma_wait3A_338 = tpu.memref_slice %arg3[%multiple_of3A_234] : memref<160000xi32, #tpu.memory_space<hbm>> -> memref<80xi32, #tpu.memory_space<hbm>>
        %dma_wait3A_339 = tpu.memref_slice %arg3[%multiple_of3A_234] : memref<160000xi32, #tpu.memory_space<hbm>> -> memref<80xi32, #tpu.memory_space<hbm>>
        tpu.wait_dma2 semaphore(%run_scoped3A : memref<!tpu.dma_semaphore, #tpu.memory_space<semaphore_mem>>) src(%dma_wait3A_339 : memref<80xi32, #tpu.memory_space<hbm>>) dst(%arg9 : memref<80xi32, #tpu.memory_space<vmem>>)
        tpu.yield
      }) : () -> ()
      %dma_start3A_235 = arith.constant 0 : i32
      %dma_start3A_236 = arith.constant 0 : i32
      %dma_start3A_237 = tpu.memref_slice %arg4[%dma_start3A_235, %dma_start3A_236] : memref<10240x256xf32, #tpu.memory_space<hbm>> -> memref<10240x256xf32, #tpu.memory_space<hbm>>
      tpu.enqueue_indirect_dma source(%dma_start3A_237 : memref<10240x256xf32, #tpu.memory_space<hbm>>) target(%arg12 : memref<80x256xf32, #tpu.memory_space<vmem>>) offsets(%arg7 : memref<80xi32, #tpu.memory_space<vmem>>) semaphore(%arg14 : memref<!tpu.dma_semaphore, #tpu.memory_space<semaphore_mem>>)
      %dma_wait3A_238 = arith.constant 0 : i32
      %dma_wait3A_239 = arith.constant 0 : i32
      %dma_wait3A_240 = tpu.memref_slice %arg4[%dma_wait3A_238, %dma_wait3A_239] : memref<10240x256xf32, #tpu.memory_space<hbm>> -> memref<10240x256xf32, #tpu.memory_space<hbm>>
      tpu.wait_indirect_dma semaphore(%arg15 : memref<!tpu.dma_semaphore, #tpu.memory_space<semaphore_mem>>) src(%dma_wait3A_240 : memref<10240x256xf32, #tpu.memory_space<hbm>>) dst(%arg13 : memref<80x256xf32, #tpu.memory_space<vmem>>)
      %get3A_241 = arith.constant 0 : index
      %get3A_242 = tpu.vector_load %arg10[%get3A_241] {strides = array<i32>} : memref<80xi32, #tpu.memory_space<vmem>>, vector<16xi32>,
      %get3A_243 = vector.shape_cast %get3A_242 : vector<16xi32> to vector<16xi32>
      %ge3A_244 = vector.broadcast %mul3A_0 : i32 to vector<16xi32>
      %ge3A_245 = arith.cmpi sge, %get3A_243, %ge3A_244 : vector<16xi32>
      %add3A_246 = arith.constant 5120 : i32
      %add3A_247 = arith.addi %mul3A_0, %add3A_246 : i32
      %lt3A_248 = vector.broadcast %add3A_247 : i32 to vector<16xi32>
      %lt3A_249 = arith.cmpi slt, %get3A_243, %lt3A_248 : vector<16xi32>
      %and3A_250 = arith.andi %ge3A_245, %lt3A_249 : vector<16xi1>
      %sub3A_251 = vector.broadcast %mul3A_0 : i32 to vector<16xi32>
      %sub3A_252 = arith.subi %get3A_243, %sub3A_251 : vector<16xi32>
      %jit3A_253 = arith.constant 5120 : i32
      %broadcast_in_dim3A_254 = vector.broadcast %jit3A_253 : i32 to vector<16xi32>
      %select_n3A_255 = arith.select %and3A_250, %sub3A_252, %broadcast_in_dim3A_254 : vector<16xi1>, vector<16xi32>
      %swap3A_256 = arith.constant 0 : index
      %swap3A_257 = tpu.vector_load %arg11[%swap3A_256] {strides = array<i32>} : memref<80xi32, #tpu.memory_space<vmem>>, vector<16xi32>,
      %swap3A_258 = vector.shape_cast %swap3A_257 : vector<16xi32> to vector<16xi32>
      %swap3A_259 = vector.shape_cast %select_n3A_255 : vector<16xi32> to vector<16xi32>
      tpu.vector_store %arg11[%swap3A_256], %swap3A_259 {strides = array<i32>} : memref<80xi32, #tpu.memory_space<vmem>>, vector<16xi32>,
      %get3A_260 = arith.constant 16 : index
      %get3A_261 = tpu.vector_load %arg10[%get3A_260] {strides = array<i32>} : memref<80xi32, #tpu.memory_space<vmem>>, vector<16xi32>,
      %get3A_262 = vector.shape_cast %get3A_261 : vector<16xi32> to vector<16xi32>
      %ge3A_263 = vector.broadcast %mul3A_0 : i32 to vector<16xi32>
      %ge3A_264 = arith.cmpi sge, %get3A_262, %ge3A_263 : vector<16xi32>
      %add3A_265 = arith.constant 5120 : i32
      %add3A_266 = arith.addi %mul3A_0, %add3A_265 : i32
      %lt3A_267 = vector.broadcast %add3A_266 : i32 to vector<16xi32>
      %lt3A_268 = arith.cmpi slt, %get3A_262, %lt3A_267 : vector<16xi32>
      %and3A_269 = arith.andi %ge3A_264, %lt3A_268 : vector<16xi1>
      %sub3A_270 = vector.broadcast %mul3A_0 : i32 to vector<16xi32>
      %sub3A_271 = arith.subi %get3A_262, %sub3A_270 : vector<16xi32>
      %jit3A_272 = arith.constant 5120 : i32
      %broadcast_in_dim3A_273 = vector.broadcast %jit3A_272 : i32 to vector<16xi32>
      %select_n3A_274 = arith.select %and3A_269, %sub3A_271, %broadcast_in_dim3A_273 : vector<16xi1>, vector<16xi32>
      %swap3A_275 = arith.constant 16 : index
      %swap3A_276 = tpu.vector_load %arg11[%swap3A_275] {strides = array<i32>} : memref<80xi32, #tpu.memory_space<vmem>>, vector<16xi32>,
      %swap3A_277 = vector.shape_cast %swap3A_276 : vector<16xi32> to vector<16xi32>
      %swap3A_278 = vector.shape_cast %select_n3A_274 : vector<16xi32> to vector<16xi32>
      tpu.vector_store %arg11[%swap3A_275], %swap3A_278 {strides = array<i32>} : memref<80xi32, #tpu.memory_space<vmem>>, vector<16xi32>,
      %get3A_279 = arith.constant 32 : index
      %get3A_280 = tpu.vector_load %arg10[%get3A_279] {strides = array<i32>} : memref<80xi32, #tpu.memory_space<vmem>>, vector<16xi32>,
      %get3A_281 = vector.shape_cast %get3A_280 : vector<16xi32> to vector<16xi32>
      %ge3A_282 = vector.broadcast %mul3A_0 : i32 to vector<16xi32>
      %ge3A_283 = arith.cmpi sge, %get3A_281, %ge3A_282 : vector<16xi32>
      %add3A_284 = arith.constant 5120 : i32
      %add3A_285 = arith.addi %mul3A_0, %add3A_284 : i32
      %lt3A_286 = vector.broadcast %add3A_285 : i32 to vector<16xi32>
      %lt3A_287 = arith.cmpi slt, %get3A_281, %lt3A_286 : vector<16xi32>
      %and3A_288 = arith.andi %ge3A_283, %lt3A_287 : vector<16xi1>
      %sub3A_289 = vector.broadcast %mul3A_0 : i32 to vector<16xi32>
      %sub3A_290 = arith.subi %get3A_281, %sub3A_289 : vector<16xi32>
      %jit3A_291 = arith.constant 5120 : i32
      %broadcast_in_dim3A_292 = vector.broadcast %jit3A_291 : i32 to vector<16xi32>
      %select_n3A_293 = arith.select %and3A_288, %sub3A_290, %broadcast_in_dim3A_292 : vector<16xi1>, vector<16xi32>
      %swap3A_294 = arith.constant 32 : index
      %swap3A_295 = tpu.vector_load %arg11[%swap3A_294] {strides = array<i32>} : memref<80xi32, #tpu.memory_space<vmem>>, vector<16xi32>,
      %swap3A_296 = vector.shape_cast %swap3A_295 : vector<16xi32> to vector<16xi32>
      %swap3A_297 = vector.shape_cast %select_n3A_293 : vector<16xi32> to vector<16xi32>
      tpu.vector_store %arg11[%swap3A_294], %swap3A_297 {strides = array<i32>} : memref<80xi32, #tpu.memory_space<vmem>>, vector<16xi32>,
      %get3A_298 = arith.constant 48 : index
      %get3A_299 = tpu.vector_load %arg10[%get3A_298] {strides = array<i32>} : memref<80xi32, #tpu.memory_space<vmem>>, vector<16xi32>,
      %get3A_300 = vector.shape_cast %get3A_299 : vector<16xi32> to vector<16xi32>
      %ge3A_301 = vector.broadcast %mul3A_0 : i32 to vector<16xi32>
      %ge3A_302 = arith.cmpi sge, %get3A_300, %ge3A_301 : vector<16xi32>
      %add3A_303 = arith.constant 5120 : i32
      %add3A_304 = arith.addi %mul3A_0, %add3A_303 : i32
      %lt3A_305 = vector.broadcast %add3A_304 : i32 to vector<16xi32>
      %lt3A_306 = arith.cmpi slt, %get3A_300, %lt3A_305 : vector<16xi32>
      %and3A_307 = arith.andi %ge3A_302, %lt3A_306 : vector<16xi1>
      %sub3A_308 = vector.broadcast %mul3A_0 : i32 to vector<16xi32>
      %sub3A_309 = arith.subi %get3A_300, %sub3A_308 : vector<16xi32>
      %jit3A_310 = arith.constant 5120 : i32
      %broadcast_in_dim3A_311 = vector.broadcast %jit3A_310 : i32 to vector<16xi32>
      %select_n3A_312 = arith.select %and3A_307, %sub3A_309, %broadcast_in_dim3A_311 : vector<16xi1>, vector<16xi32>
      %swap3A_313 = arith.constant 48 : index
      %swap3A_314 = tpu.vector_load %arg11[%swap3A_313] {strides = array<i32>} : memref<80xi32, #tpu.memory_space<vmem>>, vector<16xi32>,
      %swap3A_315 = vector.shape_cast %swap3A_314 : vector<16xi32> to vector<16xi32>
      %swap3A_316 = vector.shape_cast %select_n3A_312 : vector<16xi32> to vector<16xi32>
      tpu.vector_store %arg11[%swap3A_313], %swap3A_316 {strides = array<i32>} : memref<80xi32, #tpu.memory_space<vmem>>, vector<16xi32>,
      %get3A_317 = arith.constant 64 : index
      %get3A_318 = tpu.vector_load %arg10[%get3A_317] {strides = array<i32>} : memref<80xi32, #tpu.memory_space<vmem>>, vector<16xi32>,
      %get3A_319 = vector.shape_cast %get3A_318 : vector<16xi32> to vector<16xi32>
      %ge3A_320 = vector.broadcast %mul3A_0 : i32 to vector<16xi32>
      %ge3A_321 = arith.cmpi sge, %get3A_319, %ge3A_320 : vector<16xi32>
      %add3A_322 = arith.constant 5120 : i32
      %add3A_323 = arith.addi %mul3A_0, %add3A_322 : i32
      %lt3A_324 = vector.broadcast %add3A_323 : i32 to vector<16xi32>
      %lt3A_325 = arith.cmpi slt, %get3A_319, %lt3A_324 : vector<16xi32>
      %and3A_326 = arith.andi %ge3A_321, %lt3A_325 : vector<16xi1>
      %sub3A_327 = vector.broadcast %mul3A_0 : i32 to vector<16xi32>
      %sub3A_328 = arith.subi %get3A_319, %sub3A_327 : vector<16xi32>
      %jit3A_329 = arith.constant 5120 : i32
      %broadcast_in_dim3A_330 = vector.broadcast %jit3A_329 : i32 to vector<16xi32>
      %select_n3A_331 = arith.select %and3A_326, %sub3A_328, %broadcast_in_dim3A_330 : vector<16xi1>, vector<16xi32>
      %swap3A_332 = arith.constant 64 : index
      %swap3A_333 = tpu.vector_load %arg11[%swap3A_332] {strides = array<i32>} : memref<80xi32, #tpu.memory_space<vmem>>, vector<16xi32>,
      %swap3A_334 = vector.shape_cast %swap3A_333 : vector<16xi32> to vector<16xi32>
      %swap3A_335 = vector.shape_cast %select_n3A_331 : vector<16xi32> to vector<16xi32>
      tpu.vector_store %arg11[%swap3A_332], %swap3A_335 {strides = array<i32>} : memref<80xi32, #tpu.memory_space<vmem>>, vector<16xi32>,
      "tpu.region"() ({
        %run_scoped3A = tpu.sem_alloc : memref<!tpu.dma_semaphore, #tpu.memory_space<semaphore_mem>>
        %dma_start3A_336 = arith.constant 0 : i32
        %dma_start3A_337 = arith.constant 0 : i32
        %dma_start3A_338 = tpu.memref_slice %arg6[%dma_start3A_336, %dma_start3A_337] : memref<5128x256xf32, #tpu.memory_space<vmem_shared>> -> memref<5128x256xf32, #tpu.memory_space<vmem_shared>>
        tpu.enqueue_indirect_dma source(%arg13 : memref<80x256xf32, #tpu.memory_space<vmem>>) target(%dma_start3A_338 : memref<5128x256xf32, #tpu.memory_space<vmem_shared>>) offsets(%arg11 : memref<80xi32, #tpu.memory_space<vmem>>) semaphore(%run_scoped3A : memref<!tpu.dma_semaphore, #tpu.memory_space<semaphore_mem>>) {add = true}
        %dma_wait3A_339 = arith.constant 0 : i32
        %dma_wait3A_340 = arith.constant 0 : i32
        %dma_wait3A_341 = tpu.memref_slice %arg6[%dma_wait3A_339, %dma_wait3A_340] : memref<5128x256xf32, #tpu.memory_space<vmem_shared>> -> memref<5128x256xf32, #tpu.memory_space<vmem_shared>>
        tpu.wait_indirect_dma semaphore(%run_scoped3A : memref<!tpu.dma_semaphore, #tpu.memory_space<semaphore_mem>>) src(%arg13 : memref<80x256xf32, #tpu.memory_space<vmem>>) dst(%dma_wait3A_341 : memref<5128x256xf32, #tpu.memory_space<vmem_shared>>)
        tpu.yield
      }) : () -> ()
    }
    %scan3A_16 = arith.constant 62 : i32
    %dma_wait3A = arith.constant 0 : i32
    %dma_wait3A_17 = arith.constant 0 : i32
    %dma_wait3A_18 = tpu.memref_slice %arg4[%dma_wait3A, %dma_wait3A_17] : memref<10240x256xf32, #tpu.memory_space<hbm>> -> memref<10240x256xf32, #tpu.memory_space<hbm>>
    tpu.wait_indirect_dma semaphore(%arg14 : memref<!tpu.dma_semaphore, #tpu.memory_space<semaphore_mem>>) src(%dma_wait3A_18 : memref<10240x256xf32, #tpu.memory_space<hbm>>) dst(%arg12 : memref<80x256xf32, #tpu.memory_space<vmem>>)
    %get3A = arith.constant 0 : index
    %get3A_19 = tpu.vector_load %arg9[%get3A] {strides = array<i32>} : memref<80xi32, #tpu.memory_space<vmem>>, vector<16xi32>,
    %get3A_20 = vector.shape_cast %get3A_19 : vector<16xi32> to vector<16xi32>
    %ge3A = vector.broadcast %mul3A_0 : i32 to vector<16xi32>
    %ge3A_21 = arith.cmpi sge, %get3A_20, %ge3A : vector<16xi32>
    %add3A_22 = arith.constant 5120 : i32
    %add3A_23 = arith.addi %mul3A_0, %add3A_22 : i32
    %lt3A = vector.broadcast %add3A_23 : i32 to vector<16xi32>
    %lt3A_24 = arith.cmpi slt, %get3A_20, %lt3A : vector<16xi32>
    %and3A = arith.andi %ge3A_21, %lt3A_24 : vector<16xi1>
    %sub3A = vector.broadcast %mul3A_0 : i32 to vector<16xi32>
    %sub3A_25 = arith.subi %get3A_20, %sub3A : vector<16xi32>
    %jit3A = arith.constant 5120 : i32
    %broadcast_in_dim3A = vector.broadcast %jit3A : i32 to vector<16xi32>
    %select_n3A = arith.select %and3A, %sub3A_25, %broadcast_in_dim3A : vector<16xi1>, vector<16xi32>
    %swap3A = arith.constant 0 : index
    %swap3A_26 = tpu.vector_load %arg11[%swap3A] {strides = array<i32>} : memref<80xi32, #tpu.memory_space<vmem>>, vector<16xi32>,
    %swap3A_27 = vector.shape_cast %swap3A_26 : vector<16xi32> to vector<16xi32>
    %swap3A_28 = vector.shape_cast %select_n3A : vector<16xi32> to vector<16xi32>
    tpu.vector_store %arg11[%swap3A], %swap3A_28 {strides = array<i32>} : memref<80xi32, #tpu.memory_space<vmem>>, vector<16xi32>,
    %get3A_29 = arith.constant 16 : index
    %get3A_30 = tpu.vector_load %arg9[%get3A_29] {strides = array<i32>} : memref<80xi32, #tpu.memory_space<vmem>>, vector<16xi32>,
    %get3A_31 = vector.shape_cast %get3A_30 : vector<16xi32> to vector<16xi32>
    %ge3A_32 = vector.broadcast %mul3A_0 : i32 to vector<16xi32>
    %ge3A_33 = arith.cmpi sge, %get3A_31, %ge3A_32 : vector<16xi32>
    %add3A_34 = arith.constant 5120 : i32
    %add3A_35 = arith.addi %mul3A_0, %add3A_34 : i32
    %lt3A_36 = vector.broadcast %add3A_35 : i32 to vector<16xi32>
    %lt3A_37 = arith.cmpi slt, %get3A_31, %lt3A_36 : vector<16xi32>
    %and3A_38 = arith.andi %ge3A_33, %lt3A_37 : vector<16xi1>
    %sub3A_39 = vector.broadcast %mul3A_0 : i32 to vector<16xi32>
    %sub3A_40 = arith.subi %get3A_31, %sub3A_39 : vector<16xi32>
    %jit3A_41 = arith.constant 5120 : i32
    %broadcast_in_dim3A_42 = vector.broadcast %jit3A_41 : i32 to vector<16xi32>
    %select_n3A_43 = arith.select %and3A_38, %sub3A_40, %broadcast_in_dim3A_42 : vector<16xi1>, vector<16xi32>
    %swap3A_44 = arith.constant 16 : index
    %swap3A_45 = tpu.vector_load %arg11[%swap3A_44] {strides = array<i32>} : memref<80xi32, #tpu.memory_space<vmem>>, vector<16xi32>,
    %swap3A_46 = vector.shape_cast %swap3A_45 : vector<16xi32> to vector<16xi32>
    %swap3A_47 = vector.shape_cast %select_n3A_43 : vector<16xi32> to vector<16xi32>
    tpu.vector_store %arg11[%swap3A_44], %swap3A_47 {strides = array<i32>} : memref<80xi32, #tpu.memory_space<vmem>>, vector<16xi32>,
    %get3A_48 = arith.constant 32 : index
    %get3A_49 = tpu.vector_load %arg9[%get3A_48] {strides = array<i32>} : memref<80xi32, #tpu.memory_space<vmem>>, vector<16xi32>,
    %get3A_50 = vector.shape_cast %get3A_49 : vector<16xi32> to vector<16xi32>
    %ge3A_51 = vector.broadcast %mul3A_0 : i32 to vector<16xi32>
    %ge3A_52 = arith.cmpi sge, %get3A_50, %ge3A_51 : vector<16xi32>
    %add3A_53 = arith.constant 5120 : i32
    %add3A_54 = arith.addi %mul3A_0, %add3A_53 : i32
    %lt3A_55 = vector.broadcast %add3A_54 : i32 to vector<16xi32>
    %lt3A_56 = arith.cmpi slt, %get3A_50, %lt3A_55 : vector<16xi32>
    %and3A_57 = arith.andi %ge3A_52, %lt3A_56 : vector<16xi1>
    %sub3A_58 = vector.broadcast %mul3A_0 : i32 to vector<16xi32>
    %sub3A_59 = arith.subi %get3A_50, %sub3A_58 : vector<16xi32>
    %jit3A_60 = arith.constant 5120 : i32
    %broadcast_in_dim3A_61 = vector.broadcast %jit3A_60 : i32 to vector<16xi32>
    %select_n3A_62 = arith.select %and3A_57, %sub3A_59, %broadcast_in_dim3A_61 : vector<16xi1>, vector<16xi32>
    %swap3A_63 = arith.constant 32 : index
    %swap3A_64 = tpu.vector_load %arg11[%swap3A_63] {strides = array<i32>} : memref<80xi32, #tpu.memory_space<vmem>>, vector<16xi32>,
    %swap3A_65 = vector.shape_cast %swap3A_64 : vector<16xi32> to vector<16xi32>
    %swap3A_66 = vector.shape_cast %select_n3A_62 : vector<16xi32> to vector<16xi32>
    tpu.vector_store %arg11[%swap3A_63], %swap3A_66 {strides = array<i32>} : memref<80xi32, #tpu.memory_space<vmem>>, vector<16xi32>,
    %get3A_67 = arith.constant 48 : index
    %get3A_68 = tpu.vector_load %arg9[%get3A_67] {strides = array<i32>} : memref<80xi32, #tpu.memory_space<vmem>>, vector<16xi32>,
    %get3A_69 = vector.shape_cast %get3A_68 : vector<16xi32> to vector<16xi32>
    %ge3A_70 = vector.broadcast %mul3A_0 : i32 to vector<16xi32>
    %ge3A_71 = arith.cmpi sge, %get3A_69, %ge3A_70 : vector<16xi32>
    %add3A_72 = arith.constant 5120 : i32
    %add3A_73 = arith.addi %mul3A_0, %add3A_72 : i32
    %lt3A_74 = vector.broadcast %add3A_73 : i32 to vector<16xi32>
    %lt3A_75 = arith.cmpi slt, %get3A_69, %lt3A_74 : vector<16xi32>
    %and3A_76 = arith.andi %ge3A_71, %lt3A_75 : vector<16xi1>
    %sub3A_77 = vector.broadcast %mul3A_0 : i32 to vector<16xi32>
    %sub3A_78 = arith.subi %get3A_69, %sub3A_77 : vector<16xi32>
    %jit3A_79 = arith.constant 5120 : i32
    %broadcast_in_dim3A_80 = vector.broadcast %jit3A_79 : i32 to vector<16xi32>
    %select_n3A_81 = arith.select %and3A_76, %sub3A_78, %broadcast_in_dim3A_80 : vector<16xi1>, vector<16xi32>
    %swap3A_82 = arith.constant 48 : index
    %swap3A_83 = tpu.vector_load %arg11[%swap3A_82] {strides = array<i32>} : memref<80xi32, #tpu.memory_space<vmem>>, vector<16xi32>,
    %swap3A_84 = vector.shape_cast %swap3A_83 : vector<16xi32> to vector<16xi32>
    %swap3A_85 = vector.shape_cast %select_n3A_81 : vector<16xi32> to vector<16xi32>
    tpu.vector_store %arg11[%swap3A_82], %swap3A_85 {strides = array<i32>} : memref<80xi32, #tpu.memory_space<vmem>>, vector<16xi32>,
    %get3A_86 = arith.constant 64 : index
    %get3A_87 = tpu.vector_load %arg9[%get3A_86] {strides = array<i32>} : memref<80xi32, #tpu.memory_space<vmem>>, vector<16xi32>,
    %get3A_88 = vector.shape_cast %get3A_87 : vector<16xi32> to vector<16xi32>
    %ge3A_89 = vector.broadcast %mul3A_0 : i32 to vector<16xi32>
    %ge3A_90 = arith.cmpi sge, %get3A_88, %ge3A_89 : vector<16xi32>
    %add3A_91 = arith.constant 5120 : i32
    %add3A_92 = arith.addi %mul3A_0, %add3A_91 : i32
    %lt3A_93 = vector.broadcast %add3A_92 : i32 to vector<16xi32>
    %lt3A_94 = arith.cmpi slt, %get3A_88, %lt3A_93 : vector<16xi32>
    %and3A_95 = arith.andi %ge3A_90, %lt3A_94 : vector<16xi1>
    %sub3A_96 = vector.broadcast %mul3A_0 : i32 to vector<16xi32>
    %sub3A_97 = arith.subi %get3A_88, %sub3A_96 : vector<16xi32>
    %jit3A_98 = arith.constant 5120 : i32
    %broadcast_in_dim3A_99 = vector.broadcast %jit3A_98 : i32 to vector<16xi32>
    %select_n3A_100 = arith.select %and3A_95, %sub3A_97, %broadcast_in_dim3A_99 : vector<16xi1>, vector<16xi32>
    %swap3A_101 = arith.constant 64 : index
    %swap3A_102 = tpu.vector_load %arg11[%swap3A_101] {strides = array<i32>} : memref<80xi32, #tpu.memory_space<vmem>>, vector<16xi32>,
    %swap3A_103 = vector.shape_cast %swap3A_102 : vector<16xi32> to vector<16xi32>
    %swap3A_104 = vector.shape_cast %select_n3A_100 : vector<16xi32> to vector<16xi32>
    tpu.vector_store %arg11[%swap3A_101], %swap3A_104 {strides = array<i32>} : memref<80xi32, #tpu.memory_space<vmem>>, vector<16xi32>,
    "tpu.region"() ({
      %run_scoped3A = tpu.sem_alloc : memref<!tpu.dma_semaphore, #tpu.memory_space<semaphore_mem>>
      %dma_start3A_111 = arith.constant 0 : i32
      %dma_start3A_112 = arith.constant 0 : i32
      %dma_start3A_113 = tpu.memref_slice %arg6[%dma_start3A_111, %dma_start3A_112] : memref<5128x256xf32, #tpu.memory_space<vmem_shared>> -> memref<5128x256xf32, #tpu.memory_space<vmem_shared>>
      tpu.enqueue_indirect_dma source(%arg12 : memref<80x256xf32, #tpu.memory_space<vmem>>) target(%dma_start3A_113 : memref<5128x256xf32, #tpu.memory_space<vmem_shared>>) offsets(%arg11 : memref<80xi32, #tpu.memory_space<vmem>>) semaphore(%run_scoped3A : memref<!tpu.dma_semaphore, #tpu.memory_space<semaphore_mem>>) {add = true}
      %dma_wait3A_114 = arith.constant 0 : i32
      %dma_wait3A_115 = arith.constant 0 : i32
      %dma_wait3A_116 = tpu.memref_slice %arg6[%dma_wait3A_114, %dma_wait3A_115] : memref<5128x256xf32, #tpu.memory_space<vmem_shared>> -> memref<5128x256xf32, #tpu.memory_space<vmem_shared>>
      tpu.wait_indirect_dma semaphore(%run_scoped3A : memref<!tpu.dma_semaphore, #tpu.memory_space<semaphore_mem>>) src(%arg12 : memref<80x256xf32, #tpu.memory_space<vmem>>) dst(%dma_wait3A_116 : memref<5128x256xf32, #tpu.memory_space<vmem_shared>>)
      tpu.yield
    }) : () -> ()
    %barrier3A_105 = arith.constant 0 : index
    tpu.barrier barrier_id(%barrier3A_105)
    %mul3A_106 = arith.constant 320 : i32
    %mul3A_107 = arith.muli %arg1, %mul3A_106 : i32
    %mul3A_108 = arith.constant 320 : i32
    %mul3A_109 = arith.muli %arg1, %mul3A_108 : i32
    %add3A_110 = arith.addi %mul3A_0, %mul3A_109 : i32
    "tpu.region"() ({
      %run_scoped3A = tpu.sem_alloc : memref<!tpu.dma_semaphore, #tpu.memory_space<semaphore_mem>>
      %dma_start3A_111 = arith.constant 0 : i32
      %dma_start3A_112 = tpu.memref_slice %arg5[%add3A_110, %dma_start3A_111] : memref<10240x256xf32, #tpu.memory_space<hbm>> -> memref<320x256xf32, #tpu.memory_space<hbm>>
      %dma_start3A_113 = arith.constant 0 : i32
      %dma_start3A_114 = tpu.memref_slice %arg6[%mul3A_107, %dma_start3A_113] : memref<5128x256xf32, #tpu.memory_space<vmem_shared>> -> memref<320x256xf32, #tpu.memory_space<vmem_shared>>
      tpu.enqueue_dma source(%dma_start3A_114 : memref<320x256xf32, #tpu.memory_space<vmem_shared>>) target(%dma_start3A_112 : memref<320x256xf32, #tpu.memory_space<hbm>>) target_semaphore(%run_scoped3A : memref<!tpu.dma_semaphore, #tpu.memory_space<semaphore_mem>>)
      %dma_wait3A_115 = arith.constant 0 : i32
      %dma_wait3A_116 = tpu.memref_slice %arg5[%add3A_110, %dma_wait3A_115] : memref<10240x256xf32, #tpu.memory_space<hbm>> -> memref<320x256xf32, #tpu.memory_space<hbm>>
      %dma_wait3A_117 = arith.constant 0 : i32
      %dma_wait3A_118 = tpu.memref_slice %arg6[%mul3A_107, %dma_wait3A_117] : memref<5128x256xf32, #tpu.memory_space<vmem_shared>> -> memref<320x256xf32, #tpu.memory_space<vmem_shared>>
      tpu.wait_dma2 semaphore(%run_scoped3A : memref<!tpu.dma_semaphore, #tpu.memory_space<semaphore_mem>>) src(%dma_wait3A_118 : memref<320x256xf32, #tpu.memory_space<vmem_shared>>) dst(%dma_wait3A_116 : memref<320x256xf32, #tpu.memory_space<hbm>>)
      tpu.yield
    }) : () -> ()
    return
  }
}

module attributes {stable_mosaic.version = 14 : i64} {
  func.func @_mm1_body(%arg0: i32, %arg1: memref<320x256xf32, #tpu.memory_space<vmem>>, %arg2: memref<256x256xf32, #tpu.memory_space<vmem>>, %arg3: memref<320x16xf32, #tpu.memory_space<vmem>>, %arg4: memref<320x256xf32, #tpu.memory_space<vmem>>) attributes {dimension_semantics = [#tpu.dimension_semantics<arbitrary>], iteration_bounds = array<i64: 32>, scalar_prefetch = 0 : i64, scratch_operands = 0 : i64, tpu.core_type = #tpu.core_type<tc>, window_params = [{transform_indices = @transform_0, window_bounds = array<i64: 320, 256>}, {pipeline_mode = #tpu.pipeline_mode<synchronous>, transform_indices = @transform_1, window_bounds = array<i64: 256, 256>}, {transform_indices = @transform_2, window_bounds = array<i64: 320, 16>}, {transform_indices = @transform_3, window_bounds = array<i64: 320, 256>}]} {
    %get3A = arith.constant 0 : index
    %get3A_0 = arith.constant 0 : index
    %get3A_1 = vector.load %arg3[%get3A, %get3A_0] : memref<320x16xf32, #tpu.memory_space<vmem>>, vector<320x1xf32>
    %rsqrt3A = math.rsqrt %get3A_1 : vector<320x1xf32>
    %get3A_2 = arith.constant 0 : index
    %get3A_3 = arith.constant 0 : index
    %get3A_4 = vector.load %arg1[%get3A_2, %get3A_3] : memref<320x256xf32, #tpu.memory_space<vmem>>, vector<320x256xf32>
    %get3A_5 = arith.constant 0 : index
    %get3A_6 = arith.constant 0 : index
    %get3A_7 = vector.load %arg2[%get3A_5, %get3A_6] : memref<256x256xf32, #tpu.memory_space<vmem>>, vector<256x256xf32>
    %dot_general3A = arith.constant dense<0.000000e+00> : vector<320x256xf32>
    %dot_general3A_8 = tpu.matmul %get3A_4, %get3A_7, %dot_general3A {dimension_numbers = #tpu.dot_dimension_numbers<[1], [0], [0], [1], [0, 0, 1, 1], [], []>, transpose_lhs_hint = false} : vector<320x256xf32>, vector<256x256xf32>, vector<320x256xf32> -> vector<320x256xf32>
    %mul3A = vector.broadcast %rsqrt3A : vector<320x1xf32> to vector<320x256xf32>
    %mul3A_9 = arith.mulf %dot_general3A_8, %mul3A : vector<320x256xf32>
    %swap3A = arith.constant 0 : index
    %swap3A_10 = arith.constant 0 : index
    %swap3A_11 = vector.load %arg4[%swap3A, %swap3A_10] : memref<320x256xf32, #tpu.memory_space<vmem>>, vector<320x256xf32>
    tpu.vector_store %arg4[%swap3A, %swap3A_10], %mul3A_9 {strides = array<i32>} : memref<320x256xf32, #tpu.memory_space<vmem>>, vector<320x256xf32>,
    return
  }
  func.func @transform_0(%arg0: i32) -> (i32, i32) {
    %c0_i32 = arith.constant 0 : i32
    %c0_i32_0 = arith.constant 0 : i32
    return %arg0, %c0_i32 : i32, i32
  }
  func.func @transform_1(%arg0: i32) -> (i32, i32) {
    %c0_i32 = arith.constant 0 : i32
    %c0_i32_0 = arith.constant 0 : i32
    %c0_i32_1 = arith.constant 0 : i32
    return %c0_i32, %c0_i32_0 : i32, i32
  }
  func.func @transform_2(%arg0: i32) -> (i32, i32) {
    %c0_i32 = arith.constant 0 : i32
    %c0_i32_0 = arith.constant 0 : i32
    return %arg0, %c0_i32 : i32, i32
  }
  func.func @transform_3(%arg0: i32) -> (i32, i32) {
    %c0_i32 = arith.constant 0 : i32
    %c0_i32_0 = arith.constant 0 : i32
    return %arg0, %c0_i32 : i32, i32
  }
}

module attributes {stable_mosaic.version = 14 : i64} {
  func.func @_mm2_body(%arg0: i32, %arg1: memref<320x256xf32, #tpu.memory_space<vmem>>, %arg2: memref<256x256xf32, #tpu.memory_space<vmem>>, %arg3: memref<320x16xf32, #tpu.memory_space<vmem>>, %arg4: memref<1x256xf32, #tpu.memory_space<vmem>>, %arg5: memref<320x256xf32, #tpu.memory_space<vmem>>) attributes {dimension_semantics = [#tpu.dimension_semantics<arbitrary>], iteration_bounds = array<i64: 32>, scalar_prefetch = 0 : i64, scratch_operands = 0 : i64, tpu.core_type = #tpu.core_type<tc>, window_params = [{transform_indices = @transform_0, window_bounds = array<i64: 320, 256>}, {pipeline_mode = #tpu.pipeline_mode<synchronous>, transform_indices = @transform_1, window_bounds = array<i64: 256, 256>}, {transform_indices = @transform_2, window_bounds = array<i64: 320, 16>}, {pipeline_mode = #tpu.pipeline_mode<synchronous>, transform_indices = @transform_3, window_bounds = array<i64: 1, 256>}, {transform_indices = @transform_4, window_bounds = array<i64: 320, 256>}]} {
    %get3A = arith.constant 0 : index
    %get3A_0 = arith.constant 0 : index
    %get3A_1 = vector.load %arg3[%get3A, %get3A_0] : memref<320x16xf32, #tpu.memory_space<vmem>>, vector<320x1xf32>
    %rsqrt3A = math.rsqrt %get3A_1 : vector<320x1xf32>
    %get3A_2 = arith.constant 0 : index
    %get3A_3 = arith.constant 0 : index
    %get3A_4 = vector.load %arg1[%get3A_2, %get3A_3] : memref<320x256xf32, #tpu.memory_space<vmem>>, vector<320x256xf32>
    %mul3A = vector.broadcast %rsqrt3A : vector<320x1xf32> to vector<320x256xf32>
    %mul3A_5 = arith.mulf %mul3A, %get3A_4 : vector<320x256xf32>
    %get3A_6 = arith.constant 0 : index
    %get3A_7 = arith.constant 0 : index
    %get3A_8 = vector.load %arg4[%get3A_6, %get3A_7] : memref<1x256xf32, #tpu.memory_space<vmem>>, vector<1x256xf32>
    %add3A = vector.broadcast %get3A_8 : vector<1x256xf32> to vector<320x256xf32>
    %add3A_9 = arith.addf %mul3A_5, %add3A : vector<320x256xf32>
    %get3A_10 = arith.constant 0 : index
    %get3A_11 = arith.constant 0 : index
    %get3A_12 = vector.load %arg2[%get3A_10, %get3A_11] : memref<256x256xf32, #tpu.memory_space<vmem>>, vector<256x256xf32>
    %dot_general3A = arith.constant dense<0.000000e+00> : vector<320x256xf32>
    %dot_general3A_13 = tpu.matmul %add3A_9, %get3A_12, %dot_general3A {dimension_numbers = #tpu.dot_dimension_numbers<[1], [0], [0], [1], [0, 0, 1, 1], [], []>, transpose_lhs_hint = false} : vector<320x256xf32>, vector<256x256xf32>, vector<320x256xf32> -> vector<320x256xf32>
    %mul3A_14 = vector.broadcast %rsqrt3A : vector<320x1xf32> to vector<320x256xf32>
    %mul3A_15 = arith.mulf %dot_general3A_13, %mul3A_14 : vector<320x256xf32>
    %swap3A = arith.constant 0 : index
    %swap3A_16 = arith.constant 0 : index
    %swap3A_17 = vector.load %arg5[%swap3A, %swap3A_16] : memref<320x256xf32, #tpu.memory_space<vmem>>, vector<320x256xf32>
    tpu.vector_store %arg5[%swap3A, %swap3A_16], %mul3A_15 {strides = array<i32>} : memref<320x256xf32, #tpu.memory_space<vmem>>, vector<320x256xf32>,
    return
  }
  func.func @transform_0(%arg0: i32) -> (i32, i32) {
    %c0_i32 = arith.constant 0 : i32
    %c0_i32_0 = arith.constant 0 : i32
    return %arg0, %c0_i32 : i32, i32
  }
  func.func @transform_1(%arg0: i32) -> (i32, i32) {
    %c0_i32 = arith.constant 0 : i32
    %c0_i32_0 = arith.constant 0 : i32
    %c0_i32_1 = arith.constant 0 : i32
    return %c0_i32, %c0_i32_0 : i32, i32
  }
  func.func @transform_2(%arg0: i32) -> (i32, i32) {
    %c0_i32 = arith.constant 0 : i32
    %c0_i32_0 = arith.constant 0 : i32
    return %arg0, %c0_i32 : i32, i32
  }
  func.func @transform_3(%arg0: i32) -> (i32, i32) {
    %c0_i32 = arith.constant 0 : i32
    %c0_i32_0 = arith.constant 0 : i32
    %c0_i32_1 = arith.constant 0 : i32
    return %c0_i32, %c0_i32_0 : i32, i32
  }
  func.func @transform_4(%arg0: i32) -> (i32, i32) {
    %c0_i32 = arith.constant 0 : i32
    %c0_i32_0 = arith.constant 0 : i32
    return %arg0, %c0_i32 : i32, i32
  }
}

module attributes {stable_mosaic.version = 14 : i64} {
  func.func @_pool_body(%arg0: i32, %arg1: memref<320x256xf32, #tpu.memory_space<vmem>>, %arg2: memref<320x16xf32, #tpu.memory_space<vmem>>, %arg3: memref<1x256xf32, #tpu.memory_space<vmem>>, %arg4: memref<320x1xi32, #tpu.memory_space<vmem>>, %arg5: memref<128x256xf32, #tpu.memory_space<vmem>>, %arg6: memref<128x256xf32, #tpu.memory_space<vmem>>, %arg7: memref<128x1xf32, #tpu.memory_space<vmem>>) attributes {dimension_semantics = [#tpu.dimension_semantics<arbitrary>], iteration_bounds = array<i64: 32>, scalar_prefetch = 0 : i64, scratch_operands = 2 : i64, tpu.core_type = #tpu.core_type<tc>, window_params = [{transform_indices = @transform_0, window_bounds = array<i64: 320, 256>}, {transform_indices = @transform_1, window_bounds = array<i64: 320, 16>}, {pipeline_mode = #tpu.pipeline_mode<synchronous>, transform_indices = @transform_2, window_bounds = array<i64: 1, 256>}, {transform_indices = @transform_3, window_bounds = array<i64: 320, 1>}, {pipeline_mode = #tpu.pipeline_mode<synchronous>, transform_indices = @transform_4, window_bounds = array<i64: 128, 256>}]} {
    %eq3A = arith.constant 0 : i32
    %eq3A_0 = arith.cmpi eq, %arg0, %eq3A : i32
    %convert_element_type3A = arith.extui %eq3A_0 : i1 to i32
    %cond3A = arith.constant 0 : i32
    %cond3A_1 = arith.cmpi ne, %convert_element_type3A, %cond3A : i32
    scf.if %cond3A_1 {
      %broadcast_in_dim3A_41 = arith.constant 0.000000e+00 : f32
      %broadcast_in_dim3A_42 = vector.broadcast %broadcast_in_dim3A_41 : f32 to vector<128x256xf32>
      %swap3A_43 = arith.constant 0 : index
      %swap3A_44 = arith.constant 0 : index
      %swap3A_45 = vector.load %arg6[%swap3A_43, %swap3A_44] : memref<128x256xf32, #tpu.memory_space<vmem>>, vector<128x256xf32>
      tpu.vector_store %arg6[%swap3A_43, %swap3A_44], %broadcast_in_dim3A_42 {strides = array<i32>} : memref<128x256xf32, #tpu.memory_space<vmem>>, vector<128x256xf32>,
      %broadcast_in_dim3A_46 = arith.constant 0.000000e+00 : f32
      %broadcast_in_dim3A_47 = vector.broadcast %broadcast_in_dim3A_46 : f32 to vector<128x1xf32>
      %swap3A_48 = arith.constant 0 : index
      %swap3A_49 = arith.constant 0 : index
      %swap3A_50 = vector.load %arg7[%swap3A_48, %swap3A_49] : memref<128x1xf32, #tpu.memory_space<vmem>>, vector<128x1xf32>
      tpu.vector_store %arg7[%swap3A_48, %swap3A_49], %broadcast_in_dim3A_47 {strides = array<i32>} : memref<128x1xf32, #tpu.memory_space<vmem>>, vector<128x1xf32>,
    } else {
    }
    %get3A = arith.constant 0 : index
    %get3A_2 = arith.constant 0 : index
    %get3A_3 = vector.load %arg2[%get3A, %get3A_2] : memref<320x16xf32, #tpu.memory_space<vmem>>, vector<320x1xf32>
    %rsqrt3A = math.rsqrt %get3A_3 : vector<320x1xf32>
    %get3A_4 = arith.constant 0 : index
    %get3A_5 = arith.constant 0 : index
    %get3A_6 = vector.load %arg1[%get3A_4, %get3A_5] : memref<320x256xf32, #tpu.memory_space<vmem>>, vector<320x256xf32>
    %mul3A = vector.broadcast %rsqrt3A : vector<320x1xf32> to vector<320x256xf32>
    %mul3A_7 = arith.mulf %mul3A, %get3A_6 : vector<320x256xf32>
    %get3A_8 = arith.constant 0 : index
    %get3A_9 = arith.constant 0 : index
    %get3A_10 = vector.load %arg3[%get3A_8, %get3A_9] : memref<1x256xf32, #tpu.memory_space<vmem>>, vector<1x256xf32>
    %add3A = vector.broadcast %get3A_10 : vector<1x256xf32> to vector<320x256xf32>
    %add3A_11 = arith.addf %mul3A_7, %add3A : vector<320x256xf32>
    %iota3A = tpu.iota {dimensions = array<i32: 1>} : vector<320x128xi32>
    %get3A_12 = arith.constant 0 : index
    %get3A_13 = arith.constant 0 : index
    %get3A_14 = vector.load %arg4[%get3A_12, %get3A_13] : memref<320x1xi32, #tpu.memory_space<vmem>>, vector<320x1xi32>
    %eq3A_15 = vector.broadcast %get3A_14 : vector<320x1xi32> to vector<320x128xi32>
    %eq3A_16 = arith.cmpi eq, %eq3A_15, %iota3A : vector<320x128xi32>
    %convert_element_type3A_17 = arith.extui %eq3A_16 : vector<320x128xi1> to vector<320x128xi32>
    %convert_element_type3A_18 = arith.sitofp %convert_element_type3A_17 : vector<320x128xi32> to vector<320x128xf32>
    %get3A_19 = arith.constant 0 : index
    %get3A_20 = arith.constant 0 : index
    %get3A_21 = vector.load %arg6[%get3A_19, %get3A_20] : memref<128x256xf32, #tpu.memory_space<vmem>>, vector<128x256xf32>
    %dot_general3A = arith.constant dense<0.000000e+00> : vector<128x256xf32>
    %dot_general3A_22 = tpu.matmul %convert_element_type3A_18, %add3A_11, %dot_general3A {dimension_numbers = #tpu.dot_dimension_numbers<[0], [0], [1], [1], [0, 1, 1, 1], [], []>, transpose_lhs_hint = false} : vector<320x128xf32>, vector<320x256xf32>, vector<128x256xf32> -> vector<128x256xf32>
    %add3A_23 = arith.addf %get3A_21, %dot_general3A_22 : vector<128x256xf32>
    %swap3A = arith.constant 0 : index
    %swap3A_24 = arith.constant 0 : index
    %swap3A_25 = vector.load %arg6[%swap3A, %swap3A_24] : memref<128x256xf32, #tpu.memory_space<vmem>>, vector<128x256xf32>
    tpu.vector_store %arg6[%swap3A, %swap3A_24], %add3A_23 {strides = array<i32>} : memref<128x256xf32, #tpu.memory_space<vmem>>, vector<128x256xf32>,
    %get3A_26 = arith.constant 0 : index
    %get3A_27 = arith.constant 0 : index
    %get3A_28 = vector.load %arg7[%get3A_26, %get3A_27] : memref<128x1xf32, #tpu.memory_space<vmem>>, vector<128x1xf32>
    %broadcast_in_dim3A = arith.constant 1.000000e+00 : f32
    %broadcast_in_dim3A_29 = vector.broadcast %broadcast_in_dim3A : f32 to vector<320x1xf32>
    %dot_general3A_30 = arith.constant dense<0.000000e+00> : vector<128x1xf32>
    %dot_general3A_31 = tpu.matmul %convert_element_type3A_18, %broadcast_in_dim3A_29, %dot_general3A_30 {dimension_numbers = #tpu.dot_dimension_numbers<[0], [0], [1], [1], [0, 1, 1, 1], [], []>, transpose_lhs_hint = false} : vector<320x128xf32>, vector<320x1xf32>, vector<128x1xf32> -> vector<128x1xf32>
    %add3A_32 = arith.addf %get3A_28, %dot_general3A_31 : vector<128x1xf32>
    %swap3A_33 = arith.constant 0 : index
    %swap3A_34 = arith.constant 0 : index
    %swap3A_35 = vector.load %arg7[%swap3A_33, %swap3A_34] : memref<128x1xf32, #tpu.memory_space<vmem>>, vector<128x1xf32>
    tpu.vector_store %arg7[%swap3A_33, %swap3A_34], %add3A_32 {strides = array<i32>} : memref<128x1xf32, #tpu.memory_space<vmem>>, vector<128x1xf32>,
    %eq3A_36 = arith.constant 31 : i32
    %eq3A_37 = arith.cmpi eq, %arg0, %eq3A_36 : i32
    %convert_element_type3A_38 = arith.extui %eq3A_37 : i1 to i32
    %cond3A_39 = arith.constant 0 : i32
    %cond3A_40 = arith.cmpi ne, %convert_element_type3A_38, %cond3A_39 : i32
    scf.if %cond3A_40 {
      %get3A_41 = arith.constant 0 : index
      %get3A_42 = arith.constant 0 : index
      %get3A_43 = vector.load %arg6[%get3A_41, %get3A_42] : memref<128x256xf32, #tpu.memory_space<vmem>>, vector<128x256xf32>
      %get3A_44 = arith.constant 0 : index
      %get3A_45 = arith.constant 0 : index
      %get3A_46 = vector.load %arg7[%get3A_44, %get3A_45] : memref<128x1xf32, #tpu.memory_space<vmem>>, vector<128x1xf32>
      %max3A = arith.constant 1.000000e+00 : f32
      %max3A_47 = vector.broadcast %max3A : f32 to vector<128x1xf32>
      %max3A_48 = arith.maximumf %get3A_46, %max3A_47 : vector<128x1xf32>
      %div3A = vector.broadcast %max3A_48 : vector<128x1xf32> to vector<128x256xf32>
      %div3A_49 = arith.divf %get3A_43, %div3A : vector<128x256xf32>
      %swap3A_50 = arith.constant 0 : index
      %swap3A_51 = arith.constant 0 : index
      %swap3A_52 = vector.load %arg5[%swap3A_50, %swap3A_51] : memref<128x256xf32, #tpu.memory_space<vmem>>, vector<128x256xf32>
      tpu.vector_store %arg5[%swap3A_50, %swap3A_51], %div3A_49 {strides = array<i32>} : memref<128x256xf32, #tpu.memory_space<vmem>>, vector<128x256xf32>,
    } else {
    }
    return
  }
  func.func @transform_0(%arg0: i32) -> (i32, i32) {
    %c0_i32 = arith.constant 0 : i32
    %c0_i32_0 = arith.constant 0 : i32
    return %arg0, %c0_i32 : i32, i32
  }
  func.func @transform_1(%arg0: i32) -> (i32, i32) {
    %c0_i32 = arith.constant 0 : i32
    %c0_i32_0 = arith.constant 0 : i32
    return %arg0, %c0_i32 : i32, i32
  }
  func.func @transform_2(%arg0: i32) -> (i32, i32) {
    %c0_i32 = arith.constant 0 : i32
    %c0_i32_0 = arith.constant 0 : i32
    %c0_i32_1 = arith.constant 0 : i32
    return %c0_i32, %c0_i32_0 : i32, i32
  }
  func.func @transform_3(%arg0: i32) -> (i32, i32) {
    %c0_i32 = arith.constant 0 : i32
    %c0_i32_0 = arith.constant 0 : i32
    return %arg0, %c0_i32 : i32, i32
  }
  func.func @transform_4(%arg0: i32) -> (i32, i32) {
    %c0_i32 = arith.constant 0 : i32
    %c0_i32_0 = arith.constant 0 : i32
    %c0_i32_1 = arith.constant 0 : i32
    return %c0_i32, %c0_i32_0 : i32, i32
  }
}

</mosaic_0001>

<sc_bundles>
// kernel: kernel.11.cloned.1.call-start
scs
__scs_entry_jumppad:
0x0: {  	(pc) =	sbr.rel $0x88, $3  }
0x1: {  	(tag) =	ssettag $0x0;
	lr =	simm.s32 $0x1  }
0x2: {  	[smem:$0x3F9A] =	sst lr;
	_ =	strace $0xD0000000  }
0x3: {  	_ = 	snop  }
0x4: {  	_ = 	snop  }
0x5: {  	_ = 	snop  }
0x6: {  	_ = 	snop  }
0x7: {  	_ = 	snop  }
__scs_overlays_trampoline_lowered:
0x8: {  	[smem:$0x3FA9] =	sst s0  }
0x9: {  	[smem:$0x3FAA] =	sst s1  }
0xa: {  	[smem:$0x3FAB] =	sst s2  }
0xb: {  	[smem:$0x3FAC] =	sst s3  }
0xc: {  	[smem:$0x3FAD] =	sst s4  }
0xd: {  	[smem:$0x3FAE] =	sst s5  }
0xe: {  	[smem:$0x3FAF] =	sst s6  }
0xf: {  	[smem:$0x3FB0] =	sst s7  }
0x10: {  	[smem:$0x3FB1] =	sst s8  }
0x11: {  	[smem:$0x3FB2] =	sst s9;
	s0 =	simm.s32 @!p0 $0x0  }
0x12: {  	s1 =	sld [smem:$0x3F98];
	s0 =	simm.s32 @p0 $0x1  }
0x13: {  	[smem:$0x3FB3] =	sst s0;
	s0 =	simm.s32 @!p1 $0x0  }
0x14: {  	s2 =	sld [smem:$0x3F97];
	s0 =	simm.s32 @p1 $0x1  }
0x15: {  	[smem:$0x3FB4] =	sst s0;
	s0 =	simm.s32 @!p2 $0x0  }
0x16: {  	s3 =	sld [smem:$0x3FDB];
	s0 =	simm.s32 @p2 $0x1  }
0x17: {  	s4 =	simm.s32 $0x1BF5;
	[smem:$0x3FB6] =	sst s0  }
0x18: {  	s0 =	sld [smem:$0x3F99];
	_ =	swait.ge [sflag:s4], $0x0  }
0x19: {  	s7 =	sld [smem:$0x3F9A]  }
0x1a: {  	s8 =	sadd.s32 $0xFFFFE003, lr  }
0x1b: {  	s9 =	sadd.s32 $0xFFFFFEF7, lr;
	s5 =	simm.s32 $0xFFFFFFFF;
	p2 =	slt.u32 s8, $0xFFFFF086  }
0x1c: {  	p1 =	slt.u32 s9, $0xF7A;
	s5 =	simm.s32 @!p2 $0x0  }
0x1d: {  	s5 =	simm.s32 @p1 $0x1;
	p0 =	seq.s32 s7, s2  }
0x1e: {  	s7 =	smul.u32 @!p0 $0xF7A, s2;
	p2 =	seq.s32 @!p0 s5, $0x0  }
0x1f: {  	s9 =	smul.u32 $0xF7A, s1;
	s8 =	simm.s32 @!p0 $0x1BF5;
	p2 =	por !p2, p0  }
0x20: {  	[sflag:s8] =	ssyncset.s32 @!p0 $0xFFFFF086;
	s6 =	sadd.s32 @!p0 s3, s7;
	s7 =	simm.s32 @!p0 $0x108  }
0x21: {  	s3 =	sadd.s32 s3, s9;
	s6 =	sadd.s32 @!p0 $0x88, s6;
	s7 =	simm.s32 @p2 $0x1082  }
0x22: {  	[simem:s7], [sflag:s8] =	dma.local @!p0 [hbm:s6], $0xF7A  }
0x23: {  	s9 =	sor.u32 $0xD0000000, s2;
	s6 =	simm.s32 $0x108;
	_ =	swait.ge @!p0 [sflag:s8], $0x0  }
0x24: {  	s3 =	sadd.s32 $0x88, s3;
	s6 =	simm.s32 @!p1 $0x1082;
	[sflag:s4] =	ssyncset.s32 $0xFFFFF086  }
0x25: {  	[simem:s6], [sflag:s4] =	dma.local [hbm:s3], $0xF7A  }
0x26: {  	[smem:$0x3F9A] =	sst s1;
	(tag) =	ssettag s2;
	_ =	strace s9  }
0x27: {  	s1 =	sld [smem:$0x3FAA]  }
0x28: {  	s2 =	sld [smem:$0x3FAB]  }
0x29: {  	s4 =	sld [smem:$0x3FAD]  }
0x2a: {  	p0 =	seq.s32 s5, $0x0;
	s5 =	sld [smem:$0x3FAE]  }
0x2b: {  	s6 =	sld [smem:$0x3FAF]  }
0x2c: {  	s7 =	sld [smem:$0x3FB0]  }
0x2d: {  	s3 =	simm.s32 $0x108;
	s8 =	sld [smem:$0x3FB1]  }
0x2e: {  	s3 =	simm.s32 @!p0 $0x1082;
	s9 =	sld [smem:$0x3FB2]  }
0x2f: {  	lr =	sadd.s32 s0, s3;
	s0 =	sld [smem:$0x3FA9]  }
0x30: {  	s3 =	sld [smem:$0x3FAC]  }
0x31: {  	[smem:$0x3FB5] =	sst s10  }
0x32: {  	s10 =	sld [smem:$0x3FB3];
	_ =	sdelay $0x3  }
0x33: {  	p0 =	seq.s32 s10, $0x1;
	s10 =	sld [smem:$0x3FB5];
	_ =	sdelay $0x3  }
0x34: {  	[smem:$0x3FB5] =	sst s10  }
0x35: {  	s10 =	sld [smem:$0x3FB4];
	_ =	sdelay $0x3  }
0x36: {  	p1 =	seq.s32 s10, $0x1;
	s10 =	sld [smem:$0x3FB5];
	_ =	sdelay $0x3  }
0x37: {  	[smem:$0x3FB5] =	sst s10  }
0x38: {  	s10 =	sld [smem:$0x3FB6]  }
0x39: {  	_ = 	snop;
	(pc) =	sbr.ind lr, $3  }
0x3a: {  	_ = 	snop  }
0x3b: {  	_ = 	snop  }
0x3c: {  	p2 =	seq.s32 s10, $0x1;
	s10 =	sld [smem:$0x3FB5]  }
0x3d: {  	_ =	shalt  }
0x3e: {  	_ =	shalt  }
0x3f: {  	_ =	shalt  }
0x40: {  	_ =	shalt  }
0x41: {  	_ =	shalt  }
0x42: {  	_ =	shalt  }
0x43: {  	_ =	shalt  }
0x44: {  	_ =	shalt  }
0x45: {  	_ =	shalt  }
0x46: {  	_ =	shalt  }
0x47: {  	_ =	shalt  }
0x48: {  	_ =	shalt  }
0x49: {  	_ =	shalt  }
0x4a: {  	_ =	shalt  }
0x4b: {  	_ =	shalt  }
0x4c: {  	_ =	shalt  }
0x4d: {  	_ =	shalt  }
0x4e: {  	_ =	shalt  }
0x4f: {  	_ =	shalt  }
0x50: {  	_ =	shalt  }
0x51: {  	_ =	shalt  }
0x52: {  	_ =	shalt  }
0x53: {  	_ =	shalt  }
0x54: {  	_ =	shalt  }
0x55: {  	_ =	shalt  }
0x56: {  	_ =	shalt  }
0x57: {  	_ =	shalt  }
0x58: {  	_ =	shalt  }
0x59: {  	_ =	shalt  }
0x5a: {  	_ =	shalt  }
0x5b: {  	_ =	shalt  }
0x5c: {  	_ =	shalt  }
0x5d: {  	_ =	shalt  }
0x5e: {  	_ =	shalt  }
0x5f: {  	_ =	shalt  }
0x60: {  	_ =	shalt  }
0x61: {  	_ =	shalt  }
0x62: {  	_ =	shalt  }
0x63: {  	_ =	shalt  }
0x64: {  	_ =	shalt  }
0x65: {  	_ =	shalt  }
0x66: {  	_ =	shalt  }
0x67: {  	_ =	shalt  }
0x68: {  	_ =	shalt  }
0x69: {  	_ =	shalt  }
0x6a: {  	_ =	shalt  }
0x6b: {  	_ =	shalt  }
0x6c: {  	_ =	shalt  }
0x6d: {  	_ =	shalt  }
0x6e: {  	_ =	shalt  }
0x6f: {  	_ =	shalt  }
0x70: {  	_ =	shalt  }
0x71: {  	_ =	shalt  }
0x72: {  	_ =	shalt  }
0x73: {  	_ =	shalt  }
0x74: {  	_ =	shalt  }
0x75: {  	_ =	shalt  }
0x76: {  	_ =	shalt  }
0x77: {  	_ =	shalt  }
0x78: {  	_ =	shalt  }
0x79: {  	_ =	shalt  }
0x7a: {  	_ =	shalt  }
0x7b: {  	_ =	shalt  }
0x7c: {  	_ =	shalt  }
0x7d: {  	_ =	shalt  }
0x7e: {  	_ =	shalt  }
0x7f: {  	_ =	shalt  }
0x80: {  	_ =	shalt  }
0x81: {  	_ =	shalt  }
0x82: {  	_ =	shalt  }
0x83: {  	_ =	shalt  }
0x84: {  	_ =	shalt  }
0x85: {  	_ =	shalt  }
0x86: {  	_ =	shalt  }
0x87: {  	_ =	shalt  }
.Lfunc_end0:
.L_simem_size_0:
called_computation.1_lowered:
.L_overlay_start_0:
0x88: {  	s2 =	sld [smem:$0x3FD9]  }
0x89: {  	s3 =	sld [smem:$0x3FFE];
	_ =	sdelay $0x1  }
0x8a: {  	s1 =	srdreg.scid  }
0x8b: {  	s0 =	sand.u32 $0x1, s1  }
0x8c: {  	s16 =	sshll.u32 s0, $0xA;
	s2 =	sadd.s32 s3, s2  }
0x8d: {  	s2 =	sadd.s32 s2, s16  }
0x8e: {  	[smem:$0x3FC1] =	sst s2  }
0x8f: {  	_ = 	snop  }
0x90: {  	(tm) =	ssettm $0x1  }
0x91: {  	s17 =	sld [smem:$0x3FFB];
	_ =	sdelay $0x3  }
0x92: {  	_ =	strace s17  }
0x93: {  	s2 =	sld [smem:$0x3FFC];
	_ =	sdelay $0x3  }
0x94: {  	_ =	strace s2  }
0x95: {  	s2 =	sld [smem:$0x3FFD];
	_ =	sdelay $0x3  }
0x96: {  	_ =	strace s2  }
0x97: {  	_ =	strace $0x8FFFFFFF  }
0x98: {  	s18 =	sld [smem:$0x3FDB];
	_ =	sdelay $0x1  }
0x99: {  	s19 =	simm.s32 $_scs_section_size  }
0x9a: {  	s4 =	simm.s32 $_size__tile_overlayer_lowered;
	s5 =	simm.s32 $_tile_overlayer_lowered  }
0x9b: {  	s22 =	simm.s32 $0x1BFF;
	s21 =	sshll.u32 s5, $0x1;
	s2 =	sadd.s32 s19, s18  }
0x9c: {  	s6 =	simm.s32 $0x0;
	s20 =	sshll.u32 s4, $0x1;
	s4 =	sadd.s32 s21, s2  }
0x9d: {  	[timem:s6], [sflag:s22] =	dma.local [hbm:s4], s20  }
0x9e: {  	_ =	swait.ge [sflag:s22], s20  }
0x9f: {  	s3 =	ssub.s32 $0x0, s20;
	[sflag:s22] =	ssyncset.done $0x0  }
0xa0: {  	[sflag:s22] =	ssyncadd.s32 s3;
	_ =	sdelay $0x1  }
0xa1: {  	s23 =	simm.s32 $0x1B8B  }
0xa2: {  	_ =	swait.ge [sflag:s23], $0x1  }
0xa3: {  	[sflag:s23] =	ssyncset.done $0x0  }
0xa4: {  	s25 =	simm.s32 $0x1B8E;
	s24 =	sld [smem:$0x3FFE];
	[sflag:s23] =	ssyncadd.s32 $0xFFFFFFFF  }
0xa5: {  	s26 =	simm.s32 $execute0_lowered;
	[smem:$0x3FD2] =	sst s25  }
0xa6: {  	s4 =	sshll.u32 s26, $0x1;
	_ =	strace $0x80000049;
	[dreg:$0x1] =	wrdreg $0xFFFFFFFF  }
0xa7: {  	s28 =	simm.s32 $_size_execute0_lowered;
	s2 =	sadd.s32 s2, s4;
	[dreg:$0x0] =	wrdreg $0x0  }
0xa8: {  	s4 =	sshll.u32 s28, $0x1;
	[dreg:$0x2] =	wrdreg s2  }
0xa9: {  	[dreg:$0x3] =	wrdreg s4  }
0xaa: {  	[dreg:$0x4] =	wrdreg $0xC0  }
0xab: {  	_ =	task [dreg:s6], $0x5FFFF  }
0xac: {  	[dreg:$0x1] =	wrdreg $0xFFFFFFFF  }
0xad: {  	[dreg:$0x0] =	wrdreg $0x60  }
0xae: {  	[dreg:$0x2] =	wrdreg s24  }
0xaf: {  	[dreg:$0x3] =	wrdreg $0x0  }
0xb0: {  	[dreg:$0x4] =	wrdreg $0x9  }
0xb1: {  	_ =	task.clear_ibuf [dreg:s6], $0x5FFFF;
	_ =	strace $0x90000049  }
0xb2: {  	s29 =	simm.s32 $0x9;
	_ =	strace $0x8000004B  }
0xb3: {  	_ =	swait.ge [sflag:s29], $0x1  }
0xb4: {  	[sflag:s29] =	ssyncadd.s32 $0xFFFFFFFF  }
0xb5: {  	_ =	strace $0x9000004B  }
0xb6: {  	_ =	sfence  }
0xb7: {  	s30 =	sld [smem:$0x0];
	_ =	sdelay $0x2  }
0xb8: {  	s31 =	sshll.u32 s1, $0xD;
	s1 =	sshrl.u32 s1, $0x2  }
0xb9: {  	s3 =	sand.u32 $0x4000, s31;
	s1 =	sadd.s32 s1, s30  }
0xba: {  	s0 =	sor.u32 s3, s0;
	s1 =	sshll.u32 s1, $0x11  }
0xbb: {  	s0 =	sor.u32 s1, s0  }
0xbc: {  	s0 =	sadd.s32 $0x8F2B, s0  }
0xbd: {  	[sflag:s0] =	ssyncadd.remote.s32 $0x1  }
0xbe: {  	_ =	sfence.sel $0xFFFF  }
0xbf: {  	[dreg:$0x0] =	wrdreg $0xFFFFFFFF;
	(pc) =	sbr.abs _section_cstart, $3  }
0xc0: {  	[dreg:$0x1] =	wrdreg $0xFFFFFFFF  }
0xc1: {  	_ =	task.clear_ibuf [dreg:s6], $0x2FFFF;
	_ =	strace $0x9FFFFFFF  }
0xc2: {  	(tm) =	ssettm $0x7FFFFFFF  }
0xc3: {  	_ =	shalt  }
tec
execute0_lowered:
.L_overlay_start_1:
0x0: {  	(tag) =	ssettag $0x1  }
0x1: {  	s4 =	rddreg [dreg:$0x0];
	s0 =	srdreg.scid  }
0x2: {  	s1 =	rddreg [dreg:$0x1];
	s12 =	stileid.u32  }
0x3: {  	s2 =	simm.s32 $0x0;
	s17 =	simm.s32 $0x50;
	s18 =	simm.s32 $0x14210  }
0x4: {  	s19 =	simm.s32 $0x140D0;
	s20 =	simm.s32 $0x14170;
	s21 =	simm.s32 $0x19210  }
0x5: {  	s22 =	simm.s32 $0x1;
	s25 =	simm.s32 $0x0;
	s3 =	smul.u32 $0x140, s12  }
0x6: {  	s5 =	sand.u32 $0x1, s0;
	s0 =	rddreg [dreg:$0x2];
	s7 =	smul.u32 $0x50000, s12  }
0x7: {  	[smem:$0x7FF] =	sst s2;
	s11 =	sadd.s32 $0x5E00, s4;
	s9 =	smul.u32 $0x2710, s12  }
0x8: {  	s10 =	sadd.s32 $0xE00, s4;
	s30 =	sshll.u32 s12, $0x6;
	s16 =	smul.u32 $0x4E2, s12  }
0x9: {  	s15 =	sadd.s32 $0x140000, s1;
	s23 =	smul.u32 $0x1400, s5;
	s29 =	ssub.s32 $0x2, s5  }
0xa: {  	p0 =	sne.s32 s12, $0x0;
	_ =	strace $0x8000004A;
	s5 =	sshrl.u32 s29, $0x1  }
0xb: {  	s7 =	sshrl.u32 s7, $0x2;
	s31 =	sshrl.u32 s9, $0x3;
	s3 =	sadd.s32 s3, s23  }
0xc: {  	s13 =	ssub.s32 s29, s5;
	s14 =	sadd.s32 s7, s1;
	s5 =	sor.u32 $0x1C03, s30  }
0xd: {  	s7 =	sadd.s32 s10, s31;
	s24 =	sadd.s32 $0x1400, s23;
	s10 =	sadd.s32 s16, s10  }
0xe: {  	v0 =	vmov s23;
	s23 =	simm.s32 $0x141C0;
	s6 =	sshll.u32 s3, $0x5;
	s3 =	sadd.s32 $0xAE00, s4  }
0xf: {  	s9 =	smax.u32 s13, $0x1;
	s12 =	sshrl.u32 s14, $0x3;
	s13 =	simm.s32 $0x3  }
0x10: {  	s14 =	sshrl.u32 @!p0 s15, $0x3;
	s15 =	simm.s32 $0x14080;
	v1 =	vmov s24;
	s24 =	simm.s32 $0x2  }
0x11: {  	s8 =	sadd.s32 s6, s4;
	s4 =	sadd.s32 s3, s6;
	s6 =	sadd.s32 s11, s31  }
0x12: {  	s11 =	sadd.s32 s16, s11;
	s16 =	simm.s32 $0x14120;
	s8 =	sadd.s32 $0x5AE00, s8  }
.LBB2_1:
0x13: {  	[spmem:s12], [sflag:s5] =	dma.local [hbm:s4], $0x2800  }
0x14: {  	_ =	swait.ge [sflag:s13], $0x2800  }
0x15: {  	[sflag:s13] =	ssyncset.done $0x0  }
0x16: {  	s26 =	simm.s32 @!p0 $0x3;
	[sflag:s13] =	ssyncadd.s32 $0xFFFFD800  }
0x17: {  	[spmem:s14], [sflag:s5] =	dma.local @!p0 [hbm:s3], $0x100  }
0x18: {  	_ =	swait.ge @!p0 [sflag:s26], $0x100  }
0x19: {  	[sflag:s26] =	ssyncset.done @!p0 $0x0  }
0x1a: {  	[sflag:s26] =	ssyncadd.s32 @!p0 $0xFFFFFF00  }
0x1b: {  	[bflag:$0x0] =	sbarrier.arrive $0xFFFF  }
0x1c: {  	[tilespmem:s15], [sflag:$0x3] =	stream.linear.gather [hbm4b:s6+s2], $0x50, $0x38;
	[tilespmem:$0x1E210] =	vst v63  }
0x1d: {  	_ =	swait.ge [sflag:s13], $0x50  }
0x1e: {  	[sflag:s13] =	ssyncset.done $0x0  }
0x1f: {  	[sflag:s13] =	ssyncadd.s32 $0xFFFFFFB0  }
0x20: {  	[tilespmem:s16], [sflag:$0x3] =	stream.linear.gather [hbm4b:s7+s2], $0x50, $0x38;
	[tilespmem:$0x1E210] =	vst v63  }
0x21: {  	_ =	swait.ge [sflag:s13], $0x50  }
0x22: {  	[sflag:s13] =	ssyncset.done $0x0  }
0x23: {  	s28 =	sadd.s32 $0xFFFFFB28, s11;
	[sflag:s13] =	ssyncadd.s32 $0xFFFFFFB0  }
0x24: {  	[tilespmem:s18], [sflag:$0x1] =	stream.indirect.gather [hbm4b:s3+s17], $0x100, s15, s17, $0xb8;
	[tilespmem:$0x1E210] =	vst v63  }
0x25: {  	s30 =	sadd.s32 $0x4E2, s28  }
0x26: {  	[tilespmem:s19], [sflag:$0x3] =	stream.linear.gather [hbm4b:s30+s2], $0x50, $0x38;
	[tilespmem:$0x1E210] =	vst v63  }
0x27: {  	_ =	swait.ge [sflag:s13], $0x50  }
0x28: {  	s29 =	sadd.s32 $0xFFFFFB28, s10;
	[sflag:s13] =	ssyncset.done $0x0  }
0x29: {  	s31 =	sadd.s32 $0x4E2, s29;
	[sflag:s13] =	ssyncadd.s32 $0xFFFFFFB0  }
0x2a: {  	[tilespmem:s20], [sflag:$0x3] =	stream.linear.gather [hbm4b:s31+s2], $0x50, $0x38;
	[tilespmem:$0x1E210] =	vst v63  }
0x2b: {  	_ =	swait.ge [sflag:s13], $0x50  }
0x2c: {  	[sflag:s13] =	ssyncset.done $0x0  }
0x2d: {  	[sflag:s13] =	ssyncadd.s32 $0xFFFFFFB0  }
0x2e: {  	[tilespmem:s21], [sflag:$0x2] =	stream.indirect.gather [hbm4b:s3+s17], $0x100, s19, s17, $0xb8;
	[tilespmem:$0x1E210] =	vst v63  }
0x2f: {  	_ =	swait.ge [sflag:s22], $0x5000  }
0x30: {  	[sflag:s22] =	ssyncset.done $0x0  }
0x31: {  	[sflag:s22] =	ssyncadd.s32 $0xFFFFB000  }
0x32: {  	v6 =	vld [tilespmem:$0x14150]  }
0x33: {  	v2 =	vld [tilespmem:$0x14160]  }
0x34: {  	v7 =	vld [tilespmem:$0x14130]  }
0x35: {  	v3 =	vld [tilespmem:$0x14120]  }
0x36: {  	v5 =	vld [tilespmem:$0x14140];
	_ =	sdelay $0x1  }
0x37: {  	vm4 =	vge.s32 v6, v0;
	vm0 =	vge.s32 v2, v0;
	vm1 =	vlt.s32 v2, v1  }
0x38: {  	vm2 =	vge.s32 v7, v0;
	v4 =	vsub.s32 v7, v0;
	vm5 =	vlt.s32 v6, v1  }
0x39: {  	s26 =	simm.s32 $0xFFFFFB3C;
	vm3 =	vlt.s32 v7, v1;
	v6 =	vsub.s32 v6, v0;
	vm4 =	vmand vm4, vm5  }
.LBB2_2:
0x3a: {  	p1 =	sne.s32 s26, $0xFFFFFFEC;
	vm5 =	vlt.s32 v3, v1;
	v7 =	vsub.s32 v5, v0;
	v6 =	vnsel vm4, $0x1400, v6;
	s30 =	smov.u32 s26;
	s26 =	sadd.s32 $0x14, s26  }
0x3b: {  	vm2 =	vmand vm2, vm3;
	vm3 =	vge.s32 v5, v0;
	vm4 =	vlt.s32 v5, v1;
	[tilespmem:$0x141F0] =	vst v6  }
0x3c: {  	vm6 =	vge.s32 v3, v0;
	v4 =	vnsel vm2, $0x1400, v4;
	vm2 =	vmand vm3, vm4  }
0x3d: {  	v3 =	vsub.s32 v3, v0;
	vm3 =	vmand vm6, vm5;
	[tilespmem:$0x141D0] =	vst v4;
	v4 =	vnsel vm2, $0x1400, v7  }
0x3e: {  	vm0 =	vmand vm0, vm1;
	v2 =	vsub.s32 v2, v0;
	v3 =	vnsel vm3, $0x1400, v3;
	[tilespmem:$0x141E0] =	vst v4  }
0x3f: {  	v2 =	vnsel vm0, $0x1400, v2;
	[tilespmem:$0x141C0] =	vst v3  }
0x40: {  	[tilespmem:$0x14200] =	vst v2  }
0x41: {  	[spmem:s1] =	stream.indirect.scatter.add.f32 [tilespmem:s18], [sflag:$0x3], $0x100, s23, s17, $0xb8;
	[tilespmem:$0x1E210] =	vst v63  }
0x42: {  	_ =	swait.ge [sflag:s13], $0x5000  }
0x43: {  	[sflag:s13] =	ssyncset.done $0x0  }
0x44: {  	s28 =	sadd.s32 $0x4EC, s28;
	[sflag:s13] =	ssyncadd.s32 $0xFFFFB000  }
0x45: {  	[tilespmem:s15], [sflag:$0x3] =	stream.linear.gather [hbm4b:s28+s2], $0x50, $0x38;
	[tilespmem:$0x1E210] =	vst v63  }
0x46: {  	_ =	swait.ge [sflag:s13], $0x50  }
0x47: {  	[sflag:s13] =	ssyncset.done $0x0  }
0x48: {  	s28 =	sadd.s32 $0x4EC, s29;
	[sflag:s13] =	ssyncadd.s32 $0xFFFFFFB0  }
0x49: {  	[tilespmem:s16], [sflag:$0x3] =	stream.linear.gather [hbm4b:s28+s2], $0x50, $0x38;
	[tilespmem:$0x1E210] =	vst v63  }
0x4a: {  	_ =	swait.ge [sflag:s13], $0x50  }
0x4b: {  	[sflag:s13] =	ssyncset.done $0x0  }
0x4c: {  	[sflag:s13] =	ssyncadd.s32 $0xFFFFFFB0  }
0x4d: {  	[tilespmem:s18], [sflag:$0x1] =	stream.indirect.gather [hbm4b:s3+s17], $0x100, s15, s17, $0xb8;
	[tilespmem:$0x1E210] =	vst v63  }
0x4e: {  	_ =	swait.ge [sflag:s24], $0x5000  }
0x4f: {  	[sflag:s24] =	ssyncset.done $0x0  }
0x50: {  	[sflag:s24] =	ssyncadd.s32 $0xFFFFB000  }
0x51: {  	v2 =	vld [tilespmem:$0x14170]  }
0x52: {  	v3 =	vld [tilespmem:$0x14180]  }
0x53: {  	v4 =	vld [tilespmem:$0x14190]  }
0x54: {  	v5 =	vld [tilespmem:$0x141B0];
	_ =	sdelay $0x1  }
0x55: {  	vm0 =	vge.s32 v2, v0;
	vm1 =	vlt.s32 v2, v1;
	v2 =	vsub.s32 v2, v0  }
0x56: {  	vm0 =	vmand vm0, vm1;
	vm1 =	vge.s32 v3, v0;
	vm2 =	vlt.s32 v3, v1;
	v6 =	vld [tilespmem:$0x141A0]  }
0x57: {  	v3 =	vsub.s32 v3, v0;
	vm1 =	vmand vm1, vm2;
	vm2 =	vge.s32 v4, v0  }
0x58: {  	v3 =	vnsel vm1, $0x1400, v3;
	vm1 =	vlt.s32 v4, v1;
	vm3 =	vge.s32 v5, v0  }
0x59: {  	[tilespmem:$0x141D0] =	vst v3;
	vm1 =	vmand vm2, vm1;
	v3 =	vsub.s32 v4, v0;
	vm2 =	vlt.s32 v5, v1  }
0x5a: {  	v4 =	vsub.s32 v5, v0;
	v3 =	vnsel vm1, $0x1400, v3;
	vm1 =	vmand vm3, vm2  }
0x5b: {  	[tilespmem:$0x141E0] =	vst v3;
	vm2 =	vge.s32 v6, v0;
	vm3 =	vlt.s32 v6, v1;
	v3 =	vnsel vm1, $0x1400, v4  }
0x5c: {  	v2 =	vnsel vm0, $0x1400, v2;
	v4 =	vsub.s32 v6, v0;
	vm0 =	vmand vm2, vm3;
	[tilespmem:$0x14200] =	vst v3  }
0x5d: {  	[tilespmem:$0x141C0] =	vst v2;
	v2 =	vnsel vm0, $0x1400, v4  }
0x5e: {  	[tilespmem:$0x141F0] =	vst v2  }
0x5f: {  	[spmem:s1] =	stream.indirect.scatter.add.f32 [tilespmem:s21], [sflag:$0x3], $0x100, s23, s17, $0xb8;
	[tilespmem:$0x1E210] =	vst v63  }
0x60: {  	_ =	swait.ge [sflag:s13], $0x5000  }
0x61: {  	s28 =	sadd.s32 s30, s11;
	[sflag:s13] =	ssyncset.done $0x0  }
0x62: {  	s29 =	sadd.s32 $0x4E2, s28;
	[sflag:s13] =	ssyncadd.s32 $0xFFFFB000  }
0x63: {  	[tilespmem:s19], [sflag:$0x3] =	stream.linear.gather [hbm4b:s29+s2], $0x50, $0x38;
	[tilespmem:$0x1E210] =	vst v63  }
0x64: {  	_ =	swait.ge [sflag:s13], $0x50  }
0x65: {  	s29 =	sadd.s32 s30, s10;
	[sflag:s13] =	ssyncset.done $0x0  }
0x66: {  	s30 =	sadd.s32 $0x4E2, s29;
	[sflag:s13] =	ssyncadd.s32 $0xFFFFFFB0  }
0x67: {  	[tilespmem:s20], [sflag:$0x3] =	stream.linear.gather [hbm4b:s30+s2], $0x50, $0x38;
	[tilespmem:$0x1E210] =	vst v63  }
0x68: {  	_ =	swait.ge [sflag:s13], $0x50  }
0x69: {  	[sflag:s13] =	ssyncset.done $0x0  }
0x6a: {  	[sflag:s13] =	ssyncadd.s32 $0xFFFFFFB0  }
0x6b: {  	[tilespmem:s21], [sflag:$0x2] =	stream.indirect.gather [hbm4b:s3+s17], $0x100, s19, s17, $0xb8;
	[tilespmem:$0x1E210] =	vst v63  }
0x6c: {  	_ =	swait.ge [sflag:s22], $0x5000  }
0x6d: {  	[sflag:s22] =	ssyncset.done $0x0  }
0x6e: {  	[sflag:s22] =	ssyncadd.s32 $0xFFFFB000  }
0x6f: {  	v6 =	vld [tilespmem:$0x14150]  }
0x70: {  	v2 =	vld [tilespmem:$0x14160]  }
0x71: {  	v7 =	vld [tilespmem:$0x14130]  }
0x72: {  	v3 =	vld [tilespmem:$0x14120]  }
.Ltmp0:
0x73: {  	v5 =	vld [tilespmem:$0x14140];
	(pc) =	sbr.rel @p1 .LBB2_2-.Ltmp0, $4  }
0x74: {  	vm4 =	vge.s32 v6, v0  }
0x75: {  	vm0 =	vge.s32 v2, v0;
	vm1 =	vlt.s32 v2, v1  }
0x76: {  	vm5 =	vlt.s32 v6, v1;
	vm2 =	vge.s32 v7, v0;
	v4 =	vsub.s32 v7, v0  }
0x77: {  	v6 =	vsub.s32 v6, v0;
	vm4 =	vmand vm4, vm5;
	vm3 =	vlt.s32 v7, v1  }
0x78: {  	vm5 =	vlt.s32 v3, v1;
	v7 =	vsub.s32 v5, v0;
	v6 =	vnsel vm4, $0x1400, v6  }
0x79: {  	vm2 =	vmand vm2, vm3;
	vm14 =	vge.s32 v5, v0;
	vm15 =	vlt.s32 v5, v1  }
0x7a: {  	vm0 =	vmand vm0, vm1;
	v2 =	vsub.s32 v2, v0;
	[tilespmem:$0x141F0] =	vst v6;
	v4 =	vnsel vm2, $0x1400, v4  }
0x7b: {  	vm6 =	vge.s32 v3, v0;
	vm9 =	vmand vm14, vm15;
	v2 =	vnsel vm0, $0x1400, v2;
	[tilespmem:$0x141D0] =	vst v4  }
0x7c: {  	v3 =	vsub.s32 v3, v0;
	vm10 =	vmand vm6, vm5;
	v55 =	vnsel vm9, $0x1400, v7;
	[tilespmem:$0x14200] =	vst v2  }
0x7d: {  	v3 =	vnsel vm10, $0x1400, v3;
	[tilespmem:$0x141E0] =	vst v55  }
0x7e: {  	[tilespmem:$0x141C0] =	vst v3  }
0x7f: {  	[spmem:s1] =	stream.indirect.scatter.add.f32 [tilespmem:s18], [sflag:$0x3], $0x100, s23, s17, $0xb8;
	[tilespmem:$0x1E210] =	vst v63  }
0x80: {  	_ =	swait.ge [sflag:s13], $0x5000  }
0x81: {  	[sflag:s13] =	ssyncset.done $0x0  }
0x82: {  	s26 =	sadd.s32 $0x4EC, s28;
	[sflag:s13] =	ssyncadd.s32 $0xFFFFB000  }
0x83: {  	[tilespmem:s15], [sflag:$0x3] =	stream.linear.gather [hbm4b:s26+s2], $0x50, $0x38;
	[tilespmem:$0x1E210] =	vst v63  }
0x84: {  	_ =	swait.ge [sflag:s13], $0x50  }
0x85: {  	[sflag:s13] =	ssyncset.done $0x0  }
0x86: {  	s31 =	sadd.s32 $0x4EC, s29;
	[sflag:s13] =	ssyncadd.s32 $0xFFFFFFB0  }
0x87: {  	[tilespmem:s16], [sflag:$0x3] =	stream.linear.gather [hbm4b:s31+s2], $0x50, $0x38;
	[tilespmem:$0x1E210] =	vst v63  }
0x88: {  	_ =	swait.ge [sflag:s13], $0x50  }
0x89: {  	[sflag:s13] =	ssyncset.done $0x0  }
0x8a: {  	[sflag:s13] =	ssyncadd.s32 $0xFFFFFFB0  }
0x8b: {  	[tilespmem:s18], [sflag:$0x1] =	stream.indirect.gather [hbm4b:s3+s17], $0x100, s15, s17, $0xb8;
	[tilespmem:$0x1E210] =	vst v63  }
0x8c: {  	_ =	swait.ge [sflag:s24], $0x5000  }
0x8d: {  	[sflag:s24] =	ssyncset.done $0x0  }
0x8e: {  	[sflag:s24] =	ssyncadd.s32 $0xFFFFB000  }
0x8f: {  	v2 =	vld [tilespmem:$0x14170]  }
0x90: {  	v3 =	vld [tilespmem:$0x14180]  }
0x91: {  	v56 =	vld [tilespmem:$0x14190]  }
0x92: {  	v57 =	vld [tilespmem:$0x141B0];
	_ =	sdelay $0x1  }
0x93: {  	v58 =	vld [tilespmem:$0x141A0]  }
0x94: {  	vm11 =	vge.s32 v2, v0;
	vm12 =	vlt.s32 v2, v1;
	v2 =	vsub.s32 v2, v0  }
0x95: {  	vm13 =	vge.s32 v3, v0;
	vm14 =	vlt.s32 v3, v1;
	v3 =	vsub.s32 v3, v0  }
0x96: {  	vm15 =	vge.s32 v56, v0;
	vm6 =	vlt.s32 v56, v1;
	vm7 =	vge.s32 v57, v0  }
0x97: {  	v4 =	vsub.s32 v56, v0;
	vm8 =	vlt.s32 v57, v1;
	vm1 =	vmand vm13, vm14  }
0x98: {  	vm10 =	vge.s32 v58, v0;
	vm0 =	vmand vm11, vm12;
	v3 =	vnsel vm1, $0x1400, v3  }
0x99: {  	vm11 =	vlt.s32 v58, v1;
	vm1 =	vmand vm15, vm6;
	v2 =	vnsel vm0, $0x1400, v2;
	[tilespmem:$0x141D0] =	vst v3  }
0x9a: {  	v60 =	vsub.s32 v58, v0;
	vm12 =	vmand vm10, vm11;
	v3 =	vnsel vm1, $0x1400, v4;
	[tilespmem:$0x141C0] =	vst v2  }
0x9b: {  	v59 =	vsub.s32 v57, v0;
	vm9 =	vmand vm7, vm8;
	v2 =	vnsel vm12, $0x1400, v60;
	[tilespmem:$0x141E0] =	vst v3  }
0x9c: {  	v3 =	vnsel vm9, $0x1400, v59;
	[tilespmem:$0x141F0] =	vst v2  }
0x9d: {  	[tilespmem:$0x14200] =	vst v3  }
0x9e: {  	[spmem:s1] =	stream.indirect.scatter.add.f32 [tilespmem:s21], [sflag:$0x3], $0x100, s23, s17, $0xb8;
	[tilespmem:$0x1E210] =	vst v63  }
0x9f: {  	_ =	swait.ge [sflag:s13], $0x5000  }
0xa0: {  	[sflag:s13] =	ssyncset.done $0x0  }
0xa1: {  	[sflag:s13] =	ssyncadd.s32 $0xFFFFB000  }
0xa2: {  	_ =	swait.ge [sflag:s22], $0x5000  }
0xa3: {  	[sflag:s22] =	ssyncset.done $0x0  }
0xa4: {  	[sflag:s22] =	ssyncadd.s32 $0xFFFFB000  }
0xa5: {  	v2 =	vld [tilespmem:$0x14120]  }
0xa6: {  	v3 =	vld [tilespmem:$0x14130]  }
0xa7: {  	v61 =	vld [tilespmem:$0x14140];
	_ =	sdelay $0x1  }
0xa8: {  	v62 =	vld [tilespmem:$0x14150];
	_ =	sdelay $0x1  }
0xa9: {  	v63 =	vld [tilespmem:$0x14160];
	vm13 =	vge.s32 v2, v0;
	vm14 =	vlt.s32 v2, v1;
	v2 =	vsub.s32 v2, v0  }
0xaa: {  	vm15 =	vge.s32 v3, v0;
	vm6 =	vlt.s32 v3, v1;
	vm7 =	vge.s32 v61, v0  }
0xab: {  	vm8 =	vlt.s32 v61, v1;
	v3 =	vsub.s32 v3, v0;
	v4 =	vsub.s32 v61, v0  }
0xac: {  	vm10 =	vge.s32 v62, v0;
	vm11 =	vlt.s32 v62, v1;
	vm0 =	vmand vm13, vm14  }
0xad: {  	vm9 =	vmand vm7, vm8;
	v2 =	vnsel vm0, $0x1400, v2;
	vm0 =	vmand vm15, vm6  }
0xae: {  	vm12 =	vmand vm10, vm11;
	vm13 =	vge.s32 v63, v0;
	[tilespmem:$0x141C0] =	vst v2;
	v2 =	vnsel vm0, $0x1400, v3  }
0xaf: {  	vm14 =	vlt.s32 v63, v1;
	v3 =	vnsel vm9, $0x1400, v4;
	[tilespmem:$0x141D0] =	vst v2;
	v2 =	vsub.s32 v62, v0  }
0xb0: {  	vm15 =	vmand vm13, vm14;
	[tilespmem:$0x141E0] =	vst v3;
	v3 =	vsub.s32 v63, v0;
	v2 =	vnsel vm12, $0x1400, v2  }
0xb1: {  	[tilespmem:$0x141F0] =	vst v2;
	v2 =	vnsel vm15, $0x1400, v3  }
0xb2: {  	[tilespmem:$0x14200] =	vst v2  }
0xb3: {  	[spmem:s1] =	stream.indirect.scatter.add.f32 [tilespmem:s18], [sflag:$0x3], $0x100, s23, s17, $0xb8;
	[tilespmem:$0x1E210] =	vst v63  }
0xb4: {  	_ =	swait.ge [sflag:s13], $0x5000  }
0xb5: {  	s25 =	sadd.s32 $0x1, s25;
	[sflag:s13] =	ssyncset.done $0x0  }
0xb6: {  	p1 =	sne.s32 s25, s9;
	[sflag:s13] =	ssyncadd.s32 $0xFFFFB000  }
.Ltmp1:
0xb7: {  	[bflag:$0x0] =	sbarrier.arrive $0xFFFF;
	(pc) =	sbr.rel @p1 .LBB2_1-.Ltmp1, $4  }
0xb8: {  	[hbm:s8], [sflag:s5] =	dma.local [spmem:s12], $0x2800  }
0xb9: {  	_ =	swait.ge [sflag:s13], $0x2800  }
0xba: {  	[sflag:s13] =	ssyncset.done $0x0  }
0xbb: {  	[sflag:s13] =	ssyncadd.s32 $0xFFFFD800  }
0xbc: {  	_ =	sfence.sel $0x180000  }
0xbd: {  	[bflag:$0x0] =	sbarrier.arrive $0xFFFF  }
0xbe: {  	_ =	strace $0x9000004A  }
0xbf: {  	s0 =	sadd.s32 @!p0 $0x100000, s0;
	[bflag:$0x2] =	sbarrier.arrive $0xFFFF  }
0xc0: {  	[sflag:s0] =	ssyncadd.tile.s32 @!p0 $0x1;
	_ =	shalt  }
.Lfunc_end2:
_tile_overlayer_lowered:
.L_overlay_start_2:
0xc1: {  	(tag) =	ssettag $0x2  }
0xc2: {  	s0 =	rddreg [dreg:$0x0];
	s2 =	stileid.u32  }
0xc3: {  	s1 =	rddreg [dreg:$0x1];
	p0 =	sne.s32 s2, $0x0  }
0xc4: {  	s3 =	rddreg [dreg:$0x2];
	[bflag:$0x3] =	sbarrier.arrive $0xFFFF;
	s2 =	simm.s32 @!p0 $0x1C03  }
0xc5: {  	[timem:s3], [sflag:s2] =	dma.local @!p0 [hbm:s0], s1  }
0xc6: {  	s0 =	simm.s32 @!p0 $0x3  }
0xc7: {  	_ =	swait.ge @!p0 [sflag:s0], s1  }
0xc8: {  	s1 =	ssub.s32 @!p0 $0x0, s1;
	[sflag:s0] =	ssyncset.done @!p0 $0x0  }
0xc9: {  	[sflag:s0] =	ssyncadd.s32 @!p0 s1  }
0xca: {  	[bflag:$0x3] =	sbarrier.arrive $0xFFFF  }
0xcb: {  	_ =	shalt  }

// kernel: kernel.14.cloned.1.call-start
scs
__scs_entry_jumppad:
0x0: {  	(pc) =	sbr.rel $0x88, $3  }
0x1: {  	(tag) =	ssettag $0x0;
	lr =	simm.s32 $0x1  }
0x2: {  	[smem:$0x3F9A] =	sst lr;
	_ =	strace $0xD0000000  }
0x3: {  	_ = 	snop  }
0x4: {  	_ = 	snop  }
0x5: {  	_ = 	snop  }
0x6: {  	_ = 	snop  }
0x7: {  	_ = 	snop  }
__scs_overlays_trampoline_lowered:
0x8: {  	[smem:$0x3FA9] =	sst s0  }
0x9: {  	[smem:$0x3FAA] =	sst s1  }
0xa: {  	[smem:$0x3FAB] =	sst s2  }
0xb: {  	[smem:$0x3FAC] =	sst s3  }
0xc: {  	[smem:$0x3FAD] =	sst s4  }
0xd: {  	[smem:$0x3FAE] =	sst s5  }
0xe: {  	[smem:$0x3FAF] =	sst s6  }
0xf: {  	[smem:$0x3FB0] =	sst s7  }
0x10: {  	[smem:$0x3FB1] =	sst s8  }
0x11: {  	[smem:$0x3FB2] =	sst s9;
	s0 =	simm.s32 @!p0 $0x0  }
0x12: {  	s1 =	sld [smem:$0x3F98];
	s0 =	simm.s32 @p0 $0x1  }
0x13: {  	[smem:$0x3FB3] =	sst s0;
	s0 =	simm.s32 @!p1 $0x0  }
0x14: {  	s2 =	sld [smem:$0x3F97];
	s0 =	simm.s32 @p1 $0x1  }
0x15: {  	[smem:$0x3FB4] =	sst s0;
	s0 =	simm.s32 @!p2 $0x0  }
0x16: {  	s3 =	sld [smem:$0x3FDB];
	s0 =	simm.s32 @p2 $0x1  }
0x17: {  	s4 =	simm.s32 $0x1BF5;
	[smem:$0x3FB6] =	sst s0  }
0x18: {  	s0 =	sld [smem:$0x3F99];
	_ =	swait.ge [sflag:s4], $0x0  }
0x19: {  	s7 =	sld [smem:$0x3F9A]  }
0x1a: {  	s8 =	sadd.s32 $0xFFFFE003, lr  }
0x1b: {  	s9 =	sadd.s32 $0xFFFFFEF7, lr;
	s5 =	simm.s32 $0xFFFFFFFF;
	p2 =	slt.u32 s8, $0xFFFFF086  }
0x1c: {  	p1 =	slt.u32 s9, $0xF7A;
	s5 =	simm.s32 @!p2 $0x0  }
0x1d: {  	s5 =	simm.s32 @p1 $0x1;
	p0 =	seq.s32 s7, s2  }
0x1e: {  	s7 =	smul.u32 @!p0 $0xF7A, s2;
	p2 =	seq.s32 @!p0 s5, $0x0  }
0x1f: {  	s9 =	smul.u32 $0xF7A, s1;
	s8 =	simm.s32 @!p0 $0x1BF5;
	p2 =	por !p2, p0  }
0x20: {  	[sflag:s8] =	ssyncset.s32 @!p0 $0xFFFFF086;
	s6 =	sadd.s32 @!p0 s3, s7;
	s7 =	simm.s32 @!p0 $0x108  }
0x21: {  	s3 =	sadd.s32 s3, s9;
	s6 =	sadd.s32 @!p0 $0x88, s6;
	s7 =	simm.s32 @p2 $0x1082  }
0x22: {  	[simem:s7], [sflag:s8] =	dma.local @!p0 [hbm:s6], $0xF7A  }
0x23: {  	s9 =	sor.u32 $0xD0000000, s2;
	s6 =	simm.s32 $0x108;
	_ =	swait.ge @!p0 [sflag:s8], $0x0  }
0x24: {  	s3 =	sadd.s32 $0x88, s3;
	s6 =	simm.s32 @!p1 $0x1082;
	[sflag:s4] =	ssyncset.s32 $0xFFFFF086  }
0x25: {  	[simem:s6], [sflag:s4] =	dma.local [hbm:s3], $0xF7A  }
0x26: {  	[smem:$0x3F9A] =	sst s1;
	(tag) =	ssettag s2;
	_ =	strace s9  }
0x27: {  	s1 =	sld [smem:$0x3FAA]  }
0x28: {  	s2 =	sld [smem:$0x3FAB]  }
0x29: {  	s4 =	sld [smem:$0x3FAD]  }
0x2a: {  	p0 =	seq.s32 s5, $0x0;
	s5 =	sld [smem:$0x3FAE]  }
0x2b: {  	s6 =	sld [smem:$0x3FAF]  }
0x2c: {  	s7 =	sld [smem:$0x3FB0]  }
0x2d: {  	s3 =	simm.s32 $0x108;
	s8 =	sld [smem:$0x3FB1]  }
0x2e: {  	s3 =	simm.s32 @!p0 $0x1082;
	s9 =	sld [smem:$0x3FB2]  }
0x2f: {  	lr =	sadd.s32 s0, s3;
	s0 =	sld [smem:$0x3FA9]  }
0x30: {  	s3 =	sld [smem:$0x3FAC]  }
0x31: {  	[smem:$0x3FB5] =	sst s10  }
0x32: {  	s10 =	sld [smem:$0x3FB3];
	_ =	sdelay $0x3  }
0x33: {  	p0 =	seq.s32 s10, $0x1;
	s10 =	sld [smem:$0x3FB5];
	_ =	sdelay $0x3  }
0x34: {  	[smem:$0x3FB5] =	sst s10  }
0x35: {  	s10 =	sld [smem:$0x3FB4];
	_ =	sdelay $0x3  }
0x36: {  	p1 =	seq.s32 s10, $0x1;
	s10 =	sld [smem:$0x3FB5];
	_ =	sdelay $0x3  }
0x37: {  	[smem:$0x3FB5] =	sst s10  }
0x38: {  	s10 =	sld [smem:$0x3FB6]  }
0x39: {  	_ = 	snop;
	(pc) =	sbr.ind lr, $3  }
0x3a: {  	_ = 	snop  }
0x3b: {  	_ = 	snop  }
0x3c: {  	p2 =	seq.s32 s10, $0x1;
	s10 =	sld [smem:$0x3FB5]  }
0x3d: {  	_ =	shalt  }
0x3e: {  	_ =	shalt  }
0x3f: {  	_ =	shalt  }
0x40: {  	_ =	shalt  }
0x41: {  	_ =	shalt  }
0x42: {  	_ =	shalt  }
0x43: {  	_ =	shalt  }
0x44: {  	_ =	shalt  }
0x45: {  	_ =	shalt  }
0x46: {  	_ =	shalt  }
0x47: {  	_ =	shalt  }
0x48: {  	_ =	shalt  }
0x49: {  	_ =	shalt  }
0x4a: {  	_ =	shalt  }
0x4b: {  	_ =	shalt  }
0x4c: {  	_ =	shalt  }
0x4d: {  	_ =	shalt  }
0x4e: {  	_ =	shalt  }
0x4f: {  	_ =	shalt  }
0x50: {  	_ =	shalt  }
0x51: {  	_ =	shalt  }
0x52: {  	_ =	shalt  }
0x53: {  	_ =	shalt  }
0x54: {  	_ =	shalt  }
0x55: {  	_ =	shalt  }
0x56: {  	_ =	shalt  }
0x57: {  	_ =	shalt  }
0x58: {  	_ =	shalt  }
0x59: {  	_ =	shalt  }
0x5a: {  	_ =	shalt  }
0x5b: {  	_ =	shalt  }
0x5c: {  	_ =	shalt  }
0x5d: {  	_ =	shalt  }
0x5e: {  	_ =	shalt  }
0x5f: {  	_ =	shalt  }
0x60: {  	_ =	shalt  }
0x61: {  	_ =	shalt  }
0x62: {  	_ =	shalt  }
0x63: {  	_ =	shalt  }
0x64: {  	_ =	shalt  }
0x65: {  	_ =	shalt  }
0x66: {  	_ =	shalt  }
0x67: {  	_ =	shalt  }
0x68: {  	_ =	shalt  }
0x69: {  	_ =	shalt  }
0x6a: {  	_ =	shalt  }
0x6b: {  	_ =	shalt  }
0x6c: {  	_ =	shalt  }
0x6d: {  	_ =	shalt  }
0x6e: {  	_ =	shalt  }
0x6f: {  	_ =	shalt  }
0x70: {  	_ =	shalt  }
0x71: {  	_ =	shalt  }
0x72: {  	_ =	shalt  }
0x73: {  	_ =	shalt  }
0x74: {  	_ =	shalt  }
0x75: {  	_ =	shalt  }
0x76: {  	_ =	shalt  }
0x77: {  	_ =	shalt  }
0x78: {  	_ =	shalt  }
0x79: {  	_ =	shalt  }
0x7a: {  	_ =	shalt  }
0x7b: {  	_ =	shalt  }
0x7c: {  	_ =	shalt  }
0x7d: {  	_ =	shalt  }
0x7e: {  	_ =	shalt  }
0x7f: {  	_ =	shalt  }
0x80: {  	_ =	shalt  }
0x81: {  	_ =	shalt  }
0x82: {  	_ =	shalt  }
0x83: {  	_ =	shalt  }
0x84: {  	_ =	shalt  }
0x85: {  	_ =	shalt  }
0x86: {  	_ =	shalt  }
0x87: {  	_ =	shalt  }
.Lfunc_end0:
.L_simem_size_0:
called_computation.2_lowered:
.L_overlay_start_0:
0x88: {  	s2 =	sld [smem:$0x3FD9]  }
0x89: {  	s3 =	sld [smem:$0x3FFE];
	_ =	sdelay $0x1  }
0x8a: {  	s1 =	srdreg.scid  }
0x8b: {  	s0 =	sand.u32 $0x1, s1  }
0x8c: {  	s16 =	sshll.u32 s0, $0xA;
	s2 =	sadd.s32 s3, s2  }
0x8d: {  	s2 =	sadd.s32 s2, s16  }
0x8e: {  	[smem:$0x3FC1] =	sst s2  }
0x8f: {  	_ = 	snop  }
0x90: {  	(tm) =	ssettm $0x1  }
0x91: {  	s17 =	sld [smem:$0x3FFB];
	_ =	sdelay $0x3  }
0x92: {  	_ =	strace s17  }
0x93: {  	s2 =	sld [smem:$0x3FFC];
	_ =	sdelay $0x3  }
0x94: {  	_ =	strace s2  }
0x95: {  	s2 =	sld [smem:$0x3FFD];
	_ =	sdelay $0x3  }
0x96: {  	_ =	strace s2  }
0x97: {  	_ =	strace $0x8FFFFFFF  }
0x98: {  	s18 =	sld [smem:$0x3FDB];
	_ =	sdelay $0x1  }
0x99: {  	s19 =	simm.s32 $_scs_section_size  }
0x9a: {  	s4 =	simm.s32 $_size__tile_overlayer_lowered;
	s5 =	simm.s32 $_tile_overlayer_lowered  }
0x9b: {  	s22 =	simm.s32 $0x1BFF;
	s21 =	sshll.u32 s5, $0x1;
	s2 =	sadd.s32 s19, s18  }
0x9c: {  	s6 =	simm.s32 $0x0;
	s20 =	sshll.u32 s4, $0x1;
	s4 =	sadd.s32 s21, s2  }
0x9d: {  	[timem:s6], [sflag:s22] =	dma.local [hbm:s4], s20  }
0x9e: {  	_ =	swait.ge [sflag:s22], s20  }
0x9f: {  	s3 =	ssub.s32 $0x0, s20;
	[sflag:s22] =	ssyncset.done $0x0  }
0xa0: {  	[sflag:s22] =	ssyncadd.s32 s3;
	_ =	sdelay $0x1  }
0xa1: {  	s23 =	simm.s32 $0x1B8B  }
0xa2: {  	_ =	swait.ge [sflag:s23], $0x1  }
0xa3: {  	[sflag:s23] =	ssyncset.done $0x0  }
0xa4: {  	s25 =	simm.s32 $0x1B8E;
	s24 =	sld [smem:$0x3FFE];
	[sflag:s23] =	ssyncadd.s32 $0xFFFFFFFF  }
0xa5: {  	s26 =	simm.s32 $execute0_lowered;
	[smem:$0x3FD2] =	sst s25  }
0xa6: {  	s4 =	sshll.u32 s26, $0x1;
	_ =	strace $0x8000004C;
	[dreg:$0x1] =	wrdreg $0xFFFFFFFF  }
0xa7: {  	s28 =	simm.s32 $_size_execute0_lowered;
	s2 =	sadd.s32 s2, s4;
	[dreg:$0x0] =	wrdreg $0x0  }
0xa8: {  	s4 =	sshll.u32 s28, $0x1;
	[dreg:$0x2] =	wrdreg s2  }
0xa9: {  	[dreg:$0x3] =	wrdreg s4  }
0xaa: {  	[dreg:$0x4] =	wrdreg $0xC0  }
0xab: {  	_ =	task [dreg:s6], $0x5FFFF  }
0xac: {  	[dreg:$0x1] =	wrdreg $0xFFFFFFFF  }
0xad: {  	[dreg:$0x0] =	wrdreg $0x60  }
0xae: {  	[dreg:$0x2] =	wrdreg s24  }
0xaf: {  	[dreg:$0x3] =	wrdreg $0x0  }
0xb0: {  	[dreg:$0x4] =	wrdreg $0x9  }
0xb1: {  	_ =	task.clear_ibuf [dreg:s6], $0x5FFFF;
	_ =	strace $0x9000004C  }
0xb2: {  	s29 =	simm.s32 $0x9;
	_ =	strace $0x8000004E  }
0xb3: {  	_ =	swait.ge [sflag:s29], $0x1  }
0xb4: {  	[sflag:s29] =	ssyncadd.s32 $0xFFFFFFFF  }
0xb5: {  	_ =	strace $0x9000004E  }
0xb6: {  	_ =	sfence  }
0xb7: {  	s30 =	sld [smem:$0x0];
	_ =	sdelay $0x2  }
0xb8: {  	s31 =	sshll.u32 s1, $0xD;
	s1 =	sshrl.u32 s1, $0x2  }
0xb9: {  	s3 =	sand.u32 $0x4000, s31;
	s1 =	sadd.s32 s1, s30  }
0xba: {  	s0 =	sor.u32 s3, s0;
	s1 =	sshll.u32 s1, $0x11  }
0xbb: {  	s0 =	sor.u32 s1, s0  }
0xbc: {  	s0 =	sadd.s32 $0x8F2B, s0  }
0xbd: {  	[sflag:s0] =	ssyncadd.remote.s32 $0x1  }
0xbe: {  	_ =	sfence.sel $0xFFFF  }
0xbf: {  	[dreg:$0x0] =	wrdreg $0xFFFFFFFF;
	(pc) =	sbr.abs _section_cstart, $3  }
0xc0: {  	[dreg:$0x1] =	wrdreg $0xFFFFFFFF  }
0xc1: {  	_ =	task.clear_ibuf [dreg:s6], $0x2FFFF;
	_ =	strace $0x9FFFFFFF  }
0xc2: {  	(tm) =	ssettm $0x7FFFFFFF  }
0xc3: {  	_ =	shalt  }
tec
execute0_lowered:
.L_overlay_start_1:
0x0: {  	(tag) =	ssettag $0x1  }
0x1: {  	s4 =	rddreg [dreg:$0x0];
	s0 =	srdreg.scid  }
0x2: {  	s1 =	rddreg [dreg:$0x1];
	s12 =	stileid.u32  }
0x3: {  	s2 =	simm.s32 $0x0;
	s17 =	simm.s32 $0x50;
	s18 =	simm.s32 $0x14210  }
0x4: {  	s19 =	simm.s32 $0x140D0;
	s20 =	simm.s32 $0x14170;
	s21 =	simm.s32 $0x19210  }
0x5: {  	s22 =	simm.s32 $0x1;
	s25 =	simm.s32 $0x0;
	s3 =	smul.u32 $0x140, s12  }
0x6: {  	s5 =	sand.u32 $0x1, s0;
	s0 =	rddreg [dreg:$0x2];
	s7 =	smul.u32 $0x50000, s12  }
0x7: {  	[smem:$0x7FF] =	sst s2;
	s11 =	sadd.s32 $0x5E00, s4;
	s9 =	smul.u32 $0x2710, s12  }
0x8: {  	s10 =	sadd.s32 $0xE00, s4;
	s30 =	sshll.u32 s12, $0x6;
	s16 =	smul.u32 $0x4E2, s12  }
0x9: {  	s15 =	sadd.s32 $0x140000, s1;
	s23 =	smul.u32 $0x1400, s5;
	s29 =	ssub.s32 $0x2, s5  }
0xa: {  	p0 =	sne.s32 s12, $0x0;
	_ =	strace $0x8000004D;
	s5 =	sshrl.u32 s29, $0x1  }
0xb: {  	s7 =	sshrl.u32 s7, $0x2;
	s31 =	sshrl.u32 s9, $0x3;
	s3 =	sadd.s32 s3, s23  }
0xc: {  	s13 =	ssub.s32 s29, s5;
	s14 =	sadd.s32 s7, s1;
	s5 =	sor.u32 $0x1C03, s30  }
0xd: {  	s7 =	sadd.s32 s10, s31;
	s24 =	sadd.s32 $0x1400, s23;
	s10 =	sadd.s32 s16, s10  }
0xe: {  	v0 =	vmov s23;
	s23 =	simm.s32 $0x141C0;
	s6 =	sshll.u32 s3, $0x5;
	s3 =	sadd.s32 $0xAE00, s4  }
0xf: {  	s9 =	smax.u32 s13, $0x1;
	s12 =	sshrl.u32 s14, $0x3;
	s13 =	simm.s32 $0x3  }
0x10: {  	s14 =	sshrl.u32 @!p0 s15, $0x3;
	s15 =	simm.s32 $0x14080;
	v1 =	vmov s24;
	s24 =	simm.s32 $0x2  }
0x11: {  	s8 =	sadd.s32 s6, s4;
	s4 =	sadd.s32 s3, s6;
	s6 =	sadd.s32 s11, s31  }
0x12: {  	s11 =	sadd.s32 s16, s11;
	s16 =	simm.s32 $0x14120;
	s8 =	sadd.s32 $0x5AE00, s8  }
.LBB2_1:
0x13: {  	[spmem:s12], [sflag:s5] =	dma.local [hbm:s4], $0x2800  }
0x14: {  	_ =	swait.ge [sflag:s13], $0x2800  }
0x15: {  	[sflag:s13] =	ssyncset.done $0x0  }
0x16: {  	s26 =	simm.s32 @!p0 $0x3;
	[sflag:s13] =	ssyncadd.s32 $0xFFFFD800  }
0x17: {  	[spmem:s14], [sflag:s5] =	dma.local @!p0 [hbm:s3], $0x100  }
0x18: {  	_ =	swait.ge @!p0 [sflag:s26], $0x100  }
0x19: {  	[sflag:s26] =	ssyncset.done @!p0 $0x0  }
0x1a: {  	[sflag:s26] =	ssyncadd.s32 @!p0 $0xFFFFFF00  }
0x1b: {  	[bflag:$0x0] =	sbarrier.arrive $0xFFFF  }
0x1c: {  	[tilespmem:s15], [sflag:$0x3] =	stream.linear.gather [hbm4b:s6+s2], $0x50, $0x38;
	[tilespmem:$0x1E210] =	vst v63  }
0x1d: {  	_ =	swait.ge [sflag:s13], $0x50  }
0x1e: {  	[sflag:s13] =	ssyncset.done $0x0  }
0x1f: {  	[sflag:s13] =	ssyncadd.s32 $0xFFFFFFB0  }
0x20: {  	[tilespmem:s16], [sflag:$0x3] =	stream.linear.gather [hbm4b:s7+s2], $0x50, $0x38;
	[tilespmem:$0x1E210] =	vst v63  }
0x21: {  	_ =	swait.ge [sflag:s13], $0x50  }
0x22: {  	[sflag:s13] =	ssyncset.done $0x0  }
0x23: {  	s28 =	sadd.s32 $0xFFFFFB28, s11;
	[sflag:s13] =	ssyncadd.s32 $0xFFFFFFB0  }
0x24: {  	[tilespmem:s18], [sflag:$0x1] =	stream.indirect.gather [hbm4b:s3+s17], $0x100, s15, s17, $0xb8;
	[tilespmem:$0x1E210] =	vst v63  }
0x25: {  	s30 =	sadd.s32 $0x4E2, s28  }
0x26: {  	[tilespmem:s19], [sflag:$0x3] =	stream.linear.gather [hbm4b:s30+s2], $0x50, $0x38;
	[tilespmem:$0x1E210] =	vst v63  }
0x27: {  	_ =	swait.ge [sflag:s13], $0x50  }
0x28: {  	s29 =	sadd.s32 $0xFFFFFB28, s10;
	[sflag:s13] =	ssyncset.done $0x0  }
0x29: {  	s31 =	sadd.s32 $0x4E2, s29;
	[sflag:s13] =	ssyncadd.s32 $0xFFFFFFB0  }
0x2a: {  	[tilespmem:s20], [sflag:$0x3] =	stream.linear.gather [hbm4b:s31+s2], $0x50, $0x38;
	[tilespmem:$0x1E210] =	vst v63  }
0x2b: {  	_ =	swait.ge [sflag:s13], $0x50  }
0x2c: {  	[sflag:s13] =	ssyncset.done $0x0  }
0x2d: {  	[sflag:s13] =	ssyncadd.s32 $0xFFFFFFB0  }
0x2e: {  	[tilespmem:s21], [sflag:$0x2] =	stream.indirect.gather [hbm4b:s3+s17], $0x100, s19, s17, $0xb8;
	[tilespmem:$0x1E210] =	vst v63  }
0x2f: {  	_ =	swait.ge [sflag:s22], $0x5000  }
0x30: {  	[sflag:s22] =	ssyncset.done $0x0  }
0x31: {  	[sflag:s22] =	ssyncadd.s32 $0xFFFFB000  }
0x32: {  	v6 =	vld [tilespmem:$0x14150]  }
0x33: {  	v2 =	vld [tilespmem:$0x14160]  }
0x34: {  	v7 =	vld [tilespmem:$0x14130]  }
0x35: {  	v3 =	vld [tilespmem:$0x14120]  }
0x36: {  	v5 =	vld [tilespmem:$0x14140];
	_ =	sdelay $0x1  }
0x37: {  	vm4 =	vge.s32 v6, v0;
	vm0 =	vge.s32 v2, v0;
	vm1 =	vlt.s32 v2, v1  }
0x38: {  	vm2 =	vge.s32 v7, v0;
	v4 =	vsub.s32 v7, v0;
	vm5 =	vlt.s32 v6, v1  }
0x39: {  	s26 =	simm.s32 $0xFFFFFB3C;
	vm3 =	vlt.s32 v7, v1;
	v6 =	vsub.s32 v6, v0;
	vm4 =	vmand vm4, vm5  }
.LBB2_2:
0x3a: {  	p1 =	sne.s32 s26, $0xFFFFFFEC;
	vm5 =	vlt.s32 v3, v1;
	v7 =	vsub.s32 v5, v0;
	v6 =	vnsel vm4, $0x1400, v6;
	s30 =	smov.u32 s26;
	s26 =	sadd.s32 $0x14, s26  }
0x3b: {  	vm2 =	vmand vm2, vm3;
	vm3 =	vge.s32 v5, v0;
	vm4 =	vlt.s32 v5, v1;
	[tilespmem:$0x141F0] =	vst v6  }
0x3c: {  	vm6 =	vge.s32 v3, v0;
	v4 =	vnsel vm2, $0x1400, v4;
	vm2 =	vmand vm3, vm4  }
0x3d: {  	v3 =	vsub.s32 v3, v0;
	vm3 =	vmand vm6, vm5;
	[tilespmem:$0x141D0] =	vst v4;
	v4 =	vnsel vm2, $0x1400, v7  }
0x3e: {  	vm0 =	vmand vm0, vm1;
	v2 =	vsub.s32 v2, v0;
	v3 =	vnsel vm3, $0x1400, v3;
	[tilespmem:$0x141E0] =	vst v4  }
0x3f: {  	v2 =	vnsel vm0, $0x1400, v2;
	[tilespmem:$0x141C0] =	vst v3  }
0x40: {  	[tilespmem:$0x14200] =	vst v2  }
0x41: {  	[spmem:s1] =	stream.indirect.scatter.add.f32 [tilespmem:s18], [sflag:$0x3], $0x100, s23, s17, $0xb8;
	[tilespmem:$0x1E210] =	vst v63  }
0x42: {  	_ =	swait.ge [sflag:s13], $0x5000  }
0x43: {  	[sflag:s13] =	ssyncset.done $0x0  }
0x44: {  	s28 =	sadd.s32 $0x4EC, s28;
	[sflag:s13] =	ssyncadd.s32 $0xFFFFB000  }
0x45: {  	[tilespmem:s15], [sflag:$0x3] =	stream.linear.gather [hbm4b:s28+s2], $0x50, $0x38;
	[tilespmem:$0x1E210] =	vst v63  }
0x46: {  	_ =	swait.ge [sflag:s13], $0x50  }
0x47: {  	[sflag:s13] =	ssyncset.done $0x0  }
0x48: {  	s28 =	sadd.s32 $0x4EC, s29;
	[sflag:s13] =	ssyncadd.s32 $0xFFFFFFB0  }
0x49: {  	[tilespmem:s16], [sflag:$0x3] =	stream.linear.gather [hbm4b:s28+s2], $0x50, $0x38;
	[tilespmem:$0x1E210] =	vst v63  }
0x4a: {  	_ =	swait.ge [sflag:s13], $0x50  }
0x4b: {  	[sflag:s13] =	ssyncset.done $0x0  }
0x4c: {  	[sflag:s13] =	ssyncadd.s32 $0xFFFFFFB0  }
0x4d: {  	[tilespmem:s18], [sflag:$0x1] =	stream.indirect.gather [hbm4b:s3+s17], $0x100, s15, s17, $0xb8;
	[tilespmem:$0x1E210] =	vst v63  }
0x4e: {  	_ =	swait.ge [sflag:s24], $0x5000  }
0x4f: {  	[sflag:s24] =	ssyncset.done $0x0  }
0x50: {  	[sflag:s24] =	ssyncadd.s32 $0xFFFFB000  }
0x51: {  	v2 =	vld [tilespmem:$0x14170]  }
0x52: {  	v3 =	vld [tilespmem:$0x14180]  }
0x53: {  	v4 =	vld [tilespmem:$0x14190]  }
0x54: {  	v5 =	vld [tilespmem:$0x141B0];
	_ =	sdelay $0x1  }
0x55: {  	vm0 =	vge.s32 v2, v0;
	vm1 =	vlt.s32 v2, v1;
	v2 =	vsub.s32 v2, v0  }
0x56: {  	vm0 =	vmand vm0, vm1;
	vm1 =	vge.s32 v3, v0;
	vm2 =	vlt.s32 v3, v1;
	v6 =	vld [tilespmem:$0x141A0]  }
0x57: {  	v3 =	vsub.s32 v3, v0;
	vm1 =	vmand vm1, vm2;
	vm2 =	vge.s32 v4, v0  }
0x58: {  	v3 =	vnsel vm1, $0x1400, v3;
	vm1 =	vlt.s32 v4, v1;
	vm3 =	vge.s32 v5, v0  }
0x59: {  	[tilespmem:$0x141D0] =	vst v3;
	vm1 =	vmand vm2, vm1;
	v3 =	vsub.s32 v4, v0;
	vm2 =	vlt.s32 v5, v1  }
0x5a: {  	v4 =	vsub.s32 v5, v0;
	v3 =	vnsel vm1, $0x1400, v3;
	vm1 =	vmand vm3, vm2  }
0x5b: {  	[tilespmem:$0x141E0] =	vst v3;
	vm2 =	vge.s32 v6, v0;
	vm3 =	vlt.s32 v6, v1;
	v3 =	vnsel vm1, $0x1400, v4  }
0x5c: {  	v2 =	vnsel vm0, $0x1400, v2;
	v4 =	vsub.s32 v6, v0;
	vm0 =	vmand vm2, vm3;
	[tilespmem:$0x14200] =	vst v3  }
0x5d: {  	[tilespmem:$0x141C0] =	vst v2;
	v2 =	vnsel vm0, $0x1400, v4  }
0x5e: {  	[tilespmem:$0x141F0] =	vst v2  }
0x5f: {  	[spmem:s1] =	stream.indirect.scatter.add.f32 [tilespmem:s21], [sflag:$0x3], $0x100, s23, s17, $0xb8;
	[tilespmem:$0x1E210] =	vst v63  }
0x60: {  	_ =	swait.ge [sflag:s13], $0x5000  }
0x61: {  	s28 =	sadd.s32 s30, s11;
	[sflag:s13] =	ssyncset.done $0x0  }
0x62: {  	s29 =	sadd.s32 $0x4E2, s28;
	[sflag:s13] =	ssyncadd.s32 $0xFFFFB000  }
0x63: {  	[tilespmem:s19], [sflag:$0x3] =	stream.linear.gather [hbm4b:s29+s2], $0x50, $0x38;
	[tilespmem:$0x1E210] =	vst v63  }
0x64: {  	_ =	swait.ge [sflag:s13], $0x50  }
0x65: {  	s29 =	sadd.s32 s30, s10;
	[sflag:s13] =	ssyncset.done $0x0  }
0x66: {  	s30 =	sadd.s32 $0x4E2, s29;
	[sflag:s13] =	ssyncadd.s32 $0xFFFFFFB0  }
0x67: {  	[tilespmem:s20], [sflag:$0x3] =	stream.linear.gather [hbm4b:s30+s2], $0x50, $0x38;
	[tilespmem:$0x1E210] =	vst v63  }
0x68: {  	_ =	swait.ge [sflag:s13], $0x50  }
0x69: {  	[sflag:s13] =	ssyncset.done $0x0  }
0x6a: {  	[sflag:s13] =	ssyncadd.s32 $0xFFFFFFB0  }
0x6b: {  	[tilespmem:s21], [sflag:$0x2] =	stream.indirect.gather [hbm4b:s3+s17], $0x100, s19, s17, $0xb8;
	[tilespmem:$0x1E210] =	vst v63  }
0x6c: {  	_ =	swait.ge [sflag:s22], $0x5000  }
0x6d: {  	[sflag:s22] =	ssyncset.done $0x0  }
0x6e: {  	[sflag:s22] =	ssyncadd.s32 $0xFFFFB000  }
0x6f: {  	v6 =	vld [tilespmem:$0x14150]  }
0x70: {  	v2 =	vld [tilespmem:$0x14160]  }
0x71: {  	v7 =	vld [tilespmem:$0x14130]  }
0x72: {  	v3 =	vld [tilespmem:$0x14120]  }
.Ltmp0:
0x73: {  	v5 =	vld [tilespmem:$0x14140];
	(pc) =	sbr.rel @p1 .LBB2_2-.Ltmp0, $4  }
0x74: {  	vm4 =	vge.s32 v6, v0  }
0x75: {  	vm0 =	vge.s32 v2, v0;
	vm1 =	vlt.s32 v2, v1  }
0x76: {  	vm5 =	vlt.s32 v6, v1;
	vm2 =	vge.s32 v7, v0;
	v4 =	vsub.s32 v7, v0  }
0x77: {  	v6 =	vsub.s32 v6, v0;
	vm4 =	vmand vm4, vm5;
	vm3 =	vlt.s32 v7, v1  }
0x78: {  	vm5 =	vlt.s32 v3, v1;
	v7 =	vsub.s32 v5, v0;
	v6 =	vnsel vm4, $0x1400, v6  }
0x79: {  	vm2 =	vmand vm2, vm3;
	vm14 =	vge.s32 v5, v0;
	vm15 =	vlt.s32 v5, v1  }
0x7a: {  	vm0 =	vmand vm0, vm1;
	v2 =	vsub.s32 v2, v0;
	[tilespmem:$0x141F0] =	vst v6;
	v4 =	vnsel vm2, $0x1400, v4  }
0x7b: {  	vm6 =	vge.s32 v3, v0;
	vm9 =	vmand vm14, vm15;
	v2 =	vnsel vm0, $0x1400, v2;
	[tilespmem:$0x141D0] =	vst v4  }
0x7c: {  	v3 =	vsub.s32 v3, v0;
	vm10 =	vmand vm6, vm5;
	v55 =	vnsel vm9, $0x1400, v7;
	[tilespmem:$0x14200] =	vst v2  }
0x7d: {  	v3 =	vnsel vm10, $0x1400, v3;
	[tilespmem:$0x141E0] =	vst v55  }
0x7e: {  	[tilespmem:$0x141C0] =	vst v3  }
0x7f: {  	[spmem:s1] =	stream.indirect.scatter.add.f32 [tilespmem:s18], [sflag:$0x3], $0x100, s23, s17, $0xb8;
	[tilespmem:$0x1E210] =	vst v63  }
0x80: {  	_ =	swait.ge [sflag:s13], $0x5000  }
0x81: {  	[sflag:s13] =	ssyncset.done $0x0  }
0x82: {  	s26 =	sadd.s32 $0x4EC, s28;
	[sflag:s13] =	ssyncadd.s32 $0xFFFFB000  }
0x83: {  	[tilespmem:s15], [sflag:$0x3] =	stream.linear.gather [hbm4b:s26+s2], $0x50, $0x38;
	[tilespmem:$0x1E210] =	vst v63  }
0x84: {  	_ =	swait.ge [sflag:s13], $0x50  }
0x85: {  	[sflag:s13] =	ssyncset.done $0x0  }
0x86: {  	s31 =	sadd.s32 $0x4EC, s29;
	[sflag:s13] =	ssyncadd.s32 $0xFFFFFFB0  }
0x87: {  	[tilespmem:s16], [sflag:$0x3] =	stream.linear.gather [hbm4b:s31+s2], $0x50, $0x38;
	[tilespmem:$0x1E210] =	vst v63  }
0x88: {  	_ =	swait.ge [sflag:s13], $0x50  }
0x89: {  	[sflag:s13] =	ssyncset.done $0x0  }
0x8a: {  	[sflag:s13] =	ssyncadd.s32 $0xFFFFFFB0  }
0x8b: {  	[tilespmem:s18], [sflag:$0x1] =	stream.indirect.gather [hbm4b:s3+s17], $0x100, s15, s17, $0xb8;
	[tilespmem:$0x1E210] =	vst v63  }
0x8c: {  	_ =	swait.ge [sflag:s24], $0x5000  }
0x8d: {  	[sflag:s24] =	ssyncset.done $0x0  }
0x8e: {  	[sflag:s24] =	ssyncadd.s32 $0xFFFFB000  }
0x8f: {  	v2 =	vld [tilespmem:$0x14170]  }
0x90: {  	v3 =	vld [tilespmem:$0x14180]  }
0x91: {  	v56 =	vld [tilespmem:$0x14190]  }
0x92: {  	v57 =	vld [tilespmem:$0x141B0];
	_ =	sdelay $0x1  }
0x93: {  	v58 =	vld [tilespmem:$0x141A0]  }
0x94: {  	vm11 =	vge.s32 v2, v0;
	vm12 =	vlt.s32 v2, v1;
	v2 =	vsub.s32 v2, v0  }
0x95: {  	vm13 =	vge.s32 v3, v0;
	vm14 =	vlt.s32 v3, v1;
	v3 =	vsub.s32 v3, v0  }
0x96: {  	vm15 =	vge.s32 v56, v0;
	vm6 =	vlt.s32 v56, v1;
	vm7 =	vge.s32 v57, v0  }
0x97: {  	v4 =	vsub.s32 v56, v0;
	vm8 =	vlt.s32 v57, v1;
	vm1 =	vmand vm13, vm14  }
0x98: {  	vm10 =	vge.s32 v58, v0;
	vm0 =	vmand vm11, vm12;
	v3 =	vnsel vm1, $0x1400, v3  }
0x99: {  	vm11 =	vlt.s32 v58, v1;
	vm1 =	vmand vm15, vm6;
	v2 =	vnsel vm0, $0x1400, v2;
	[tilespmem:$0x141D0] =	vst v3  }
0x9a: {  	v60 =	vsub.s32 v58, v0;
	vm12 =	vmand vm10, vm11;
	v3 =	vnsel vm1, $0x1400, v4;
	[tilespmem:$0x141C0] =	vst v2  }
0x9b: {  	v59 =	vsub.s32 v57, v0;
	vm9 =	vmand vm7, vm8;
	v2 =	vnsel vm12, $0x1400, v60;
	[tilespmem:$0x141E0] =	vst v3  }
0x9c: {  	v3 =	vnsel vm9, $0x1400, v59;
	[tilespmem:$0x141F0] =	vst v2  }
0x9d: {  	[tilespmem:$0x14200] =	vst v3  }
0x9e: {  	[spmem:s1] =	stream.indirect.scatter.add.f32 [tilespmem:s21], [sflag:$0x3], $0x100, s23, s17, $0xb8;
	[tilespmem:$0x1E210] =	vst v63  }
0x9f: {  	_ =	swait.ge [sflag:s13], $0x5000  }
0xa0: {  	[sflag:s13] =	ssyncset.done $0x0  }
0xa1: {  	[sflag:s13] =	ssyncadd.s32 $0xFFFFB000  }
0xa2: {  	_ =	swait.ge [sflag:s22], $0x5000  }
0xa3: {  	[sflag:s22] =	ssyncset.done $0x0  }
0xa4: {  	[sflag:s22] =	ssyncadd.s32 $0xFFFFB000  }
0xa5: {  	v2 =	vld [tilespmem:$0x14120]  }
0xa6: {  	v3 =	vld [tilespmem:$0x14130]  }
0xa7: {  	v61 =	vld [tilespmem:$0x14140];
	_ =	sdelay $0x1  }
0xa8: {  	v62 =	vld [tilespmem:$0x14150];
	_ =	sdelay $0x1  }
0xa9: {  	v63 =	vld [tilespmem:$0x14160];
	vm13 =	vge.s32 v2, v0;
	vm14 =	vlt.s32 v2, v1;
	v2 =	vsub.s32 v2, v0  }
0xaa: {  	vm15 =	vge.s32 v3, v0;
	vm6 =	vlt.s32 v3, v1;
	vm7 =	vge.s32 v61, v0  }
0xab: {  	vm8 =	vlt.s32 v61, v1;
	v3 =	vsub.s32 v3, v0;
	v4 =	vsub.s32 v61, v0  }
0xac: {  	vm10 =	vge.s32 v62, v0;
	vm11 =	vlt.s32 v62, v1;
	vm0 =	vmand vm13, vm14  }
0xad: {  	vm9 =	vmand vm7, vm8;
	v2 =	vnsel vm0, $0x1400, v2;
	vm0 =	vmand vm15, vm6  }
0xae: {  	vm12 =	vmand vm10, vm11;
	vm13 =	vge.s32 v63, v0;
	[tilespmem:$0x141C0] =	vst v2;
	v2 =	vnsel vm0, $0x1400, v3  }
0xaf: {  	vm14 =	vlt.s32 v63, v1;
	v3 =	vnsel vm9, $0x1400, v4;
	[tilespmem:$0x141D0] =	vst v2;
	v2 =	vsub.s32 v62, v0  }
0xb0: {  	vm15 =	vmand vm13, vm14;
	[tilespmem:$0x141E0] =	vst v3;
	v3 =	vsub.s32 v63, v0;
	v2 =	vnsel vm12, $0x1400, v2  }
0xb1: {  	[tilespmem:$0x141F0] =	vst v2;
	v2 =	vnsel vm15, $0x1400, v3  }
0xb2: {  	[tilespmem:$0x14200] =	vst v2  }
0xb3: {  	[spmem:s1] =	stream.indirect.scatter.add.f32 [tilespmem:s18], [sflag:$0x3], $0x100, s23, s17, $0xb8;
	[tilespmem:$0x1E210] =	vst v63  }
0xb4: {  	_ =	swait.ge [sflag:s13], $0x5000  }
0xb5: {  	s25 =	sadd.s32 $0x1, s25;
	[sflag:s13] =	ssyncset.done $0x0  }
0xb6: {  	p1 =	sne.s32 s25, s9;
	[sflag:s13] =	ssyncadd.s32 $0xFFFFB000  }
.Ltmp1:
0xb7: {  	[bflag:$0x0] =	sbarrier.arrive $0xFFFF;
	(pc) =	sbr.rel @p1 .LBB2_1-.Ltmp1, $4  }
0xb8: {  	[hbm:s8], [sflag:s5] =	dma.local [spmem:s12], $0x2800  }
0xb9: {  	_ =	swait.ge [sflag:s13], $0x2800  }
0xba: {  	[sflag:s13] =	ssyncset.done $0x0  }
0xbb: {  	[sflag:s13] =	ssyncadd.s32 $0xFFFFD800  }
0xbc: {  	_ =	sfence.sel $0x180000  }
0xbd: {  	[bflag:$0x0] =	sbarrier.arrive $0xFFFF  }
0xbe: {  	_ =	strace $0x9000004D  }
0xbf: {  	s0 =	sadd.s32 @!p0 $0x100000, s0;
	[bflag:$0x2] =	sbarrier.arrive $0xFFFF  }
0xc0: {  	[sflag:s0] =	ssyncadd.tile.s32 @!p0 $0x1;
	_ =	shalt  }
.Lfunc_end2:
_tile_overlayer_lowered:
.L_overlay_start_2:
0xc1: {  	(tag) =	ssettag $0x2  }
0xc2: {  	s0 =	rddreg [dreg:$0x0];
	s2 =	stileid.u32  }
0xc3: {  	s1 =	rddreg [dreg:$0x1];
	p0 =	sne.s32 s2, $0x0  }
0xc4: {  	s3 =	rddreg [dreg:$0x2];
	[bflag:$0x3] =	sbarrier.arrive $0xFFFF;
	s2 =	simm.s32 @!p0 $0x1C03  }
0xc5: {  	[timem:s3], [sflag:s2] =	dma.local @!p0 [hbm:s0], s1  }
0xc6: {  	s0 =	simm.s32 @!p0 $0x3  }
0xc7: {  	_ =	swait.ge @!p0 [sflag:s0], s1  }
0xc8: {  	s1 =	ssub.s32 @!p0 $0x0, s1;
	[sflag:s0] =	ssyncset.done @!p0 $0x0  }
0xc9: {  	[sflag:s0] =	ssyncadd.s32 @!p0 s1  }
0xca: {  	[bflag:$0x3] =	sbarrier.arrive $0xFFFF  }
0xcb: {  	_ =	shalt  }

// kernel: kernel.8.cloned.1.call-start
scs
__scs_entry_jumppad:
0x0: {  	(pc) =	sbr.rel $0x88, $3  }
0x1: {  	(tag) =	ssettag $0x0;
	lr =	simm.s32 $0x1  }
0x2: {  	[smem:$0x3F9A] =	sst lr;
	_ =	strace $0xD0000000  }
0x3: {  	_ = 	snop  }
0x4: {  	_ = 	snop  }
0x5: {  	_ = 	snop  }
0x6: {  	_ = 	snop  }
0x7: {  	_ = 	snop  }
__scs_overlays_trampoline_lowered:
0x8: {  	[smem:$0x3FA9] =	sst s0  }
0x9: {  	[smem:$0x3FAA] =	sst s1  }
0xa: {  	[smem:$0x3FAB] =	sst s2  }
0xb: {  	[smem:$0x3FAC] =	sst s3  }
0xc: {  	[smem:$0x3FAD] =	sst s4  }
0xd: {  	[smem:$0x3FAE] =	sst s5  }
0xe: {  	[smem:$0x3FAF] =	sst s6  }
0xf: {  	[smem:$0x3FB0] =	sst s7  }
0x10: {  	[smem:$0x3FB1] =	sst s8  }
0x11: {  	[smem:$0x3FB2] =	sst s9;
	s0 =	simm.s32 @!p0 $0x0  }
0x12: {  	s1 =	sld [smem:$0x3F98];
	s0 =	simm.s32 @p0 $0x1  }
0x13: {  	[smem:$0x3FB3] =	sst s0;
	s0 =	simm.s32 @!p1 $0x0  }
0x14: {  	s2 =	sld [smem:$0x3F97];
	s0 =	simm.s32 @p1 $0x1  }
0x15: {  	[smem:$0x3FB4] =	sst s0;
	s0 =	simm.s32 @!p2 $0x0  }
0x16: {  	s3 =	sld [smem:$0x3FDB];
	s0 =	simm.s32 @p2 $0x1  }
0x17: {  	s4 =	simm.s32 $0x1BF5;
	[smem:$0x3FB6] =	sst s0  }
0x18: {  	s0 =	sld [smem:$0x3F99];
	_ =	swait.ge [sflag:s4], $0x0  }
0x19: {  	s7 =	sld [smem:$0x3F9A]  }
0x1a: {  	s8 =	sadd.s32 $0xFFFFE003, lr  }
0x1b: {  	s9 =	sadd.s32 $0xFFFFFEF7, lr;
	s5 =	simm.s32 $0xFFFFFFFF;
	p2 =	slt.u32 s8, $0xFFFFF086  }
0x1c: {  	p1 =	slt.u32 s9, $0xF7A;
	s5 =	simm.s32 @!p2 $0x0  }
0x1d: {  	s5 =	simm.s32 @p1 $0x1;
	p0 =	seq.s32 s7, s2  }
0x1e: {  	s7 =	smul.u32 @!p0 $0xF7A, s2;
	p2 =	seq.s32 @!p0 s5, $0x0  }
0x1f: {  	s9 =	smul.u32 $0xF7A, s1;
	s8 =	simm.s32 @!p0 $0x1BF5;
	p2 =	por !p2, p0  }
0x20: {  	[sflag:s8] =	ssyncset.s32 @!p0 $0xFFFFF086;
	s6 =	sadd.s32 @!p0 s3, s7;
	s7 =	simm.s32 @!p0 $0x108  }
0x21: {  	s3 =	sadd.s32 s3, s9;
	s6 =	sadd.s32 @!p0 $0x88, s6;
	s7 =	simm.s32 @p2 $0x1082  }
0x22: {  	[simem:s7], [sflag:s8] =	dma.local @!p0 [hbm:s6], $0xF7A  }
0x23: {  	s9 =	sor.u32 $0xD0000000, s2;
	s6 =	simm.s32 $0x108;
	_ =	swait.ge @!p0 [sflag:s8], $0x0  }
0x24: {  	s3 =	sadd.s32 $0x88, s3;
	s6 =	simm.s32 @!p1 $0x1082;
	[sflag:s4] =	ssyncset.s32 $0xFFFFF086  }
0x25: {  	[simem:s6], [sflag:s4] =	dma.local [hbm:s3], $0xF7A  }
0x26: {  	[smem:$0x3F9A] =	sst s1;
	(tag) =	ssettag s2;
	_ =	strace s9  }
0x27: {  	s1 =	sld [smem:$0x3FAA]  }
0x28: {  	s2 =	sld [smem:$0x3FAB]  }
0x29: {  	s4 =	sld [smem:$0x3FAD]  }
0x2a: {  	p0 =	seq.s32 s5, $0x0;
	s5 =	sld [smem:$0x3FAE]  }
0x2b: {  	s6 =	sld [smem:$0x3FAF]  }
0x2c: {  	s7 =	sld [smem:$0x3FB0]  }
0x2d: {  	s3 =	simm.s32 $0x108;
	s8 =	sld [smem:$0x3FB1]  }
0x2e: {  	s3 =	simm.s32 @!p0 $0x1082;
	s9 =	sld [smem:$0x3FB2]  }
0x2f: {  	lr =	sadd.s32 s0, s3;
	s0 =	sld [smem:$0x3FA9]  }
0x30: {  	s3 =	sld [smem:$0x3FAC]  }
0x31: {  	[smem:$0x3FB5] =	sst s10  }
0x32: {  	s10 =	sld [smem:$0x3FB3];
	_ =	sdelay $0x3  }
0x33: {  	p0 =	seq.s32 s10, $0x1;
	s10 =	sld [smem:$0x3FB5];
	_ =	sdelay $0x3  }
0x34: {  	[smem:$0x3FB5] =	sst s10  }
0x35: {  	s10 =	sld [smem:$0x3FB4];
	_ =	sdelay $0x3  }
0x36: {  	p1 =	seq.s32 s10, $0x1;
	s10 =	sld [smem:$0x3FB5];
	_ =	sdelay $0x3  }
0x37: {  	[smem:$0x3FB5] =	sst s10  }
0x38: {  	s10 =	sld [smem:$0x3FB6]  }
0x39: {  	_ = 	snop;
	(pc) =	sbr.ind lr, $3  }
0x3a: {  	_ = 	snop  }
0x3b: {  	_ = 	snop  }
0x3c: {  	p2 =	seq.s32 s10, $0x1;
	s10 =	sld [smem:$0x3FB5]  }
0x3d: {  	_ =	shalt  }
0x3e: {  	_ =	shalt  }
0x3f: {  	_ =	shalt  }
0x40: {  	_ =	shalt  }
0x41: {  	_ =	shalt  }
0x42: {  	_ =	shalt  }
0x43: {  	_ =	shalt  }
0x44: {  	_ =	shalt  }
0x45: {  	_ =	shalt  }
0x46: {  	_ =	shalt  }
0x47: {  	_ =	shalt  }
0x48: {  	_ =	shalt  }
0x49: {  	_ =	shalt  }
0x4a: {  	_ =	shalt  }
0x4b: {  	_ =	shalt  }
0x4c: {  	_ =	shalt  }
0x4d: {  	_ =	shalt  }
0x4e: {  	_ =	shalt  }
0x4f: {  	_ =	shalt  }
0x50: {  	_ =	shalt  }
0x51: {  	_ =	shalt  }
0x52: {  	_ =	shalt  }
0x53: {  	_ =	shalt  }
0x54: {  	_ =	shalt  }
0x55: {  	_ =	shalt  }
0x56: {  	_ =	shalt  }
0x57: {  	_ =	shalt  }
0x58: {  	_ =	shalt  }
0x59: {  	_ =	shalt  }
0x5a: {  	_ =	shalt  }
0x5b: {  	_ =	shalt  }
0x5c: {  	_ =	shalt  }
0x5d: {  	_ =	shalt  }
0x5e: {  	_ =	shalt  }
0x5f: {  	_ =	shalt  }
0x60: {  	_ =	shalt  }
0x61: {  	_ =	shalt  }
0x62: {  	_ =	shalt  }
0x63: {  	_ =	shalt  }
0x64: {  	_ =	shalt  }
0x65: {  	_ =	shalt  }
0x66: {  	_ =	shalt  }
0x67: {  	_ =	shalt  }
0x68: {  	_ =	shalt  }
0x69: {  	_ =	shalt  }
0x6a: {  	_ =	shalt  }
0x6b: {  	_ =	shalt  }
0x6c: {  	_ =	shalt  }
0x6d: {  	_ =	shalt  }
0x6e: {  	_ =	shalt  }
0x6f: {  	_ =	shalt  }
0x70: {  	_ =	shalt  }
0x71: {  	_ =	shalt  }
0x72: {  	_ =	shalt  }
0x73: {  	_ =	shalt  }
0x74: {  	_ =	shalt  }
0x75: {  	_ =	shalt  }
0x76: {  	_ =	shalt  }
0x77: {  	_ =	shalt  }
0x78: {  	_ =	shalt  }
0x79: {  	_ =	shalt  }
0x7a: {  	_ =	shalt  }
0x7b: {  	_ =	shalt  }
0x7c: {  	_ =	shalt  }
0x7d: {  	_ =	shalt  }
0x7e: {  	_ =	shalt  }
0x7f: {  	_ =	shalt  }
0x80: {  	_ =	shalt  }
0x81: {  	_ =	shalt  }
0x82: {  	_ =	shalt  }
0x83: {  	_ =	shalt  }
0x84: {  	_ =	shalt  }
0x85: {  	_ =	shalt  }
0x86: {  	_ =	shalt  }
0x87: {  	_ =	shalt  }
.Lfunc_end0:
.L_simem_size_0:
called_computation_lowered:
.L_overlay_start_0:
0x88: {  	s2 =	sld [smem:$0x3FD9]  }
0x89: {  	s3 =	sld [smem:$0x3FFE];
	_ =	sdelay $0x1  }
0x8a: {  	s1 =	srdreg.scid  }
0x8b: {  	s0 =	sand.u32 $0x1, s1  }
0x8c: {  	s17 =	sshll.u32 s0, $0xA;
	s2 =	sadd.s32 s3, s2  }
0x8d: {  	s2 =	sadd.s32 s2, s17  }
0x8e: {  	[smem:$0x3FC1] =	sst s2  }
0x8f: {  	_ = 	snop  }
0x90: {  	s2 =	sld [smem:$0x3FD0];
	(tm) =	ssettm $0x1  }
0x91: {  	s18 =	sld [smem:$0x3FFB];
	_ =	sdelay $0x3  }
0x92: {  	_ =	strace s18  }
0x93: {  	s3 =	sld [smem:$0x3FFC];
	_ =	sdelay $0x3  }
0x94: {  	_ =	strace s3  }
0x95: {  	s3 =	sld [smem:$0x3FFD];
	_ =	sdelay $0x3  }
0x96: {  	_ =	strace s3  }
0x97: {  	_ =	strace $0x8FFFFFFF  }
0x98: {  	s19 =	sld [smem:$0x3FDB];
	_ =	sdelay $0x1  }
0x99: {  	s4 =	simm.s32 $_scs_section_size  }
0x9a: {  	s5 =	simm.s32 $_size__tile_overlayer_lowered;
	s6 =	simm.s32 $_tile_overlayer_lowered  }
0x9b: {  	s22 =	simm.s32 $0x1BFF;
	s21 =	sshll.u32 s6, $0x1;
	s3 =	sadd.s32 s4, s19  }
0x9c: {  	s7 =	simm.s32 $0x0;
	s20 =	sshll.u32 s5, $0x1;
	s5 =	sadd.s32 s21, s3  }
0x9d: {  	[timem:s7], [sflag:s22] =	dma.local [hbm:s5], s20  }
0x9e: {  	_ =	swait.ge [sflag:s22], s20  }
0x9f: {  	s4 =	ssub.s32 $0x0, s20;
	[sflag:s22] =	ssyncset.done $0x0  }
0xa0: {  	[sflag:s22] =	ssyncadd.s32 s4;
	_ =	sdelay $0x1  }
0xa1: {  	s23 =	simm.s32 $0x1B8B  }
0xa2: {  	_ =	swait.ge [sflag:s23], $0x1  }
0xa3: {  	[sflag:s23] =	ssyncset.done $0x0  }
0xa4: {  	s25 =	simm.s32 $0x1B8E;
	s24 =	sld [smem:$0x3FFE];
	[sflag:s23] =	ssyncadd.s32 $0xFFFFFFFF  }
0xa5: {  	s26 =	simm.s32 $execute0_lowered;
	[smem:$0x3FD2] =	sst s25  }
0xa6: {  	s5 =	sshll.u32 s26, $0x1;
	_ =	strace $0x80000046;
	[dreg:$0x1] =	wrdreg $0xFFFFFFFF  }
0xa7: {  	s28 =	simm.s32 $_size_execute0_lowered;
	s3 =	sadd.s32 s3, s5;
	[dreg:$0x0] =	wrdreg $0x0  }
0xa8: {  	s5 =	sshll.u32 s28, $0x1;
	[dreg:$0x2] =	wrdreg s3  }
0xa9: {  	[dreg:$0x3] =	wrdreg s5  }
0xaa: {  	[dreg:$0x4] =	wrdreg $0xC0  }
0xab: {  	_ =	task [dreg:s7], $0x5FFFF  }
0xac: {  	[dreg:$0x1] =	wrdreg $0xFFFFFFFF  }
0xad: {  	[dreg:$0x0] =	wrdreg $0x60  }
0xae: {  	[dreg:$0x2] =	wrdreg s24  }
0xaf: {  	[dreg:$0x3] =	wrdreg s2  }
0xb0: {  	[dreg:$0x4] =	wrdreg $0x0  }
0xb1: {  	[dreg:$0x5] =	wrdreg $0x9  }
0xb2: {  	_ =	task.clear_ibuf [dreg:s7], $0x6FFFF;
	_ =	strace $0x90000046  }
0xb3: {  	s29 =	simm.s32 $0x9;
	_ =	strace $0x80000048  }
0xb4: {  	_ =	swait.ge [sflag:s29], $0x1  }
0xb5: {  	[sflag:s29] =	ssyncadd.s32 $0xFFFFFFFF  }
0xb6: {  	_ =	strace $0x90000048  }
0xb7: {  	_ =	sfence  }
0xb8: {  	s30 =	sld [smem:$0x0];
	_ =	sdelay $0x2  }
0xb9: {  	s31 =	sshll.u32 s1, $0xD;
	s1 =	sshrl.u32 s1, $0x2  }
0xba: {  	s3 =	sand.u32 $0x4000, s31;
	s1 =	sadd.s32 s1, s30  }
0xbb: {  	s0 =	sor.u32 s3, s0;
	s1 =	sshll.u32 s1, $0x11  }
0xbc: {  	s0 =	sor.u32 s1, s0  }
0xbd: {  	s0 =	sadd.s32 $0x8F2B, s0  }
0xbe: {  	[sflag:s0] =	ssyncadd.remote.s32 $0x1  }
0xbf: {  	_ =	sfence.sel $0xFFFF  }
0xc0: {  	[dreg:$0x0] =	wrdreg $0xFFFFFFFF;
	(pc) =	sbr.abs _section_cstart, $3  }
0xc1: {  	[dreg:$0x1] =	wrdreg $0xFFFFFFFF  }
0xc2: {  	_ =	task.clear_ibuf [dreg:s7], $0x2FFFF;
	_ =	strace $0x9FFFFFFF  }
0xc3: {  	(tm) =	ssettm $0x7FFFFFFF  }
tec
execute0_lowered:
.L_overlay_start_1:
0x0: {  	(tag) =	ssettag $0x1  }
0x1: {  	s4 =	rddreg [dreg:$0x0]  }
0x2: {  	s0 =	rddreg [dreg:$0x1];
	s1 =	srdreg.scid  }
0x3: {  	s2 =	rddreg [dreg:$0x2];
	s7 =	stileid.u32;
	s3 =	simm.s32 $0x0  }
0x4: {  	s12 =	simm.s32 $0x1408;
	s15 =	simm.s32 $0x0;
	s6 =	smul.u32 $0x140, s7  }
0x5: {  	s5 =	sand.u32 $0x1, s1;
	s1 =	rddreg [dreg:$0x3];
	s8 =	smul.u32 $0x4E2, s7  }
0x6: {  	[smem:$0x7FF] =	sst s3;
	s9 =	smul.u32 $0x5000, s7;
	s11 =	sadd.s32 $0x14000, s2  }
0x7: {  	p0 =	sne.s32 s7, $0x0;
	s31 =	sshll.u32 s7, $0x6;
	s7 =	simm.s32 $0x1728  }
0x8: {  	s13 =	smul.u32 $0x1400, s5;
	_ =	strace $0x80000047;
	s5 =	ssub.s32 $0x2, s5  }
0x9: {  	s11 =	sshrl.u32 @!p0 s11, $0x3;
	s8 =	sadd.s32 s8, s4;
	s30 =	sshrl.u32 s5, $0x1  }
0xa: {  	s9 =	sshrl.u32 s9, $0x2;
	s6 =	sadd.s32 s6, s13;
	s5 =	ssub.s32 s5, s30  }
0xb: {  	s10 =	sadd.s32 s9, s2;
	s14 =	sadd.s32 $0x1400, s13;
	s9 =	sor.u32 $0x1C01, s31  }
0xc: {  	v0 =	vmov s13;
	s13 =	simm.s32 $0x190;
	s6 =	sshll.u32 s6, $0x1;
	s5 =	smax.u32 s5, $0x1  }
0xd: {  	s10 =	sshrl.u32 s10, $0x3;
	v1 =	vmov s14;
	s14 =	simm.s32 $0x1598;
	s4 =	sadd.s32 s6, s4  }
0xe: {  	s6 =	sadd.s32 $0xE00, s8;
	s8 =	simm.s32 $0x1;
	s4 =	sadd.s32 $0xAE00, s4  }
.LBB2_1:
0xf: {  	[tilespmem:s7], [sflag:$0x1] =	stream.linear.gather [hbm4b:s0+s3], $0x1900, $0x38;
	[tilespmem:$0x3028] =	vst v63  }
0x10: {  	_ =	swait.ge [sflag:s8], $0x1900  }
0x11: {  	[sflag:s8] =	ssyncset.done $0x0  }
0x12: {  	[sflag:s8] =	ssyncadd.s32 $0xFFFFE700  }
0x13: {  	[spmem:s10], [sflag:s9] =	dma.local [hbm:s0], $0x280  }
0x14: {  	_ =	swait.ge [sflag:s8], $0x280  }
0x15: {  	[sflag:s8] =	ssyncset.done $0x0  }
0x16: {  	s16 =	simm.s32 @!p0 $0x1;
	[sflag:s8] =	ssyncadd.s32 $0xFFFFFD80  }
0x17: {  	[spmem:s11], [sflag:s9] =	dma.local @!p0 [hbm:s0], $0x10  }
0x18: {  	_ =	swait.ge @!p0 [sflag:s16], $0x10  }
0x19: {  	[sflag:s16] =	ssyncset.done @!p0 $0x0  }
0x1a: {  	[sflag:s16] =	ssyncadd.s32 @!p0 $0xFFFFFFF0  }
0x1b: {  	s31 =	sadd.s32 $0x0, s6;
	[bflag:$0x0] =	sbarrier.arrive $0xFFFF  }
0x1c: {  	[tilespmem:s12], [sflag:$0x1] =	stream.linear.gather [hbm4b:s31+s3], $0x190, $0x38;
	[tilespmem:$0x3028] =	vst v63  }
0x1d: {  	_ =	swait.ge [sflag:s8], $0x190  }
0x1e: {  	[sflag:s8] =	ssyncset.done $0x0  }
0x1f: {  	[sflag:s8] =	ssyncadd.s32 $0xFFFFFE70  }
0x20: {  	v6 =	vld [tilespmem:$0x1468]  }
0x21: {  	v3 =	vld [tilespmem:$0x1458]  }
0x22: {  	v7 =	vld [tilespmem:$0x1418]  }
0x23: {  	v2 =	vld [tilespmem:$0x1478]  }
0x24: {  	v5 =	vld [tilespmem:$0x1488]  }
0x25: {  	s16 =	simm.s32 $0x32;
	v4 =	vld [tilespmem:$0x1498]  }
.LBB2_2:
0x26: {  	v8 =	vld [tilespmem:$0x14A8]  }
0x27: {  	v9 =	vld [tilespmem:$0x14B8]  }
0x28: {  	v58 =	vld [tilespmem:$0x14C8]  }
0x29: {  	v10 =	vimm.s32 $0x0;
	v12 =	vld [tilespmem:$0x14D8]  }
0x2a: {  	v13 =	vld [tilespmem:$0x14F8];
	vm0 =	vge.s32 v7, v0;
	vm1 =	vlt.s32 v7, v1;
	v7 =	vsub.s32 v7, v0  }
0x2b: {  	v14 =	vld [tilespmem:$0x1508];
	vm14 =	vge.s32 v3, v0;
	vm2 =	vge.s32 v6, v0;
	v11 =	vsub.s32 v6, v0  }
0x2c: {  	v15 =	vld [tilespmem:$0x1518];
	vm4 =	vlt.s32 v6, v1;
	vm3 =	vlt.s32 v2, v1;
	vm8 =	vlt.s32 v5, v1  }
0x2d: {  	v16 =	vld [tilespmem:$0x1528];
	vm10 =	vge.s32 v5, v0;
	vm6 =	vge.s32 v4, v0;
	v17 =	vsub.s32 v4, v0  }
0x2e: {  	v23 =	vld [tilespmem:$0x1448];
	vm13 =	vlt.s32 v4, v1;
	vm1 =	vmand vm0, vm1;
	v10 =	vsel vm14, $0xFFFFFFFF, v10  }
0x2f: {  	v60 =	vld [tilespmem:$0x1578];
	vm9 =	vmand vm2, vm4;
	vm15 =	vlt.s32 v9, v1;
	vm4 =	vlt.s32 v8, v1  }
0x30: {  	v24 =	vld [tilespmem:$0x1438];
	vm5 =	vge.s32 v9, v0;
	vm11 =	vge.s32 v58, v0;
	vm0 =	vlt.s32 v58, v1  }
0x31: {  	vm7 =	vge.s32 v8, v0;
	v9 =	vsub.s32 v9, v0;
	v18 =	vsub.s32 v13, v0  }
0x32: {  	v8 =	vsub.s32 v8, v0;
	vm12 =	vlt.s32 v14, v1;
	vm8 =	vmand vm10, vm8  }
0x33: {  	v22 =	vsub.s32 v12, v0;
	vm14 =	vge.s32 v2, v0;
	v2 =	vsub.s32 v2, v0  }
0x34: {  	vm13 =	vmand vm6, vm13;
	v61 =	vsub.s32 v15, v0;
	v26 =	vsub.s32 v23, v0  }
0x35: {  	v27 =	vsub.s32 v16, v0;
	v62 =	vsub.s32 v60, v0;
	v28 =	vsub.s32 v24, v0  }
0x36: {  	v21 =	vld [tilespmem:$0x1428];
	v7 =	vnsel vm1, $0x1400, v7;
	vm1 =	vlt.s32 v3, v1;
	v3 =	vsub.s32 v3, v0  }
0x37: {  	vm2 =	vmand vm5, vm15;
	vm11 =	vmand vm11, vm0;
	v11 =	vnsel vm9, $0x1400, v11  }
0x38: {  	v19 =	vld [tilespmem:$0x1548];
	vm3 =	vmand vm14, vm3;
	vm14 =	vge.s32 v12, v0;
	vm15 =	vlt.s32 v12, v1  }
0x39: {  	v59 =	vld [tilespmem:$0x1538];
	vm9 =	vge.s32 v15, v0;
	vm0 =	vge.s32 v14, v0;
	vm4 =	vmand vm7, vm4  }
0x3a: {  	v6 =	vld [tilespmem:$0x14E8];
	vm7 =	vge.s32 v13, v0;
	[tilespmem:$0x15A8] =	vst v7;
	v7 =	vsub.s32 v5, v0;
	v5 =	vsub.s32 v58, v0  }
0x3b: {  	v4 =	vld [tilespmem:$0x1558];
	v2 =	vnsel vm3, $0x1400, v2;
	vm3 =	vge.s32 v21, v0;
	vm0 =	vmand vm0, vm12  }
0x3c: {  	vm12 =	vge.s32 v16, v0;
	v9 =	vnsel vm2, $0x1400, v9;
	v5 =	vnsel vm11, $0x1400, v5  }
0x3d: {  	[tilespmem:$0x1FFF0] =	vst v10;
	v7 =	vnsel vm8, $0x1400, v7;
	vm8 =	vlt.s32 v19, v1;
	vm11 =	vlt.s32 v15, v1  }
0x3e: {  	[tilespmem:$0x1608] =	vst v2;
	v2 =	vnsel vm13, $0x1400, v17;
	vm13 =	vmand vm14, vm15;
	vm14 =	vlt.s32 v13, v1  }
0x3f: {  	vm15 =	vlt.s32 v16, v1;
	vm5 =	vlt.s32 v6, v1;
	[tilespmem:$0x1658] =	vst v5;
	vm10 =	vge.s32 v6, v0  }
0x40: {  	v63 =	vld [tilespmem:$0x1FFF0];
	v5 =	vsub.s32 v59, v0;
	[tilespmem:$0x1618] =	vst v7;
	vm6 =	vlt.s32 v4, v1;
	v7 =	vsub.s32 v4, v0  }
0x41: {  	[tilespmem:$0x1628] =	vst v2;
	v2 =	vnsel vm4, $0x1400, v8;
	vm7 =	vmand vm7, vm14;
	vm12 =	vmand vm12, vm15  }
0x42: {  	v20 =	vld [tilespmem:$0x1568];
	[tilespmem:$0x15F8] =	vst v11;
	v8 =	vnsel vm13, $0x1400, v22;
	vm4 =	vge.s32 v24, v0;
	vm13 =	vge.s32 v19, v0  }
0x43: {  	vm14 =	vlt.s32 v59, v1;
	[tilespmem:$0x1638] =	vst v2;
	vm15 =	vmand vm10, vm5;
	v2 =	vsub.s32 v6, v0  }
0x44: {  	[tilespmem:$0x1648] =	vst v9;
	v6 =	vsub.s32 v14, v0;
	vm10 =	vge.s32 v59, v0;
	v2 =	vnsel vm15, $0x1400, v2  }
0x45: {  	[tilespmem:$0x1668] =	vst v8;
	v6 =	vnsel vm0, $0x1400, v6;
	vm15 =	vge.s32 v4, v0;
	vm5 =	vnez.u8 v63  }
0x46: {  	[tilespmem:$0x1698] =	vst v6;
	vm0 =	vmand vm5, vm1;
	vm1 =	vmand vm13, vm8;
	vm5 =	vmand vm9, vm11  }
0x47: {  	[tilespmem:$0x1678] =	vst v2;
	vm8 =	vmand vm15, vm6;
	vm9 =	vge.s32 v20, v0;
	v3 =	vnsel vm0, $0x1400, v3  }
0x48: {  	vm11 =	vlt.s32 v21, v1;
	vm0 =	vmand vm10, vm14;
	v2 =	vnsel vm5, $0x1400, v61;
	[tilespmem:$0x15E8] =	vst v3  }
0x49: {  	v6 =	vld [tilespmem:$0x1408];
	v4 =	vnsel vm0, $0x1400, v5;
	v5 =	vnsel vm8, $0x1400, v7;
	v7 =	vnsel vm7, $0x1400, v18;
	[tilespmem:$0x16A8] =	vst v2  }
0x4a: {  	vm13 =	vge.s32 v60, v0;
	vm15 =	vge.s32 v23, v0;
	v3 =	vsub.s32 v19, v0;
	[tilespmem:$0x1688] =	vst v7  }
0x4b: {  	vm10 =	vlt.s32 v20, v1;
	vm14 =	vlt.s32 v60, v1;
	v3 =	vnsel vm1, $0x1400, v3;
	[tilespmem:$0x16E8] =	vst v5  }
0x4c: {  	vm0 =	vmand vm9, vm10;
	vm8 =	vlt.s32 v23, v1;
	[tilespmem:$0x16D8] =	vst v3;
	v3 =	vnsel vm12, $0x1400, v27  }
0x4d: {  	v25 =	vld [tilespmem:$0x1588];
	v7 =	vsub.s32 v21, v0;
	vm2 =	vmand vm15, vm8;
	[tilespmem:$0x16B8] =	vst v3;
	v3 =	vsub.s32 v20, v0  }
0x4e: {  	[tilespmem:$0x16C8] =	vst v4;
	vm12 =	vmand vm3, vm11;
	vm9 =	vge.s32 v6, v0;
	v2 =	vnsel vm0, $0x1400, v3  }
0x4f: {  	vm10 =	vlt.s32 v6, v1;
	vm11 =	vlt.s32 v24, v1;
	v3 =	vnsel vm12, $0x1400, v7;
	[tilespmem:$0x16F8] =	vst v2  }
0x50: {  	vm1 =	vmand vm9, vm10;
	vm0 =	vmand vm13, vm14;
	[tilespmem:$0x15B8] =	vst v3;
	v3 =	vnsel vm2, $0x1400, v26  }
0x51: {  	vm12 =	vmand vm4, vm11;
	v2 =	vsub.s32 v6, v0;
	[tilespmem:$0x15D8] =	vst v3;
	v3 =	vnsel vm0, $0x1400, v62  }
0x52: {  	vm13 =	vge.s32 v25, v0;
	vm14 =	vlt.s32 v25, v1;
	v2 =	vnsel vm1, $0x1400, v2;
	[tilespmem:$0x1708] =	vst v3  }
0x53: {  	vm15 =	vmand vm13, vm14;
	[tilespmem:$0x1598] =	vst v2;
	v2 =	vnsel vm12, $0x1400, v28;
	v3 =	vsub.s32 v25, v0  }
0x54: {  	[tilespmem:$0x15C8] =	vst v2;
	v2 =	vnsel vm15, $0x1400, v3  }
0x55: {  	[tilespmem:$0x1718] =	vst v2  }
0x56: {  	[spmem:s2] =	stream.indirect.scatter.add.f32 [tilespmem:s7], [sflag:$0x1], $0x10, s14, s13, $0xb8;
	[tilespmem:$0x3028] =	vst v63  }
0x57: {  	_ =	swait.ge [sflag:s8], $0x1900  }
0x58: {  	s17 =	smov.u32 s16;
	[sflag:s8] =	ssyncset.done $0x0  }
0x59: {  	s17 =	sadd.s32 s17, s6;
	[sflag:s8] =	ssyncadd.s32 $0xFFFFE700  }
0x5a: {  	[tilespmem:s12], [sflag:$0x1] =	stream.linear.gather [hbm4b:s17+s3], $0x190, $0x38;
	[tilespmem:$0x3028] =	vst v63  }
0x5b: {  	_ =	swait.ge [sflag:s8], $0x190  }
0x5c: {  	[sflag:s8] =	ssyncset.done $0x0  }
0x5d: {  	[sflag:s8] =	ssyncadd.s32 $0xFFFFFE70  }
0x5e: {  	p1 =	sne.s32 s16, $0x4B0;
	v6 =	vld [tilespmem:$0x1468]  }
.Ltmp0:
0x5f: {  	v3 =	vld [tilespmem:$0x1458];
	(pc) =	sbr.rel @p1 .LBB2_2-.Ltmp0, $4  }
0x60: {  	v7 =	vld [tilespmem:$0x1418]  }
0x61: {  	v2 =	vld [tilespmem:$0x1478]  }
0x62: {  	v5 =	vld [tilespmem:$0x1488]  }
0x63: {  	s16 =	sadd.s32 $0x32, s16;
	v4 =	vld [tilespmem:$0x1498]  }
0x64: {  	v8 =	vld [tilespmem:$0x14B8];
	vm12 =	vge.s32 v6, v0  }
0x65: {  	v9 =	vld [tilespmem:$0x14C8];
	v11 =	vsub.s32 v6, v0;
	vm0 =	vge.s32 v7, v0;
	vm1 =	vlt.s32 v7, v1  }
0x66: {  	vm13 =	vlt.s32 v6, v1;
	v12 =	vld [tilespmem:$0x1508];
	v38 =	vsub.s32 v7, v0;
	vm0 =	vmand vm0, vm1  }
0x67: {  	v42 =	vld [tilespmem:$0x14D8];
	vm2 =	vlt.s32 v2, v1;
	vm1 =	vmand vm12, vm13;
	vm10 =	vge.s32 v2, v0  }
0x68: {  	v14 =	vld [tilespmem:$0x1528];
	v2 =	vsub.s32 v2, v0;
	v7 =	vnsel vm0, $0x1400, v38;
	v39 =	vsub.s32 v5, v0  }
0x69: {  	v43 =	vld [tilespmem:$0x14F8];
	vm3 =	vlt.s32 v5, v1;
	vm15 =	vge.s32 v5, v0;
	v41 =	vnsel vm1, $0x1400, v11  }
0x6a: {  	v16 =	vld [tilespmem:$0x1538];
	vm2 =	vmand vm10, vm2;
	vm8 =	vge.s32 v4, v0;
	v13 =	vsub.s32 v4, v0  }
0x6b: {  	v17 =	vld [tilespmem:$0x1548];
	vm3 =	vmand vm15, vm3;
	vm9 =	vlt.s32 v4, v1;
	v2 =	vnsel vm2, $0x1400, v2  }
0x6c: {  	v45 =	vld [tilespmem:$0x1558];
	vm14 =	vlt.s32 v8, v1;
	vm4 =	vge.s32 v8, v0;
	vm5 =	vge.s32 v9, v0  }
0x6d: {  	v18 =	vld [tilespmem:$0x1428];
	vm6 =	vlt.s32 v9, v1;
	v40 =	vsub.s32 v9, v0;
	v6 =	vnsel vm3, $0x1400, v39  }
0x6e: {  	v52 =	vld [tilespmem:$0x1578];
	vm11 =	vlt.s32 v12, v1;
	vm1 =	vmand vm8, vm9;
	vm12 =	vge.s32 v12, v0  }
0x6f: {  	v55 =	vld [tilespmem:$0x1408];
	vm13 =	vge.s32 v42, v0;
	vm7 =	vge.s32 v14, v0;
	vm15 =	vlt.s32 v43, v1  }
0x70: {  	v10 =	vld [tilespmem:$0x14A8];
	vm9 =	vge.s32 v43, v0;
	vm10 =	vlt.s32 v14, v1;
	v11 =	vsub.s32 v42, v0  }
0x71: {  	v8 =	vsub.s32 v8, v0;
	v4 =	vsub.s32 v43, v0;
	v47 =	vsub.s32 v16, v0  }
0x72: {  	v15 =	vld [tilespmem:$0x14E8];
	v12 =	vsub.s32 v12, v0;
	v50 =	vsub.s32 v17, v0;
	v51 =	vsub.s32 v45, v0  }
0x73: {  	v53 =	vsub.s32 v14, v0;
	v57 =	vsub.s32 v18, v0;
	v61 =	vsub.s32 v52, v0  }
0x74: {  	v49 =	vld [tilespmem:$0x1568];
	v63 =	vsub.s32 v55, v0;
	vm0 =	vmand vm4, vm14;
	vm5 =	vmand vm5, vm6  }
0x75: {  	vm6 =	vlt.s32 v10, v1;
	vm4 =	vge.s32 v10, v0;
	v10 =	vsub.s32 v10, v0  }
0x76: {  	vm3 =	vmand vm12, vm11;
	vm14 =	vlt.s32 v42, v1;
	v13 =	vnsel vm1, $0x1400, v13  }
0x77: {  	[tilespmem:$0x15A8] =	vst v7;
	vm1 =	vmand vm9, vm15;
	vm11 =	vlt.s32 v15, v1;
	vm2 =	vmand vm7, vm10  }
0x78: {  	v46 =	vld [tilespmem:$0x1518];
	[tilespmem:$0x15F8] =	vst v41;
	vm12 =	vge.s32 v15, v0;
	v15 =	vsub.s32 v15, v0;
	vm15 =	vlt.s32 v17, v1  }
0x79: {  	[tilespmem:$0x1608] =	vst v2;
	vm9 =	vge.s32 v16, v0;
	vm10 =	vlt.s32 v16, v1;
	vm7 =	vge.s32 v49, v0  }
0x7a: {  	[tilespmem:$0x1618] =	vst v6;
	v5 =	vnsel vm5, $0x1400, v40;
	vm5 =	vmand vm13, vm14;
	vm8 =	vmand vm4, vm6  }
0x7b: {  	vm4 =	vmand vm12, vm11;
	vm13 =	vge.s32 v3, v0;
	vm14 =	vlt.s32 v3, v1;
	[tilespmem:$0x1628] =	vst v13  }
0x7c: {  	v3 =	vsub.s32 v3, v0;
	v48 =	vnsel vm3, $0x1400, v12;
	v2 =	vnsel vm0, $0x1400, v8;
	[tilespmem:$0x1658] =	vst v5  }
0x7d: {  	vm11 =	vlt.s32 v45, v1;
	vm12 =	vge.s32 v46, v0;
	v54 =	vnsel vm2, $0x1400, v53;
	[tilespmem:$0x1698] =	vst v48  }
0x7e: {  	v4 =	vnsel vm1, $0x1400, v4;
	v8 =	vsub.s32 v49, v0;
	v10 =	vnsel vm8, $0x1400, v10;
	[tilespmem:$0x1648] =	vst v2  }
0x7f: {  	v11 =	vnsel vm5, $0x1400, v11;
	v44 =	vnsel vm4, $0x1400, v15;
	vm4 =	vmand vm13, vm14;
	[tilespmem:$0x16B8] =	vst v54  }
0x80: {  	vm8 =	vge.s32 v17, v0;
	vm13 =	vlt.s32 v46, v1;
	vm14 =	vge.s32 v18, v0;
	[tilespmem:$0x1688] =	vst v4  }
0x81: {  	v5 =	vsub.s32 v46, v0;
	v3 =	vnsel vm4, $0x1400, v3;
	vm0 =	vmand vm8, vm15;
	[tilespmem:$0x1638] =	vst v10  }
0x82: {  	v56 =	vld [tilespmem:$0x1438];
	vm4 =	vmand vm9, vm10;
	vm15 =	vge.s32 v45, v0;
	[tilespmem:$0x1668] =	vst v11;
	vm8 =	vlt.s32 v49, v1  }
0x83: {  	v60 =	vld [tilespmem:$0x1588];
	[tilespmem:$0x1678] =	vst v44;
	vm9 =	vlt.s32 v18, v1;
	vm10 =	vge.s32 v52, v0;
	v10 =	vnsel vm0, $0x1400, v50  }
0x84: {  	v2 =	vld [tilespmem:$0x1448];
	vm0 =	vmand vm12, vm13;
	[tilespmem:$0x15E8] =	vst v3;
	v3 =	vnsel vm4, $0x1400, v47;
	vm3 =	vmand vm15, vm11  }
0x85: {  	vm1 =	vmand vm14, vm9;
	vm11 =	vlt.s32 v52, v1;
	vm14 =	vge.s32 v55, v0;
	[tilespmem:$0x16D8] =	vst v10  }
0x86: {  	vm15 =	vlt.s32 v55, v1;
	v5 =	vnsel vm0, $0x1400, v5;
	vm0 =	vmand vm7, vm8;
	[tilespmem:$0x16C8] =	vst v3  }
0x87: {  	v6 =	vnsel vm3, $0x1400, v51;
	v59 =	vnsel vm1, $0x1400, v57;
	vm9 =	vmand vm14, vm15;
	[tilespmem:$0x16A8] =	vst v5  }
0x88: {  	vm14 =	vlt.s32 v60, v1;
	v58 =	vnsel vm0, $0x1400, v8;
	vm0 =	vmand vm10, vm11;
	[tilespmem:$0x15B8] =	vst v59  }
0x89: {  	[tilespmem:$0x16E8] =	vst v6;
	vm10 =	vge.s32 v56, v0;
	vm12 =	vge.s32 v2, v0;
	vm13 =	vlt.s32 v2, v1  }
0x8a: {  	v3 =	vnsel vm9, $0x1400, v63;
	[tilespmem:$0x16F8] =	vst v58;
	v2 =	vsub.s32 v2, v0;
	vm8 =	vmand vm12, vm13  }
0x8b: {  	vm11 =	vlt.s32 v56, v1;
	[tilespmem:$0x1598] =	vst v3;
	vm13 =	vge.s32 v60, v0;
	v2 =	vnsel vm8, $0x1400, v2  }
0x8c: {  	v3 =	vsub.s32 v60, v0;
	vm15 =	vmand vm13, vm14;
	[tilespmem:$0x15D8] =	vst v2;
	v2 =	vnsel vm0, $0x1400, v61  }
0x8d: {  	v62 =	vsub.s32 v56, v0;
	vm12 =	vmand vm10, vm11;
	v3 =	vnsel vm15, $0x1400, v3;
	[tilespmem:$0x1708] =	vst v2  }
0x8e: {  	v2 =	vnsel vm12, $0x1400, v62;
	[tilespmem:$0x1718] =	vst v3  }
0x8f: {  	[tilespmem:$0x15C8] =	vst v2  }
0x90: {  	[spmem:s2] =	stream.indirect.scatter.add.f32 [tilespmem:s7], [sflag:$0x1], $0x10, s14, s13, $0xb8;
	[tilespmem:$0x3028] =	vst v63  }
0x91: {  	_ =	swait.ge [sflag:s8], $0x1900  }
0x92: {  	s15 =	sadd.s32 $0x1, s15;
	[sflag:s8] =	ssyncset.done $0x0  }
0x93: {  	p1 =	sne.s32 s15, s5;
	[sflag:s8] =	ssyncadd.s32 $0xFFFFE700  }
.Ltmp1:
0x94: {  	[bflag:$0x0] =	sbarrier.arrive $0xFFFF;
	(pc) =	sbr.rel @p1 .LBB2_1-.Ltmp1, $4  }
0x95: {  	[hbm:s4], [sflag:s9] =	dma.local [spmem:s10], $0x280  }
0x96: {  	_ =	swait.ge [sflag:s8], $0x280  }
0x97: {  	[sflag:s8] =	ssyncset.done $0x0  }
0x98: {  	[sflag:s8] =	ssyncadd.s32 $0xFFFFFD80  }
0x99: {  	_ =	sfence.sel $0x180000  }
0x9a: {  	[bflag:$0x0] =	sbarrier.arrive $0xFFFF  }
0x9b: {  	_ =	strace $0x90000047  }
0x9c: {  	s0 =	sadd.s32 @!p0 $0x100000, s1;
	[bflag:$0x2] =	sbarrier.arrive $0xFFFF  }
0x9d: {  	[sflag:s0] =	ssyncadd.tile.s32 @!p0 $0x1;
	_ =	shalt  }
.Lfunc_end2:
_tile_overlayer_lowered:
.L_overlay_start_2:
0x9e: {  	(tag) =	ssettag $0x2  }
0x9f: {  	s0 =	rddreg [dreg:$0x0];
	s2 =	stileid.u32  }
0xa0: {  	s1 =	rddreg [dreg:$0x1];
	p0 =	sne.s32 s2, $0x0  }
0xa1: {  	s3 =	rddreg [dreg:$0x2];
	[bflag:$0x3] =	sbarrier.arrive $0xFFFF;
	s2 =	simm.s32 @!p0 $0x1C01  }
0xa2: {  	[timem:s3], [sflag:s2] =	dma.local @!p0 [hbm:s0], s1  }
0xa3: {  	s0 =	simm.s32 @!p0 $0x1  }
0xa4: {  	_ =	swait.ge @!p0 [sflag:s0], s1  }
0xa5: {  	s1 =	ssub.s32 @!p0 $0x0, s1;
	[sflag:s0] =	ssyncset.done @!p0 $0x0  }
0xa6: {  	[sflag:s0] =	ssyncadd.s32 @!p0 s1  }
0xa7: {  	[bflag:$0x3] =	sbarrier.arrive $0xFFFF  }
0xa8: {  	_ =	shalt  }

</sc_bundles>
